<compile_context>
chip_gen: v7x
topology: tpu7x:2x2x1
jax: 0.10.2.dev20260603
libtpu: 0.0.44.dev20260713+nightly
codegen_flags: <defaults>
</compile_context>

<pallas_src>
import functools

import jax
import jax.numpy as jnp
from jax import lax
from jax.experimental import pallas as pl
from jax.experimental.pallas import tpu as pltpu
from jax.experimental.pallas import tpu_sc as plsc

E = 1_600_000
R = 19
NT = 16
NW = 32
NBLK = E // 128
CBLK = 14
C = CBLK * 128
NCH = 28
G = C // 16

_LN2 = 0.6931471805599453
_BOHR = 1.8897259886
_RS = 6.0
_WINV = 5.0


def _lnpoly(z):
    z2 = z * z
    return z * (2.0 + z2 * (0.6666666666 + z2 * (0.4 + z2 * 0.2857142857)))


def _ln16(x):
    bits = lax.bitcast_convert_type(x, jnp.int32)
    e = (bits >> 23) - 127
    m = lax.bitcast_convert_type((bits & 0x007FFFFF) | 0x3F800000, jnp.float32)
    big = m > 1.4142135623730951
    m = jnp.where(big, m * 0.5, m)
    ef = e.astype(jnp.float32) + jnp.where(big, 1.0, 0.0)
    z = (m - 1.0) / (m + 1.0)
    return ef * _LN2 + _lnpoly(z)


def _body(et_hbm, en_hbm, rij_hbm, tab_hbm, r0p_hbm, out_hbm,
          tab_v, lr0_v,
          etA, en0A, en1A, rijA, outA,
          etB, en0B, en1B, rijB, outB,
          sinA, sinB, soutA, soutB):
    cid = lax.axis_index("c")
    sid = lax.axis_index("s")
    wid = sid * 2 + cid

    pltpu.sync_copy(tab_hbm, tab_v)
    pltpu.sync_copy(r0p_hbm, lr0_v)

    lr0_v[...] = _ln16(lr0_v[...])

    pkc = []
    for k in range(R):
        a1 = tab_v[pl.ds((2 * k) * 16, 16)]
        a2 = tab_v[pl.ds((2 * k + 1) * 16, 16)]
        hi = (lax.bitcast_convert_type(a1, jnp.int32) + 0x8000) & jnp.int32(-65536)
        lo = ((lax.bitcast_convert_type(jnp.abs(a2), jnp.int32) + 0x8000) >> 16) & 0xFFFF
        pkc.append(hi | lo)

    nb0 = (wid * (NBLK // 4)) >> 3
    nb1 = ((wid + 1) * (NBLK // 4)) >> 3
    gsm = lax.GatherScatterMode.PROMISE_IN_BOUNDS

    def cb_of(c):
        return jnp.minimum(nb0 + c * CBLK, nb1 - CBLK) * 128

    def issue_in(c, et_v, en0_v, en1_v, rij_v, sem):
        cb = cb_of(c)
        pltpu.async_copy(et_hbm.at[pl.ds(cb, C)], et_v, sem)
        pltpu.async_copy(en_hbm.at[0, pl.ds(cb, C)], en0_v, sem)
        pltpu.async_copy(en_hbm.at[1, pl.ds(cb, C)], en1_v, sem)
        pltpu.async_copy(rij_hbm.at[pl.ds(cb, C)], rij_v, sem)

    def wait_in(et_v, en0_v, en1_v, rij_v, sem):
        pltpu.make_async_copy(et_hbm.at[pl.ds(0, C)], et_v, sem).wait()
        pltpu.make_async_copy(en_hbm.at[0, pl.ds(0, C)], en0_v, sem).wait()
        pltpu.make_async_copy(en_hbm.at[1, pl.ds(0, C)], en1_v, sem).wait()
        pltpu.make_async_copy(rij_hbm.at[pl.ds(0, C)], rij_v, sem).wait()

    def issue_out(c, out_v, sem):
        pltpu.async_copy(out_v, out_hbm.at[:, pl.ds(cb_of(c), C)], sem)

    def wait_out(out_v, sem):
        pltpu.make_async_copy(out_v, out_hbm.at[:, pl.ds(0, C)], sem).wait()

    def compute(et_v, en0_v, en1_v, rij_v, out_v):
        def group(g):
            o = pl.multiple_of(g * 16, 16)
            et = et_v[pl.ds(o, 16)]
            n0 = en0_v[pl.ds(o, 16)]
            n1 = en1_v[pl.ds(o, 16)]
            rij = rij_v[pl.ds(o, 16)]
            lr0 = plsc.load_gather(lr0_v, [n0 * 4 + n1])
            lrr = lr0 - _ln16(rij)
            fc = 1.0 / (1.0 + jnp.exp((rij - _RS) * _WINV))
            for k in range(R):
                pk = pkc[k].at[et].get(mode=gsm)
                a1 = lax.bitcast_convert_type(pk & jnp.int32(-65536), jnp.float32)
                e2m1 = lax.bitcast_convert_type(pk << 16, jnp.float32)
                y = a1 * fc * jnp.exp(lrr + e2m1 * lrr)
                out_v[k, pl.ds(o, 16)] = y

        plsc.parallel_loop(0, G, 1, unroll=4)(group)

    bufA = (etA, en0A, en1A, rijA)
    bufB = (etB, en0B, en1B, rijB)

    issue_in(0, *bufA, sinA)

    def big(c2, carry):
        c0 = c2 * 2
        c1 = c0 + 1
        wait_in(*bufA, sinA)
        issue_in(c1, *bufB, sinB)

        @pl.when(c2 > 0)
        def _():
            wait_out(outA, soutA)

        compute(*bufA, outA)
        issue_out(c0, outA, soutA)

        wait_in(*bufB, sinB)

        @pl.when(c2 < NCH // 2 - 1)
        def _():
            issue_in(c0 + 2, *bufA, sinA)

        @pl.when(c2 > 0)
        def _():
            wait_out(outB, soutB)

        compute(*bufB, outB)
        issue_out(c1, outB, soutB)
        return carry

    lax.fori_loop(0, NCH // 2, big, 0)
    wait_out(outA, soutA)
    wait_out(outB, soutB)


_sk = functools.partial(
    pl.kernel,
    out_type=jax.ShapeDtypeStruct((R, E), jnp.float32),
    mesh=plsc.VectorSubcoreMesh(core_axis_name="c", subcore_axis_name="s"),
    compiler_params=pltpu.CompilerParams(
        needs_layout_passes=False, use_tc_tiling_on_sc=True),
    scratch_types=[
        pltpu.VMEM((2 * R * 16,), jnp.float32),
        pltpu.VMEM((16,), jnp.float32),
        pltpu.VMEM((C,), jnp.int32),
        pltpu.VMEM((C,), jnp.int32),
        pltpu.VMEM((C,), jnp.int32),
        pltpu.VMEM((C,), jnp.float32),
        pltpu.VMEM((R, C), jnp.float32),
        pltpu.VMEM((C,), jnp.int32),
        pltpu.VMEM((C,), jnp.int32),
        pltpu.VMEM((C,), jnp.int32),
        pltpu.VMEM((C,), jnp.float32),
        pltpu.VMEM((R, C), jnp.float32),
        pltpu.SemaphoreType.DMA,
        pltpu.SemaphoreType.DMA,
        pltpu.SemaphoreType.DMA,
        pltpu.SemaphoreType.DMA,
    ],
)(_body)


def kernel(edge_type, edge_number, rij, hopping_param, atomic_radius):
    tabT = jnp.transpose(hopping_param, (1, 2, 0)).reshape(2 * R * NT)
    r0p = ((atomic_radius[:, None] + atomic_radius[None, :]) / _BOHR).reshape(NT)
    out = _sk(edge_type, edge_number, rij, tabT, r0p)
    return out.T

# --- scband reference (transcript-rebuilt; emitter-appended) ---
"""Pipeline reference for scband-nnsk-42073499631885 (READ-ONLY COPY).

The authoritative reference and input builder live on the scoring server;
editing this copy changes nothing except your own understanding.
"""

import jax, jax.numpy as jnp
import numpy as np

E = 1_600_000          # number of edges (bonds)
N_BOND_TYPES = 16      # len(idp_sk.bond_types) for 4 atom types
N_ATOM_TYPES = 4
R_ELEM = 19            # idp_sk.reduced_matrix_element (SK integrals)
NUM_PARAS = 2          # powerlaw hopping formula: [alpha, beta]
RS = 6.0               # hopping_options['rs']
W = 0.2                # hopping_options['w']
BOHR = 1.8897259886


def setup_inputs(seed: int = 0) -> dict:
    key = jax.random.key(seed)
    k1, k2, k3, k4 = jax.random.split(key, 4)
    # per-edge bond type index (which row of the hopping parameter table)
    edge_type = jax.random.randint(k1, (E,), 0, N_BOND_TYPES, dtype=jnp.int32)
    # per-edge endpoint atom-type indices (maps into atomic radius table)
    edge_number = jax.random.randint(k2, (2, E), 0, N_ATOM_TYPES, dtype=jnp.int32)
    # per-edge bond lengths in [1, 6) angstrom
    rij = 1.0 + 5.0 * jax.random.uniform(k3, (E,), dtype=jnp.float32)
    # learned SK hopping parameter table: [n_bond_types, reduced_matrix_element, num_paras]
    hopping_param = 0.01 * jax.random.normal(k4, (N_BOND_TYPES, R_ELEM, NUM_PARAS), dtype=jnp.float32)
    # fixed covalent atomic radii buffer (H, C, O, Si), non-trainable
    atomic_radius = jnp.array([0.32, 0.77, 0.73, 1.11], dtype=jnp.float32)
    return {
        "edge_type": edge_type,
        "edge_number": edge_number,
        "rij": rij,
        "hopping_param": hopping_param,
        "atomic_radius": atomic_radius,
    }


def reference(edge_type, edge_number, rij, hopping_param, atomic_radius):
    # Embedding lookup: gather per-bond-type SK parameters for every edge.
    paras = jnp.take(hopping_param, edge_type, axis=0)   # [E, R_ELEM, 2]
    alpha1 = paras[..., 0]                                # [E, R_ELEM]
    alpha2 = paras[..., 1]                                # [E, R_ELEM]
    # Gather reference bond length r0 from atomic radius table via endpoint types.
    r0 = atomic_radius[edge_number[0]] + atomic_radius[edge_number[1]]  # [E]
    r0 = r0 / BOHR
    rr = (r0 / rij)[:, None]                              # [E, 1]
    # smooth cutoff
    fcut = 1.0 / (1.0 + jnp.exp((rij - RS) / W))          # [E]
    # powerlaw SK hopping: alpha1 * (r0/r)^(1+|alpha2|) * fcut
    out = alpha1 * rr ** (1.0 + jnp.abs(alpha2)) * fcut[:, None]  # [E, R_ELEM]
    return out

if __name__ == "__main__":
    import jax
    _d = setup_inputs()
    print(jax.jit(kernel)(*tuple(_d.values())))

</pallas_src>

<mosaic_0001>
#map = affine_map<(d0, d1) -> (0)>
#map1 = affine_map<(d0, d1) -> (0, 0)>
module attributes {stable_mosaic.version = 14 : i64} {
  func.func @_body(%arg0: i32, %arg1: i32, %arg2: memref<1600000xi32, #tpu.memory_space<hbm>>, %arg3: memref<2x1600000xi32, #tpu.memory_space<hbm>>, %arg4: memref<1600000xf32, #tpu.memory_space<hbm>>, %arg5: memref<608xf32, #tpu.memory_space<hbm>>, %arg6: memref<16xf32, #tpu.memory_space<hbm>>, %arg7: memref<19x1600000xf32, #tpu.memory_space<hbm>>, %arg8: memref<608xf32, #tpu.memory_space<vmem>>, %arg9: memref<16xf32, #tpu.memory_space<vmem>>, %arg10: memref<1792xi32, #tpu.memory_space<vmem>>, %arg11: memref<1792xi32, #tpu.memory_space<vmem>>, %arg12: memref<1792xi32, #tpu.memory_space<vmem>>, %arg13: memref<1792xf32, #tpu.memory_space<vmem>>, %arg14: memref<19x1792xf32, #tpu.memory_space<vmem>>, %arg15: memref<1792xi32, #tpu.memory_space<vmem>>, %arg16: memref<1792xi32, #tpu.memory_space<vmem>>, %arg17: memref<1792xi32, #tpu.memory_space<vmem>>, %arg18: memref<1792xf32, #tpu.memory_space<vmem>>, %arg19: memref<19x1792xf32, #tpu.memory_space<vmem>>, %arg20: memref<!tpu.dma_semaphore, #tpu.memory_space<semaphore_mem>>, %arg21: memref<!tpu.dma_semaphore, #tpu.memory_space<semaphore_mem>>, %arg22: memref<!tpu.dma_semaphore, #tpu.memory_space<semaphore_mem>>, %arg23: memref<!tpu.dma_semaphore, #tpu.memory_space<semaphore_mem>>) attributes {dimension_semantics = [#tpu.dimension_semantics<core_parallel>, #tpu.dimension_semantics<subcore_parallel>], iteration_bounds = array<i64: 2, 16>, scalar_prefetch = 0 : i64, scratch_operands = 16 : i64, tpu.core_type = #tpu.core_type<sc_vector_subcore>, window_params = [{transform_indices = #map}, {transform_indices = #map1}, {transform_indices = #map}, {transform_indices = #map}, {transform_indices = #map}, {transform_indices = #map1}]} {
    %mul3A = arith.constant 2 : i32
    %mul3A_0 = arith.muli %arg1, %mul3A : i32
    %add3A = arith.addi %mul3A_0, %arg0 : i32
    "tpu.region"() ({
      %run_scoped3A = tpu.sem_alloc : memref<!tpu.dma_semaphore, #tpu.memory_space<semaphore_mem>>
      tpu.enqueue_dma source(%arg5 : memref<608xf32, #tpu.memory_space<hbm>>) target(%arg8 : memref<608xf32, #tpu.memory_space<vmem>>) target_semaphore(%run_scoped3A : memref<!tpu.dma_semaphore, #tpu.memory_space<semaphore_mem>>)
      tpu.wait_dma2 semaphore(%run_scoped3A : memref<!tpu.dma_semaphore, #tpu.memory_space<semaphore_mem>>) src(%arg5 : memref<608xf32, #tpu.memory_space<hbm>>) dst(%arg8 : memref<608xf32, #tpu.memory_space<vmem>>)
      tpu.yield
    }) : () -> ()
    "tpu.region"() ({
      %run_scoped3A = tpu.sem_alloc : memref<!tpu.dma_semaphore, #tpu.memory_space<semaphore_mem>>
      tpu.enqueue_dma source(%arg6 : memref<16xf32, #tpu.memory_space<hbm>>) target(%arg9 : memref<16xf32, #tpu.memory_space<vmem>>) target_semaphore(%run_scoped3A : memref<!tpu.dma_semaphore, #tpu.memory_space<semaphore_mem>>)
      tpu.wait_dma2 semaphore(%run_scoped3A : memref<!tpu.dma_semaphore, #tpu.memory_space<semaphore_mem>>) src(%arg6 : memref<16xf32, #tpu.memory_space<hbm>>) dst(%arg9 : memref<16xf32, #tpu.memory_space<vmem>>)
      tpu.yield
    }) : () -> ()
    %get3A = arith.constant 0 : index
    %get3A_1 = tpu.vector_load %arg9[%get3A] {strides = array<i32>} : memref<16xf32, #tpu.memory_space<vmem>>, vector<16xf32>,
    %bitcast_convert_type3A = tpu.bitcast %get3A_1 : vector<16xf32> -> vector<16xi32>
    %shift_right_arithmetic3A = arith.constant 23 : i32
    %shift_right_arithmetic3A_2 = vector.broadcast %shift_right_arithmetic3A : i32 to vector<16xi32>
    %shift_right_arithmetic3A_3 = arith.shrsi %bitcast_convert_type3A, %shift_right_arithmetic3A_2 : vector<16xi32>
    %sub3A = arith.constant 127 : i32
    %sub3A_4 = vector.broadcast %sub3A : i32 to vector<16xi32>
    %sub3A_5 = arith.subi %shift_right_arithmetic3A_3, %sub3A_4 : vector<16xi32>
    %and3A = arith.constant 8388607 : i32
    %and3A_6 = vector.broadcast %and3A : i32 to vector<16xi32>
    %and3A_7 = arith.andi %bitcast_convert_type3A, %and3A_6 : vector<16xi32>
    %or3A = arith.constant 1065353216 : i32
    %or3A_8 = vector.broadcast %or3A : i32 to vector<16xi32>
    %or3A_9 = arith.ori %and3A_7, %or3A_8 : vector<16xi32>
    %bitcast_convert_type3A_10 = tpu.bitcast %or3A_9 : vector<16xi32> -> vector<16xf32>
    %gt3A = arith.constant 1.41421354 : f32
    %gt3A_11 = vector.broadcast %gt3A : f32 to vector<16xf32>
    %gt3A_12 = arith.cmpf ogt, %bitcast_convert_type3A_10, %gt3A_11 : vector<16xf32>
    %mul3A_13 = arith.constant 5.000000e-01 : f32
    %mul3A_14 = vector.broadcast %mul3A_13 : f32 to vector<16xf32>
    %mul3A_15 = arith.mulf %bitcast_convert_type3A_10, %mul3A_14 : vector<16xf32>
    %select_n3A = arith.select %gt3A_12, %mul3A_15, %bitcast_convert_type3A_10 : vector<16xi1>, vector<16xf32>
    %convert_element_type3A = arith.sitofp %sub3A_5 : vector<16xi32> to vector<16xf32>
    %jit3A = arith.constant 1.000000e+00 : f32
    %jit3A_16 = arith.constant 0.000000e+00 : f32
    %broadcast_in_dim3A = vector.broadcast %jit3A : f32 to vector<16xf32>
    %broadcast_in_dim3A_17 = vector.broadcast %jit3A_16 : f32 to vector<16xf32>
    %select_n3A_18 = arith.select %gt3A_12, %broadcast_in_dim3A, %broadcast_in_dim3A_17 : vector<16xi1>, vector<16xf32>
    %add3A_19 = arith.addf %convert_element_type3A, %select_n3A_18 : vector<16xf32>
    %sub3A_20 = arith.constant 1.000000e+00 : f32
    %sub3A_21 = vector.broadcast %sub3A_20 : f32 to vector<16xf32>
    %sub3A_22 = arith.subf %select_n3A, %sub3A_21 : vector<16xf32>
    %add3A_23 = arith.constant 1.000000e+00 : f32
    %add3A_24 = vector.broadcast %add3A_23 : f32 to vector<16xf32>
    %add3A_25 = arith.addf %select_n3A, %add3A_24 : vector<16xf32>
    %div3A = arith.divf %sub3A_22, %add3A_25 : vector<16xf32>
    %mul3A_26 = arith.constant 0.693147182 : f32
    %mul3A_27 = vector.broadcast %mul3A_26 : f32 to vector<16xf32>
    %mul3A_28 = arith.mulf %add3A_19, %mul3A_27 : vector<16xf32>
    %mul3A_29 = arith.mulf %div3A, %div3A : vector<16xf32>
    %mul3A_30 = arith.constant 0.285714298 : f32
    %mul3A_31 = vector.broadcast %mul3A_30 : f32 to vector<16xf32>
    %mul3A_32 = arith.mulf %mul3A_29, %mul3A_31 : vector<16xf32>
    %add3A_33 = arith.constant 4.000000e-01 : f32
    %add3A_34 = vector.broadcast %add3A_33 : f32 to vector<16xf32>
    %add3A_35 = arith.addf %add3A_34, %mul3A_32 : vector<16xf32>
    %mul3A_36 = arith.mulf %mul3A_29, %add3A_35 : vector<16xf32>
    %add3A_37 = arith.constant 0.666666686 : f32
    %add3A_38 = vector.broadcast %add3A_37 : f32 to vector<16xf32>
    %add3A_39 = arith.addf %add3A_38, %mul3A_36 : vector<16xf32>
    %mul3A_40 = arith.mulf %mul3A_29, %add3A_39 : vector<16xf32>
    %add3A_41 = arith.constant 2.000000e+00 : f32
    %add3A_42 = vector.broadcast %add3A_41 : f32 to vector<16xf32>
    %add3A_43 = arith.addf %add3A_42, %mul3A_40 : vector<16xf32>
    %mul3A_44 = arith.mulf %div3A, %add3A_43 : vector<16xf32>
    %add3A_45 = arith.addf %mul3A_28, %mul3A_44 : vector<16xf32>
    %swap3A = arith.constant 0 : index
    %swap3A_46 = tpu.vector_load %arg9[%swap3A] {strides = array<i32>} : memref<16xf32, #tpu.memory_space<vmem>>, vector<16xf32>,
    tpu.vector_store %arg9[%swap3A], %add3A_45 {strides = array<i32>} : memref<16xf32, #tpu.memory_space<vmem>>, vector<16xf32>,
    %get3A_47 = arith.constant 0 : index
    %get3A_48 = tpu.vector_load %arg8[%get3A_47] {strides = array<i32>} : memref<608xf32, #tpu.memory_space<vmem>>, vector<16xf32>,
    %get3A_49 = arith.constant 16 : index
    %get3A_50 = tpu.vector_load %arg8[%get3A_49] {strides = array<i32>} : memref<608xf32, #tpu.memory_space<vmem>>, vector<16xf32>,
    %bitcast_convert_type3A_51 = tpu.bitcast %get3A_48 : vector<16xf32> -> vector<16xi32>
    %add3A_52 = arith.constant 32768 : i32
    %add3A_53 = vector.broadcast %add3A_52 : i32 to vector<16xi32>
    %add3A_54 = arith.addi %bitcast_convert_type3A_51, %add3A_53 : vector<16xi32>
    %and3A_55 = arith.constant -65536 : i32
    %and3A_56 = vector.broadcast %and3A_55 : i32 to vector<16xi32>
    %and3A_57 = arith.andi %add3A_54, %and3A_56 : vector<16xi32>
    %abs3A = math.absf %get3A_50 : vector<16xf32>
    %bitcast_convert_type3A_58 = tpu.bitcast %abs3A : vector<16xf32> -> vector<16xi32>
    %add3A_59 = arith.constant 32768 : i32
    %add3A_60 = vector.broadcast %add3A_59 : i32 to vector<16xi32>
    %add3A_61 = arith.addi %bitcast_convert_type3A_58, %add3A_60 : vector<16xi32>
    %shift_right_arithmetic3A_62 = arith.constant 16 : i32
    %shift_right_arithmetic3A_63 = vector.broadcast %shift_right_arithmetic3A_62 : i32 to vector<16xi32>
    %shift_right_arithmetic3A_64 = arith.shrsi %add3A_61, %shift_right_arithmetic3A_63 : vector<16xi32>
    %and3A_65 = arith.constant 65535 : i32
    %and3A_66 = vector.broadcast %and3A_65 : i32 to vector<16xi32>
    %and3A_67 = arith.andi %shift_right_arithmetic3A_64, %and3A_66 : vector<16xi32>
    %or3A_68 = arith.ori %and3A_57, %and3A_67 : vector<16xi32>
    %get3A_69 = arith.constant 32 : index
    %get3A_70 = tpu.vector_load %arg8[%get3A_69] {strides = array<i32>} : memref<608xf32, #tpu.memory_space<vmem>>, vector<16xf32>,
    %get3A_71 = arith.constant 48 : index
    %get3A_72 = tpu.vector_load %arg8[%get3A_71] {strides = array<i32>} : memref<608xf32, #tpu.memory_space<vmem>>, vector<16xf32>,
    %bitcast_convert_type3A_73 = tpu.bitcast %get3A_70 : vector<16xf32> -> vector<16xi32>
    %add3A_74 = arith.constant 32768 : i32
    %add3A_75 = vector.broadcast %add3A_74 : i32 to vector<16xi32>
    %add3A_76 = arith.addi %bitcast_convert_type3A_73, %add3A_75 : vector<16xi32>
    %and3A_77 = arith.constant -65536 : i32
    %and3A_78 = vector.broadcast %and3A_77 : i32 to vector<16xi32>
    %and3A_79 = arith.andi %add3A_76, %and3A_78 : vector<16xi32>
    %abs3A_80 = math.absf %get3A_72 : vector<16xf32>
    %bitcast_convert_type3A_81 = tpu.bitcast %abs3A_80 : vector<16xf32> -> vector<16xi32>
    %add3A_82 = arith.constant 32768 : i32
    %add3A_83 = vector.broadcast %add3A_82 : i32 to vector<16xi32>
    %add3A_84 = arith.addi %bitcast_convert_type3A_81, %add3A_83 : vector<16xi32>
    %shift_right_arithmetic3A_85 = arith.constant 16 : i32
    %shift_right_arithmetic3A_86 = vector.broadcast %shift_right_arithmetic3A_85 : i32 to vector<16xi32>
    %shift_right_arithmetic3A_87 = arith.shrsi %add3A_84, %shift_right_arithmetic3A_86 : vector<16xi32>
    %and3A_88 = arith.constant 65535 : i32
    %and3A_89 = vector.broadcast %and3A_88 : i32 to vector<16xi32>
    %and3A_90 = arith.andi %shift_right_arithmetic3A_87, %and3A_89 : vector<16xi32>
    %or3A_91 = arith.ori %and3A_79, %and3A_90 : vector<16xi32>
    %get3A_92 = arith.constant 64 : index
    %get3A_93 = tpu.vector_load %arg8[%get3A_92] {strides = array<i32>} : memref<608xf32, #tpu.memory_space<vmem>>, vector<16xf32>,
    %get3A_94 = arith.constant 80 : index
    %get3A_95 = tpu.vector_load %arg8[%get3A_94] {strides = array<i32>} : memref<608xf32, #tpu.memory_space<vmem>>, vector<16xf32>,
    %bitcast_convert_type3A_96 = tpu.bitcast %get3A_93 : vector<16xf32> -> vector<16xi32>
    %add3A_97 = arith.constant 32768 : i32
    %add3A_98 = vector.broadcast %add3A_97 : i32 to vector<16xi32>
    %add3A_99 = arith.addi %bitcast_convert_type3A_96, %add3A_98 : vector<16xi32>
    %and3A_100 = arith.constant -65536 : i32
    %and3A_101 = vector.broadcast %and3A_100 : i32 to vector<16xi32>
    %and3A_102 = arith.andi %add3A_99, %and3A_101 : vector<16xi32>
    %abs3A_103 = math.absf %get3A_95 : vector<16xf32>
    %bitcast_convert_type3A_104 = tpu.bitcast %abs3A_103 : vector<16xf32> -> vector<16xi32>
    %add3A_105 = arith.constant 32768 : i32
    %add3A_106 = vector.broadcast %add3A_105 : i32 to vector<16xi32>
    %add3A_107 = arith.addi %bitcast_convert_type3A_104, %add3A_106 : vector<16xi32>
    %shift_right_arithmetic3A_108 = arith.constant 16 : i32
    %shift_right_arithmetic3A_109 = vector.broadcast %shift_right_arithmetic3A_108 : i32 to vector<16xi32>
    %shift_right_arithmetic3A_110 = arith.shrsi %add3A_107, %shift_right_arithmetic3A_109 : vector<16xi32>
    %and3A_111 = arith.constant 65535 : i32
    %and3A_112 = vector.broadcast %and3A_111 : i32 to vector<16xi32>
    %and3A_113 = arith.andi %shift_right_arithmetic3A_110, %and3A_112 : vector<16xi32>
    %or3A_114 = arith.ori %and3A_102, %and3A_113 : vector<16xi32>
    %get3A_115 = arith.constant 96 : index
    %get3A_116 = tpu.vector_load %arg8[%get3A_115] {strides = array<i32>} : memref<608xf32, #tpu.memory_space<vmem>>, vector<16xf32>,
    %get3A_117 = arith.constant 112 : index
    %get3A_118 = tpu.vector_load %arg8[%get3A_117] {strides = array<i32>} : memref<608xf32, #tpu.memory_space<vmem>>, vector<16xf32>,
    %bitcast_convert_type3A_119 = tpu.bitcast %get3A_116 : vector<16xf32> -> vector<16xi32>
    %add3A_120 = arith.constant 32768 : i32
    %add3A_121 = vector.broadcast %add3A_120 : i32 to vector<16xi32>
    %add3A_122 = arith.addi %bitcast_convert_type3A_119, %add3A_121 : vector<16xi32>
    %and3A_123 = arith.constant -65536 : i32
    %and3A_124 = vector.broadcast %and3A_123 : i32 to vector<16xi32>
    %and3A_125 = arith.andi %add3A_122, %and3A_124 : vector<16xi32>
    %abs3A_126 = math.absf %get3A_118 : vector<16xf32>
    %bitcast_convert_type3A_127 = tpu.bitcast %abs3A_126 : vector<16xf32> -> vector<16xi32>
    %add3A_128 = arith.constant 32768 : i32
    %add3A_129 = vector.broadcast %add3A_128 : i32 to vector<16xi32>
    %add3A_130 = arith.addi %bitcast_convert_type3A_127, %add3A_129 : vector<16xi32>
    %shift_right_arithmetic3A_131 = arith.constant 16 : i32
    %shift_right_arithmetic3A_132 = vector.broadcast %shift_right_arithmetic3A_131 : i32 to vector<16xi32>
    %shift_right_arithmetic3A_133 = arith.shrsi %add3A_130, %shift_right_arithmetic3A_132 : vector<16xi32>
    %and3A_134 = arith.constant 65535 : i32
    %and3A_135 = vector.broadcast %and3A_134 : i32 to vector<16xi32>
    %and3A_136 = arith.andi %shift_right_arithmetic3A_133, %and3A_135 : vector<16xi32>
    %or3A_137 = arith.ori %and3A_125, %and3A_136 : vector<16xi32>
    %get3A_138 = arith.constant 128 : index
    %get3A_139 = tpu.vector_load %arg8[%get3A_138] {strides = array<i32>} : memref<608xf32, #tpu.memory_space<vmem>>, vector<16xf32>,
    %get3A_140 = arith.constant 144 : index
    %get3A_141 = tpu.vector_load %arg8[%get3A_140] {strides = array<i32>} : memref<608xf32, #tpu.memory_space<vmem>>, vector<16xf32>,
    %bitcast_convert_type3A_142 = tpu.bitcast %get3A_139 : vector<16xf32> -> vector<16xi32>
    %add3A_143 = arith.constant 32768 : i32
    %add3A_144 = vector.broadcast %add3A_143 : i32 to vector<16xi32>
    %add3A_145 = arith.addi %bitcast_convert_type3A_142, %add3A_144 : vector<16xi32>
    %and3A_146 = arith.constant -65536 : i32
    %and3A_147 = vector.broadcast %and3A_146 : i32 to vector<16xi32>
    %and3A_148 = arith.andi %add3A_145, %and3A_147 : vector<16xi32>
    %abs3A_149 = math.absf %get3A_141 : vector<16xf32>
    %bitcast_convert_type3A_150 = tpu.bitcast %abs3A_149 : vector<16xf32> -> vector<16xi32>
    %add3A_151 = arith.constant 32768 : i32
    %add3A_152 = vector.broadcast %add3A_151 : i32 to vector<16xi32>
    %add3A_153 = arith.addi %bitcast_convert_type3A_150, %add3A_152 : vector<16xi32>
    %shift_right_arithmetic3A_154 = arith.constant 16 : i32
    %shift_right_arithmetic3A_155 = vector.broadcast %shift_right_arithmetic3A_154 : i32 to vector<16xi32>
    %shift_right_arithmetic3A_156 = arith.shrsi %add3A_153, %shift_right_arithmetic3A_155 : vector<16xi32>
    %and3A_157 = arith.constant 65535 : i32
    %and3A_158 = vector.broadcast %and3A_157 : i32 to vector<16xi32>
    %and3A_159 = arith.andi %shift_right_arithmetic3A_156, %and3A_158 : vector<16xi32>
    %or3A_160 = arith.ori %and3A_148, %and3A_159 : vector<16xi32>
    %get3A_161 = arith.constant 160 : index
    %get3A_162 = tpu.vector_load %arg8[%get3A_161] {strides = array<i32>} : memref<608xf32, #tpu.memory_space<vmem>>, vector<16xf32>,
    %get3A_163 = arith.constant 176 : index
    %get3A_164 = tpu.vector_load %arg8[%get3A_163] {strides = array<i32>} : memref<608xf32, #tpu.memory_space<vmem>>, vector<16xf32>,
    %bitcast_convert_type3A_165 = tpu.bitcast %get3A_162 : vector<16xf32> -> vector<16xi32>
    %add3A_166 = arith.constant 32768 : i32
    %add3A_167 = vector.broadcast %add3A_166 : i32 to vector<16xi32>
    %add3A_168 = arith.addi %bitcast_convert_type3A_165, %add3A_167 : vector<16xi32>
    %and3A_169 = arith.constant -65536 : i32
    %and3A_170 = vector.broadcast %and3A_169 : i32 to vector<16xi32>
    %and3A_171 = arith.andi %add3A_168, %and3A_170 : vector<16xi32>
    %abs3A_172 = math.absf %get3A_164 : vector<16xf32>
    %bitcast_convert_type3A_173 = tpu.bitcast %abs3A_172 : vector<16xf32> -> vector<16xi32>
    %add3A_174 = arith.constant 32768 : i32
    %add3A_175 = vector.broadcast %add3A_174 : i32 to vector<16xi32>
    %add3A_176 = arith.addi %bitcast_convert_type3A_173, %add3A_175 : vector<16xi32>
    %shift_right_arithmetic3A_177 = arith.constant 16 : i32
    %shift_right_arithmetic3A_178 = vector.broadcast %shift_right_arithmetic3A_177 : i32 to vector<16xi32>
    %shift_right_arithmetic3A_179 = arith.shrsi %add3A_176, %shift_right_arithmetic3A_178 : vector<16xi32>
    %and3A_180 = arith.constant 65535 : i32
    %and3A_181 = vector.broadcast %and3A_180 : i32 to vector<16xi32>
    %and3A_182 = arith.andi %shift_right_arithmetic3A_179, %and3A_181 : vector<16xi32>
    %or3A_183 = arith.ori %and3A_171, %and3A_182 : vector<16xi32>
    %get3A_184 = arith.constant 192 : index
    %get3A_185 = tpu.vector_load %arg8[%get3A_184] {strides = array<i32>} : memref<608xf32, #tpu.memory_space<vmem>>, vector<16xf32>,
    %get3A_186 = arith.constant 208 : index
    %get3A_187 = tpu.vector_load %arg8[%get3A_186] {strides = array<i32>} : memref<608xf32, #tpu.memory_space<vmem>>, vector<16xf32>,
    %bitcast_convert_type3A_188 = tpu.bitcast %get3A_185 : vector<16xf32> -> vector<16xi32>
    %add3A_189 = arith.constant 32768 : i32
    %add3A_190 = vector.broadcast %add3A_189 : i32 to vector<16xi32>
    %add3A_191 = arith.addi %bitcast_convert_type3A_188, %add3A_190 : vector<16xi32>
    %and3A_192 = arith.constant -65536 : i32
    %and3A_193 = vector.broadcast %and3A_192 : i32 to vector<16xi32>
    %and3A_194 = arith.andi %add3A_191, %and3A_193 : vector<16xi32>
    %abs3A_195 = math.absf %get3A_187 : vector<16xf32>
    %bitcast_convert_type3A_196 = tpu.bitcast %abs3A_195 : vector<16xf32> -> vector<16xi32>
    %add3A_197 = arith.constant 32768 : i32
    %add3A_198 = vector.broadcast %add3A_197 : i32 to vector<16xi32>
    %add3A_199 = arith.addi %bitcast_convert_type3A_196, %add3A_198 : vector<16xi32>
    %shift_right_arithmetic3A_200 = arith.constant 16 : i32
    %shift_right_arithmetic3A_201 = vector.broadcast %shift_right_arithmetic3A_200 : i32 to vector<16xi32>
    %shift_right_arithmetic3A_202 = arith.shrsi %add3A_199, %shift_right_arithmetic3A_201 : vector<16xi32>
    %and3A_203 = arith.constant 65535 : i32
    %and3A_204 = vector.broadcast %and3A_203 : i32 to vector<16xi32>
    %and3A_205 = arith.andi %shift_right_arithmetic3A_202, %and3A_204 : vector<16xi32>
    %or3A_206 = arith.ori %and3A_194, %and3A_205 : vector<16xi32>
    %get3A_207 = arith.constant 224 : index
    %get3A_208 = tpu.vector_load %arg8[%get3A_207] {strides = array<i32>} : memref<608xf32, #tpu.memory_space<vmem>>, vector<16xf32>,
    %get3A_209 = arith.constant 240 : index
    %get3A_210 = tpu.vector_load %arg8[%get3A_209] {strides = array<i32>} : memref<608xf32, #tpu.memory_space<vmem>>, vector<16xf32>,
    %bitcast_convert_type3A_211 = tpu.bitcast %get3A_208 : vector<16xf32> -> vector<16xi32>
    %add3A_212 = arith.constant 32768 : i32
    %add3A_213 = vector.broadcast %add3A_212 : i32 to vector<16xi32>
    %add3A_214 = arith.addi %bitcast_convert_type3A_211, %add3A_213 : vector<16xi32>
    %and3A_215 = arith.constant -65536 : i32
    %and3A_216 = vector.broadcast %and3A_215 : i32 to vector<16xi32>
    %and3A_217 = arith.andi %add3A_214, %and3A_216 : vector<16xi32>
    %abs3A_218 = math.absf %get3A_210 : vector<16xf32>
    %bitcast_convert_type3A_219 = tpu.bitcast %abs3A_218 : vector<16xf32> -> vector<16xi32>
    %add3A_220 = arith.constant 32768 : i32
    %add3A_221 = vector.broadcast %add3A_220 : i32 to vector<16xi32>
    %add3A_222 = arith.addi %bitcast_convert_type3A_219, %add3A_221 : vector<16xi32>
    %shift_right_arithmetic3A_223 = arith.constant 16 : i32
    %shift_right_arithmetic3A_224 = vector.broadcast %shift_right_arithmetic3A_223 : i32 to vector<16xi32>
    %shift_right_arithmetic3A_225 = arith.shrsi %add3A_222, %shift_right_arithmetic3A_224 : vector<16xi32>
    %and3A_226 = arith.constant 65535 : i32
    %and3A_227 = vector.broadcast %and3A_226 : i32 to vector<16xi32>
    %and3A_228 = arith.andi %shift_right_arithmetic3A_225, %and3A_227 : vector<16xi32>
    %or3A_229 = arith.ori %and3A_217, %and3A_228 : vector<16xi32>
    %get3A_230 = arith.constant 256 : index
    %get3A_231 = tpu.vector_load %arg8[%get3A_230] {strides = array<i32>} : memref<608xf32, #tpu.memory_space<vmem>>, vector<16xf32>,
    %get3A_232 = arith.constant 272 : index
    %get3A_233 = tpu.vector_load %arg8[%get3A_232] {strides = array<i32>} : memref<608xf32, #tpu.memory_space<vmem>>, vector<16xf32>,
    %bitcast_convert_type3A_234 = tpu.bitcast %get3A_231 : vector<16xf32> -> vector<16xi32>
    %add3A_235 = arith.constant 32768 : i32
    %add3A_236 = vector.broadcast %add3A_235 : i32 to vector<16xi32>
    %add3A_237 = arith.addi %bitcast_convert_type3A_234, %add3A_236 : vector<16xi32>
    %and3A_238 = arith.constant -65536 : i32
    %and3A_239 = vector.broadcast %and3A_238 : i32 to vector<16xi32>
    %and3A_240 = arith.andi %add3A_237, %and3A_239 : vector<16xi32>
    %abs3A_241 = math.absf %get3A_233 : vector<16xf32>
    %bitcast_convert_type3A_242 = tpu.bitcast %abs3A_241 : vector<16xf32> -> vector<16xi32>
    %add3A_243 = arith.constant 32768 : i32
    %add3A_244 = vector.broadcast %add3A_243 : i32 to vector<16xi32>
    %add3A_245 = arith.addi %bitcast_convert_type3A_242, %add3A_244 : vector<16xi32>
    %shift_right_arithmetic3A_246 = arith.constant 16 : i32
    %shift_right_arithmetic3A_247 = vector.broadcast %shift_right_arithmetic3A_246 : i32 to vector<16xi32>
    %shift_right_arithmetic3A_248 = arith.shrsi %add3A_245, %shift_right_arithmetic3A_247 : vector<16xi32>
    %and3A_249 = arith.constant 65535 : i32
    %and3A_250 = vector.broadcast %and3A_249 : i32 to vector<16xi32>
    %and3A_251 = arith.andi %shift_right_arithmetic3A_248, %and3A_250 : vector<16xi32>
    %or3A_252 = arith.ori %and3A_240, %and3A_251 : vector<16xi32>
    %get3A_253 = arith.constant 288 : index
    %get3A_254 = tpu.vector_load %arg8[%get3A_253] {strides = array<i32>} : memref<608xf32, #tpu.memory_space<vmem>>, vector<16xf32>,
    %get3A_255 = arith.constant 304 : index
    %get3A_256 = tpu.vector_load %arg8[%get3A_255] {strides = array<i32>} : memref<608xf32, #tpu.memory_space<vmem>>, vector<16xf32>,
    %bitcast_convert_type3A_257 = tpu.bitcast %get3A_254 : vector<16xf32> -> vector<16xi32>
    %add3A_258 = arith.constant 32768 : i32
    %add3A_259 = vector.broadcast %add3A_258 : i32 to vector<16xi32>
    %add3A_260 = arith.addi %bitcast_convert_type3A_257, %add3A_259 : vector<16xi32>
    %and3A_261 = arith.constant -65536 : i32
    %and3A_262 = vector.broadcast %and3A_261 : i32 to vector<16xi32>
    %and3A_263 = arith.andi %add3A_260, %and3A_262 : vector<16xi32>
    %abs3A_264 = math.absf %get3A_256 : vector<16xf32>
    %bitcast_convert_type3A_265 = tpu.bitcast %abs3A_264 : vector<16xf32> -> vector<16xi32>
    %add3A_266 = arith.constant 32768 : i32
    %add3A_267 = vector.broadcast %add3A_266 : i32 to vector<16xi32>
    %add3A_268 = arith.addi %bitcast_convert_type3A_265, %add3A_267 : vector<16xi32>
    %shift_right_arithmetic3A_269 = arith.constant 16 : i32
    %shift_right_arithmetic3A_270 = vector.broadcast %shift_right_arithmetic3A_269 : i32 to vector<16xi32>
    %shift_right_arithmetic3A_271 = arith.shrsi %add3A_268, %shift_right_arithmetic3A_270 : vector<16xi32>
    %and3A_272 = arith.constant 65535 : i32
    %and3A_273 = vector.broadcast %and3A_272 : i32 to vector<16xi32>
    %and3A_274 = arith.andi %shift_right_arithmetic3A_271, %and3A_273 : vector<16xi32>
    %or3A_275 = arith.ori %and3A_263, %and3A_274 : vector<16xi32>
    %get3A_276 = arith.constant 320 : index
    %get3A_277 = tpu.vector_load %arg8[%get3A_276] {strides = array<i32>} : memref<608xf32, #tpu.memory_space<vmem>>, vector<16xf32>,
    %get3A_278 = arith.constant 336 : index
    %get3A_279 = tpu.vector_load %arg8[%get3A_278] {strides = array<i32>} : memref<608xf32, #tpu.memory_space<vmem>>, vector<16xf32>,
    %bitcast_convert_type3A_280 = tpu.bitcast %get3A_277 : vector<16xf32> -> vector<16xi32>
    %add3A_281 = arith.constant 32768 : i32
    %add3A_282 = vector.broadcast %add3A_281 : i32 to vector<16xi32>
    %add3A_283 = arith.addi %bitcast_convert_type3A_280, %add3A_282 : vector<16xi32>
    %and3A_284 = arith.constant -65536 : i32
    %and3A_285 = vector.broadcast %and3A_284 : i32 to vector<16xi32>
    %and3A_286 = arith.andi %add3A_283, %and3A_285 : vector<16xi32>
    %abs3A_287 = math.absf %get3A_279 : vector<16xf32>
    %bitcast_convert_type3A_288 = tpu.bitcast %abs3A_287 : vector<16xf32> -> vector<16xi32>
    %add3A_289 = arith.constant 32768 : i32
    %add3A_290 = vector.broadcast %add3A_289 : i32 to vector<16xi32>
    %add3A_291 = arith.addi %bitcast_convert_type3A_288, %add3A_290 : vector<16xi32>
    %shift_right_arithmetic3A_292 = arith.constant 16 : i32
    %shift_right_arithmetic3A_293 = vector.broadcast %shift_right_arithmetic3A_292 : i32 to vector<16xi32>
    %shift_right_arithmetic3A_294 = arith.shrsi %add3A_291, %shift_right_arithmetic3A_293 : vector<16xi32>
    %and3A_295 = arith.constant 65535 : i32
    %and3A_296 = vector.broadcast %and3A_295 : i32 to vector<16xi32>
    %and3A_297 = arith.andi %shift_right_arithmetic3A_294, %and3A_296 : vector<16xi32>
    %or3A_298 = arith.ori %and3A_286, %and3A_297 : vector<16xi32>
    %get3A_299 = arith.constant 352 : index
    %get3A_300 = tpu.vector_load %arg8[%get3A_299] {strides = array<i32>} : memref<608xf32, #tpu.memory_space<vmem>>, vector<16xf32>,
    %get3A_301 = arith.constant 368 : index
    %get3A_302 = tpu.vector_load %arg8[%get3A_301] {strides = array<i32>} : memref<608xf32, #tpu.memory_space<vmem>>, vector<16xf32>,
    %bitcast_convert_type3A_303 = tpu.bitcast %get3A_300 : vector<16xf32> -> vector<16xi32>
    %add3A_304 = arith.constant 32768 : i32
    %add3A_305 = vector.broadcast %add3A_304 : i32 to vector<16xi32>
    %add3A_306 = arith.addi %bitcast_convert_type3A_303, %add3A_305 : vector<16xi32>
    %and3A_307 = arith.constant -65536 : i32
    %and3A_308 = vector.broadcast %and3A_307 : i32 to vector<16xi32>
    %and3A_309 = arith.andi %add3A_306, %and3A_308 : vector<16xi32>
    %abs3A_310 = math.absf %get3A_302 : vector<16xf32>
    %bitcast_convert_type3A_311 = tpu.bitcast %abs3A_310 : vector<16xf32> -> vector<16xi32>
    %add3A_312 = arith.constant 32768 : i32
    %add3A_313 = vector.broadcast %add3A_312 : i32 to vector<16xi32>
    %add3A_314 = arith.addi %bitcast_convert_type3A_311, %add3A_313 : vector<16xi32>
    %shift_right_arithmetic3A_315 = arith.constant 16 : i32
    %shift_right_arithmetic3A_316 = vector.broadcast %shift_right_arithmetic3A_315 : i32 to vector<16xi32>
    %shift_right_arithmetic3A_317 = arith.shrsi %add3A_314, %shift_right_arithmetic3A_316 : vector<16xi32>
    %and3A_318 = arith.constant 65535 : i32
    %and3A_319 = vector.broadcast %and3A_318 : i32 to vector<16xi32>
    %and3A_320 = arith.andi %shift_right_arithmetic3A_317, %and3A_319 : vector<16xi32>
    %or3A_321 = arith.ori %and3A_309, %and3A_320 : vector<16xi32>
    %get3A_322 = arith.constant 384 : index
    %get3A_323 = tpu.vector_load %arg8[%get3A_322] {strides = array<i32>} : memref<608xf32, #tpu.memory_space<vmem>>, vector<16xf32>,
    %get3A_324 = arith.constant 400 : index
    %get3A_325 = tpu.vector_load %arg8[%get3A_324] {strides = array<i32>} : memref<608xf32, #tpu.memory_space<vmem>>, vector<16xf32>,
    %bitcast_convert_type3A_326 = tpu.bitcast %get3A_323 : vector<16xf32> -> vector<16xi32>
    %add3A_327 = arith.constant 32768 : i32
    %add3A_328 = vector.broadcast %add3A_327 : i32 to vector<16xi32>
    %add3A_329 = arith.addi %bitcast_convert_type3A_326, %add3A_328 : vector<16xi32>
    %and3A_330 = arith.constant -65536 : i32
    %and3A_331 = vector.broadcast %and3A_330 : i32 to vector<16xi32>
    %and3A_332 = arith.andi %add3A_329, %and3A_331 : vector<16xi32>
    %abs3A_333 = math.absf %get3A_325 : vector<16xf32>
    %bitcast_convert_type3A_334 = tpu.bitcast %abs3A_333 : vector<16xf32> -> vector<16xi32>
    %add3A_335 = arith.constant 32768 : i32
    %add3A_336 = vector.broadcast %add3A_335 : i32 to vector<16xi32>
    %add3A_337 = arith.addi %bitcast_convert_type3A_334, %add3A_336 : vector<16xi32>
    %shift_right_arithmetic3A_338 = arith.constant 16 : i32
    %shift_right_arithmetic3A_339 = vector.broadcast %shift_right_arithmetic3A_338 : i32 to vector<16xi32>
    %shift_right_arithmetic3A_340 = arith.shrsi %add3A_337, %shift_right_arithmetic3A_339 : vector<16xi32>
    %and3A_341 = arith.constant 65535 : i32
    %and3A_342 = vector.broadcast %and3A_341 : i32 to vector<16xi32>
    %and3A_343 = arith.andi %shift_right_arithmetic3A_340, %and3A_342 : vector<16xi32>
    %or3A_344 = arith.ori %and3A_332, %and3A_343 : vector<16xi32>
    %get3A_345 = arith.constant 416 : index
    %get3A_346 = tpu.vector_load %arg8[%get3A_345] {strides = array<i32>} : memref<608xf32, #tpu.memory_space<vmem>>, vector<16xf32>,
    %get3A_347 = arith.constant 432 : index
    %get3A_348 = tpu.vector_load %arg8[%get3A_347] {strides = array<i32>} : memref<608xf32, #tpu.memory_space<vmem>>, vector<16xf32>,
    %bitcast_convert_type3A_349 = tpu.bitcast %get3A_346 : vector<16xf32> -> vector<16xi32>
    %add3A_350 = arith.constant 32768 : i32
    %add3A_351 = vector.broadcast %add3A_350 : i32 to vector<16xi32>
    %add3A_352 = arith.addi %bitcast_convert_type3A_349, %add3A_351 : vector<16xi32>
    %and3A_353 = arith.constant -65536 : i32
    %and3A_354 = vector.broadcast %and3A_353 : i32 to vector<16xi32>
    %and3A_355 = arith.andi %add3A_352, %and3A_354 : vector<16xi32>
    %abs3A_356 = math.absf %get3A_348 : vector<16xf32>
    %bitcast_convert_type3A_357 = tpu.bitcast %abs3A_356 : vector<16xf32> -> vector<16xi32>
    %add3A_358 = arith.constant 32768 : i32
    %add3A_359 = vector.broadcast %add3A_358 : i32 to vector<16xi32>
    %add3A_360 = arith.addi %bitcast_convert_type3A_357, %add3A_359 : vector<16xi32>
    %shift_right_arithmetic3A_361 = arith.constant 16 : i32
    %shift_right_arithmetic3A_362 = vector.broadcast %shift_right_arithmetic3A_361 : i32 to vector<16xi32>
    %shift_right_arithmetic3A_363 = arith.shrsi %add3A_360, %shift_right_arithmetic3A_362 : vector<16xi32>
    %and3A_364 = arith.constant 65535 : i32
    %and3A_365 = vector.broadcast %and3A_364 : i32 to vector<16xi32>
    %and3A_366 = arith.andi %shift_right_arithmetic3A_363, %and3A_365 : vector<16xi32>
    %or3A_367 = arith.ori %and3A_355, %and3A_366 : vector<16xi32>
    %get3A_368 = arith.constant 448 : index
    %get3A_369 = tpu.vector_load %arg8[%get3A_368] {strides = array<i32>} : memref<608xf32, #tpu.memory_space<vmem>>, vector<16xf32>,
    %get3A_370 = arith.constant 464 : index
    %get3A_371 = tpu.vector_load %arg8[%get3A_370] {strides = array<i32>} : memref<608xf32, #tpu.memory_space<vmem>>, vector<16xf32>,
    %bitcast_convert_type3A_372 = tpu.bitcast %get3A_369 : vector<16xf32> -> vector<16xi32>
    %add3A_373 = arith.constant 32768 : i32
    %add3A_374 = vector.broadcast %add3A_373 : i32 to vector<16xi32>
    %add3A_375 = arith.addi %bitcast_convert_type3A_372, %add3A_374 : vector<16xi32>
    %and3A_376 = arith.constant -65536 : i32
    %and3A_377 = vector.broadcast %and3A_376 : i32 to vector<16xi32>
    %and3A_378 = arith.andi %add3A_375, %and3A_377 : vector<16xi32>
    %abs3A_379 = math.absf %get3A_371 : vector<16xf32>
    %bitcast_convert_type3A_380 = tpu.bitcast %abs3A_379 : vector<16xf32> -> vector<16xi32>
    %add3A_381 = arith.constant 32768 : i32
    %add3A_382 = vector.broadcast %add3A_381 : i32 to vector<16xi32>
    %add3A_383 = arith.addi %bitcast_convert_type3A_380, %add3A_382 : vector<16xi32>
    %shift_right_arithmetic3A_384 = arith.constant 16 : i32
    %shift_right_arithmetic3A_385 = vector.broadcast %shift_right_arithmetic3A_384 : i32 to vector<16xi32>
    %shift_right_arithmetic3A_386 = arith.shrsi %add3A_383, %shift_right_arithmetic3A_385 : vector<16xi32>
    %and3A_387 = arith.constant 65535 : i32
    %and3A_388 = vector.broadcast %and3A_387 : i32 to vector<16xi32>
    %and3A_389 = arith.andi %shift_right_arithmetic3A_386, %and3A_388 : vector<16xi32>
    %or3A_390 = arith.ori %and3A_378, %and3A_389 : vector<16xi32>
    %get3A_391 = arith.constant 480 : index
    %get3A_392 = tpu.vector_load %arg8[%get3A_391] {strides = array<i32>} : memref<608xf32, #tpu.memory_space<vmem>>, vector<16xf32>,
    %get3A_393 = arith.constant 496 : index
    %get3A_394 = tpu.vector_load %arg8[%get3A_393] {strides = array<i32>} : memref<608xf32, #tpu.memory_space<vmem>>, vector<16xf32>,
    %bitcast_convert_type3A_395 = tpu.bitcast %get3A_392 : vector<16xf32> -> vector<16xi32>
    %add3A_396 = arith.constant 32768 : i32
    %add3A_397 = vector.broadcast %add3A_396 : i32 to vector<16xi32>
    %add3A_398 = arith.addi %bitcast_convert_type3A_395, %add3A_397 : vector<16xi32>
    %and3A_399 = arith.constant -65536 : i32
    %and3A_400 = vector.broadcast %and3A_399 : i32 to vector<16xi32>
    %and3A_401 = arith.andi %add3A_398, %and3A_400 : vector<16xi32>
    %abs3A_402 = math.absf %get3A_394 : vector<16xf32>
    %bitcast_convert_type3A_403 = tpu.bitcast %abs3A_402 : vector<16xf32> -> vector<16xi32>
    %add3A_404 = arith.constant 32768 : i32
    %add3A_405 = vector.broadcast %add3A_404 : i32 to vector<16xi32>
    %add3A_406 = arith.addi %bitcast_convert_type3A_403, %add3A_405 : vector<16xi32>
    %shift_right_arithmetic3A_407 = arith.constant 16 : i32
    %shift_right_arithmetic3A_408 = vector.broadcast %shift_right_arithmetic3A_407 : i32 to vector<16xi32>
    %shift_right_arithmetic3A_409 = arith.shrsi %add3A_406, %shift_right_arithmetic3A_408 : vector<16xi32>
    %and3A_410 = arith.constant 65535 : i32
    %and3A_411 = vector.broadcast %and3A_410 : i32 to vector<16xi32>
    %and3A_412 = arith.andi %shift_right_arithmetic3A_409, %and3A_411 : vector<16xi32>
    %or3A_413 = arith.ori %and3A_401, %and3A_412 : vector<16xi32>
    %get3A_414 = arith.constant 512 : index
    %get3A_415 = tpu.vector_load %arg8[%get3A_414] {strides = array<i32>} : memref<608xf32, #tpu.memory_space<vmem>>, vector<16xf32>,
    %get3A_416 = arith.constant 528 : index
    %get3A_417 = tpu.vector_load %arg8[%get3A_416] {strides = array<i32>} : memref<608xf32, #tpu.memory_space<vmem>>, vector<16xf32>,
    %bitcast_convert_type3A_418 = tpu.bitcast %get3A_415 : vector<16xf32> -> vector<16xi32>
    %add3A_419 = arith.constant 32768 : i32
    %add3A_420 = vector.broadcast %add3A_419 : i32 to vector<16xi32>
    %add3A_421 = arith.addi %bitcast_convert_type3A_418, %add3A_420 : vector<16xi32>
    %and3A_422 = arith.constant -65536 : i32
    %and3A_423 = vector.broadcast %and3A_422 : i32 to vector<16xi32>
    %and3A_424 = arith.andi %add3A_421, %and3A_423 : vector<16xi32>
    %abs3A_425 = math.absf %get3A_417 : vector<16xf32>
    %bitcast_convert_type3A_426 = tpu.bitcast %abs3A_425 : vector<16xf32> -> vector<16xi32>
    %add3A_427 = arith.constant 32768 : i32
    %add3A_428 = vector.broadcast %add3A_427 : i32 to vector<16xi32>
    %add3A_429 = arith.addi %bitcast_convert_type3A_426, %add3A_428 : vector<16xi32>
    %shift_right_arithmetic3A_430 = arith.constant 16 : i32
    %shift_right_arithmetic3A_431 = vector.broadcast %shift_right_arithmetic3A_430 : i32 to vector<16xi32>
    %shift_right_arithmetic3A_432 = arith.shrsi %add3A_429, %shift_right_arithmetic3A_431 : vector<16xi32>
    %and3A_433 = arith.constant 65535 : i32
    %and3A_434 = vector.broadcast %and3A_433 : i32 to vector<16xi32>
    %and3A_435 = arith.andi %shift_right_arithmetic3A_432, %and3A_434 : vector<16xi32>
    %or3A_436 = arith.ori %and3A_424, %and3A_435 : vector<16xi32>
    %get3A_437 = arith.constant 544 : index
    %get3A_438 = tpu.vector_load %arg8[%get3A_437] {strides = array<i32>} : memref<608xf32, #tpu.memory_space<vmem>>, vector<16xf32>,
    %get3A_439 = arith.constant 560 : index
    %get3A_440 = tpu.vector_load %arg8[%get3A_439] {strides = array<i32>} : memref<608xf32, #tpu.memory_space<vmem>>, vector<16xf32>,
    %bitcast_convert_type3A_441 = tpu.bitcast %get3A_438 : vector<16xf32> -> vector<16xi32>
    %add3A_442 = arith.constant 32768 : i32
    %add3A_443 = vector.broadcast %add3A_442 : i32 to vector<16xi32>
    %add3A_444 = arith.addi %bitcast_convert_type3A_441, %add3A_443 : vector<16xi32>
    %and3A_445 = arith.constant -65536 : i32
    %and3A_446 = vector.broadcast %and3A_445 : i32 to vector<16xi32>
    %and3A_447 = arith.andi %add3A_444, %and3A_446 : vector<16xi32>
    %abs3A_448 = math.absf %get3A_440 : vector<16xf32>
    %bitcast_convert_type3A_449 = tpu.bitcast %abs3A_448 : vector<16xf32> -> vector<16xi32>
    %add3A_450 = arith.constant 32768 : i32
    %add3A_451 = vector.broadcast %add3A_450 : i32 to vector<16xi32>
    %add3A_452 = arith.addi %bitcast_convert_type3A_449, %add3A_451 : vector<16xi32>
    %shift_right_arithmetic3A_453 = arith.constant 16 : i32
    %shift_right_arithmetic3A_454 = vector.broadcast %shift_right_arithmetic3A_453 : i32 to vector<16xi32>
    %shift_right_arithmetic3A_455 = arith.shrsi %add3A_452, %shift_right_arithmetic3A_454 : vector<16xi32>
    %and3A_456 = arith.constant 65535 : i32
    %and3A_457 = vector.broadcast %and3A_456 : i32 to vector<16xi32>
    %and3A_458 = arith.andi %shift_right_arithmetic3A_455, %and3A_457 : vector<16xi32>
    %or3A_459 = arith.ori %and3A_447, %and3A_458 : vector<16xi32>
    %get3A_460 = arith.constant 576 : index
    %get3A_461 = tpu.vector_load %arg8[%get3A_460] {strides = array<i32>} : memref<608xf32, #tpu.memory_space<vmem>>, vector<16xf32>,
    %get3A_462 = arith.constant 592 : index
    %get3A_463 = tpu.vector_load %arg8[%get3A_462] {strides = array<i32>} : memref<608xf32, #tpu.memory_space<vmem>>, vector<16xf32>,
    %bitcast_convert_type3A_464 = tpu.bitcast %get3A_461 : vector<16xf32> -> vector<16xi32>
    %add3A_465 = arith.constant 32768 : i32
    %add3A_466 = vector.broadcast %add3A_465 : i32 to vector<16xi32>
    %add3A_467 = arith.addi %bitcast_convert_type3A_464, %add3A_466 : vector<16xi32>
    %and3A_468 = arith.constant -65536 : i32
    %and3A_469 = vector.broadcast %and3A_468 : i32 to vector<16xi32>
    %and3A_470 = arith.andi %add3A_467, %and3A_469 : vector<16xi32>
    %abs3A_471 = math.absf %get3A_463 : vector<16xf32>
    %bitcast_convert_type3A_472 = tpu.bitcast %abs3A_471 : vector<16xf32> -> vector<16xi32>
    %add3A_473 = arith.constant 32768 : i32
    %add3A_474 = vector.broadcast %add3A_473 : i32 to vector<16xi32>
    %add3A_475 = arith.addi %bitcast_convert_type3A_472, %add3A_474 : vector<16xi32>
    %shift_right_arithmetic3A_476 = arith.constant 16 : i32
    %shift_right_arithmetic3A_477 = vector.broadcast %shift_right_arithmetic3A_476 : i32 to vector<16xi32>
    %shift_right_arithmetic3A_478 = arith.shrsi %add3A_475, %shift_right_arithmetic3A_477 : vector<16xi32>
    %and3A_479 = arith.constant 65535 : i32
    %and3A_480 = vector.broadcast %and3A_479 : i32 to vector<16xi32>
    %and3A_481 = arith.andi %shift_right_arithmetic3A_478, %and3A_480 : vector<16xi32>
    %or3A_482 = arith.ori %and3A_470, %and3A_481 : vector<16xi32>
    %mul3A_483 = arith.constant 3125 : i32
    %mul3A_484 = arith.muli %add3A, %mul3A_483 : i32
    %shift_right_arithmetic3A_485 = arith.constant 3 : i32
    %shift_right_arithmetic3A_486 = arith.shrsi %mul3A_484, %shift_right_arithmetic3A_485 : i32
    %add3A_487 = arith.constant 1 : i32
    %add3A_488 = arith.addi %add3A, %add3A_487 : i32
    %mul3A_489 = arith.constant 3125 : i32
    %mul3A_490 = arith.muli %add3A_488, %mul3A_489 : i32
    %shift_right_arithmetic3A_491 = arith.constant 3 : i32
    %shift_right_arithmetic3A_492 = arith.shrsi %mul3A_490, %shift_right_arithmetic3A_491 : i32
    %add3A_493 = arith.constant 0 : i32
    %add3A_494 = arith.addi %shift_right_arithmetic3A_486, %add3A_493 : i32
    %sub3A_495 = arith.constant 14 : i32
    %sub3A_496 = arith.subi %shift_right_arithmetic3A_492, %sub3A_495 : i32
    %min3A = arith.minsi %add3A_494, %sub3A_496 : i32
    %mul3A_497 = arith.constant 128 : i32
    %mul3A_498 = arith.muli %min3A, %mul3A_497 : i32
    %dma_start3A = tpu.memref_slice %arg2[%mul3A_498] : memref<1600000xi32, #tpu.memory_space<hbm>> -> memref<1792xi32, #tpu.memory_space<hbm>>
    %dma_start3A_499 = tpu.memref_slice %arg2[%mul3A_498] : memref<1600000xi32, #tpu.memory_space<hbm>> -> memref<1792xi32, #tpu.memory_space<hbm>>
    tpu.enqueue_dma source(%dma_start3A_499 : memref<1792xi32, #tpu.memory_space<hbm>>) target(%arg10 : memref<1792xi32, #tpu.memory_space<vmem>>) target_semaphore(%arg20 : memref<!tpu.dma_semaphore, #tpu.memory_space<semaphore_mem>>)
    %dma_start3A_500 = arith.constant 0 : i32
    %dma_start3A_501 = tpu.memref_slice %arg3[%dma_start3A_500, %mul3A_498] : memref<2x1600000xi32, #tpu.memory_space<hbm>> -> memref<1x1792xi32, #tpu.memory_space<hbm>>
    %dma_start3A_502 = tpu.memref_squeeze %dma_start3A_501 : memref<1x1792xi32, #tpu.memory_space<hbm>> -> memref<1792xi32, #tpu.memory_space<hbm>>
    %dma_start3A_503 = tpu.memref_slice %arg3[%dma_start3A_500, %mul3A_498] : memref<2x1600000xi32, #tpu.memory_space<hbm>> -> memref<1x1792xi32, #tpu.memory_space<hbm>>
    %dma_start3A_504 = tpu.memref_squeeze %dma_start3A_503 : memref<1x1792xi32, #tpu.memory_space<hbm>> -> memref<1792xi32, #tpu.memory_space<hbm>>
    tpu.enqueue_dma source(%dma_start3A_504 : memref<1792xi32, #tpu.memory_space<hbm>>) target(%arg11 : memref<1792xi32, #tpu.memory_space<vmem>>) target_semaphore(%arg20 : memref<!tpu.dma_semaphore, #tpu.memory_space<semaphore_mem>>)
    %dma_start3A_505 = arith.constant 1 : i32
    %dma_start3A_506 = tpu.memref_slice %arg3[%dma_start3A_505, %mul3A_498] : memref<2x1600000xi32, #tpu.memory_space<hbm>> -> memref<1x1792xi32, #tpu.memory_space<hbm>>
    %dma_start3A_507 = tpu.memref_squeeze %dma_start3A_506 : memref<1x1792xi32, #tpu.memory_space<hbm>> -> memref<1792xi32, #tpu.memory_space<hbm>>
    %dma_start3A_508 = tpu.memref_slice %arg3[%dma_start3A_505, %mul3A_498] : memref<2x1600000xi32, #tpu.memory_space<hbm>> -> memref<1x1792xi32, #tpu.memory_space<hbm>>
    %dma_start3A_509 = tpu.memref_squeeze %dma_start3A_508 : memref<1x1792xi32, #tpu.memory_space<hbm>> -> memref<1792xi32, #tpu.memory_space<hbm>>
    tpu.enqueue_dma source(%dma_start3A_509 : memref<1792xi32, #tpu.memory_space<hbm>>) target(%arg12 : memref<1792xi32, #tpu.memory_space<vmem>>) target_semaphore(%arg20 : memref<!tpu.dma_semaphore, #tpu.memory_space<semaphore_mem>>)
    %dma_start3A_510 = tpu.memref_slice %arg4[%mul3A_498] : memref<1600000xf32, #tpu.memory_space<hbm>> -> memref<1792xf32, #tpu.memory_space<hbm>>
    %dma_start3A_511 = tpu.memref_slice %arg4[%mul3A_498] : memref<1600000xf32, #tpu.memory_space<hbm>> -> memref<1792xf32, #tpu.memory_space<hbm>>
    tpu.enqueue_dma source(%dma_start3A_511 : memref<1792xf32, #tpu.memory_space<hbm>>) target(%arg13 : memref<1792xf32, #tpu.memory_space<vmem>>) target_semaphore(%arg20 : memref<!tpu.dma_semaphore, #tpu.memory_space<semaphore_mem>>)
    %scan3A = arith.constant 0 : i32
    %scan3A_512 = arith.constant 0 : i32
    %scan3A_513 = arith.constant 14 : i32
    %scan3A_514 = arith.addi %scan3A_512, %scan3A_513 : i32
    %scan3A_515 = arith.constant 1 : i32
    scf.for %scan3A_528 = %scan3A_512 to %scan3A_514 step %scan3A_515  : i32 {
      %mul3A_529 = arith.constant 2 : i32
      %mul3A_530 = arith.muli %scan3A_528, %mul3A_529 : i32
      %add3A_531 = arith.constant 1 : i32
      %add3A_532 = arith.addi %mul3A_530, %add3A_531 : i32
      %dma_wait3A_533 = arith.constant 0 : i32
      %dma_wait3A_534 = tpu.memref_slice %arg2[%dma_wait3A_533] : memref<1600000xi32, #tpu.memory_space<hbm>> -> memref<1792xi32, #tpu.memory_space<hbm>>
      %dma_wait3A_535 = arith.constant 0 : i32
      %dma_wait3A_536 = tpu.memref_slice %arg2[%dma_wait3A_535] : memref<1600000xi32, #tpu.memory_space<hbm>> -> memref<1792xi32, #tpu.memory_space<hbm>>
      tpu.wait_dma2 semaphore(%arg20 : memref<!tpu.dma_semaphore, #tpu.memory_space<semaphore_mem>>) src(%dma_wait3A_536 : memref<1792xi32, #tpu.memory_space<hbm>>) dst(%arg10 : memref<1792xi32, #tpu.memory_space<vmem>>)
      %dma_wait3A_537 = arith.constant 0 : i32
      %dma_wait3A_538 = arith.constant 0 : i32
      %dma_wait3A_539 = tpu.memref_slice %arg3[%dma_wait3A_537, %dma_wait3A_538] : memref<2x1600000xi32, #tpu.memory_space<hbm>> -> memref<1x1792xi32, #tpu.memory_space<hbm>>
      %dma_wait3A_540 = tpu.memref_squeeze %dma_wait3A_539 : memref<1x1792xi32, #tpu.memory_space<hbm>> -> memref<1792xi32, #tpu.memory_space<hbm>>
      %dma_wait3A_541 = arith.constant 0 : i32
      %dma_wait3A_542 = tpu.memref_slice %arg3[%dma_wait3A_537, %dma_wait3A_541] : memref<2x1600000xi32, #tpu.memory_space<hbm>> -> memref<1x1792xi32, #tpu.memory_space<hbm>>
      %dma_wait3A_543 = tpu.memref_squeeze %dma_wait3A_542 : memref<1x1792xi32, #tpu.memory_space<hbm>> -> memref<1792xi32, #tpu.memory_space<hbm>>
      tpu.wait_dma2 semaphore(%arg20 : memref<!tpu.dma_semaphore, #tpu.memory_space<semaphore_mem>>) src(%dma_wait3A_543 : memref<1792xi32, #tpu.memory_space<hbm>>) dst(%arg11 : memref<1792xi32, #tpu.memory_space<vmem>>)
      %dma_wait3A_544 = arith.constant 1 : i32
      %dma_wait3A_545 = arith.constant 0 : i32
      %dma_wait3A_546 = tpu.memref_slice %arg3[%dma_wait3A_544, %dma_wait3A_545] : memref<2x1600000xi32, #tpu.memory_space<hbm>> -> memref<1x1792xi32, #tpu.memory_space<hbm>>
      %dma_wait3A_547 = tpu.memref_squeeze %dma_wait3A_546 : memref<1x1792xi32, #tpu.memory_space<hbm>> -> memref<1792xi32, #tpu.memory_space<hbm>>
      %dma_wait3A_548 = arith.constant 0 : i32
      %dma_wait3A_549 = tpu.memref_slice %arg3[%dma_wait3A_544, %dma_wait3A_548] : memref<2x1600000xi32, #tpu.memory_space<hbm>> -> memref<1x1792xi32, #tpu.memory_space<hbm>>
      %dma_wait3A_550 = tpu.memref_squeeze %dma_wait3A_549 : memref<1x1792xi32, #tpu.memory_space<hbm>> -> memref<1792xi32, #tpu.memory_space<hbm>>
      tpu.wait_dma2 semaphore(%arg20 : memref<!tpu.dma_semaphore, #tpu.memory_space<semaphore_mem>>) src(%dma_wait3A_550 : memref<1792xi32, #tpu.memory_space<hbm>>) dst(%arg12 : memref<1792xi32, #tpu.memory_space<vmem>>)
      %dma_wait3A_551 = arith.constant 0 : i32
      %dma_wait3A_552 = tpu.memref_slice %arg4[%dma_wait3A_551] : memref<1600000xf32, #tpu.memory_space<hbm>> -> memref<1792xf32, #tpu.memory_space<hbm>>
      %dma_wait3A_553 = arith.constant 0 : i32
      %dma_wait3A_554 = tpu.memref_slice %arg4[%dma_wait3A_553] : memref<1600000xf32, #tpu.memory_space<hbm>> -> memref<1792xf32, #tpu.memory_space<hbm>>
      tpu.wait_dma2 semaphore(%arg20 : memref<!tpu.dma_semaphore, #tpu.memory_space<semaphore_mem>>) src(%dma_wait3A_554 : memref<1792xf32, #tpu.memory_space<hbm>>) dst(%arg13 : memref<1792xf32, #tpu.memory_space<vmem>>)
      %mul3A_555 = arith.constant 14 : i32
      %mul3A_556 = arith.muli %add3A_532, %mul3A_555 : i32
      %add3A_557 = arith.addi %shift_right_arithmetic3A_486, %mul3A_556 : i32
      %sub3A_558 = arith.constant 14 : i32
      %sub3A_559 = arith.subi %shift_right_arithmetic3A_492, %sub3A_558 : i32
      %min3A_560 = arith.minsi %add3A_557, %sub3A_559 : i32
      %mul3A_561 = arith.constant 128 : i32
      %mul3A_562 = arith.muli %min3A_560, %mul3A_561 : i32
      %dma_start3A_563 = tpu.memref_slice %arg2[%mul3A_562] : memref<1600000xi32, #tpu.memory_space<hbm>> -> memref<1792xi32, #tpu.memory_space<hbm>>
      %dma_start3A_564 = tpu.memref_slice %arg2[%mul3A_562] : memref<1600000xi32, #tpu.memory_space<hbm>> -> memref<1792xi32, #tpu.memory_space<hbm>>
      tpu.enqueue_dma source(%dma_start3A_564 : memref<1792xi32, #tpu.memory_space<hbm>>) target(%arg15 : memref<1792xi32, #tpu.memory_space<vmem>>) target_semaphore(%arg21 : memref<!tpu.dma_semaphore, #tpu.memory_space<semaphore_mem>>)
      %dma_start3A_565 = arith.constant 0 : i32
      %dma_start3A_566 = tpu.memref_slice %arg3[%dma_start3A_565, %mul3A_562] : memref<2x1600000xi32, #tpu.memory_space<hbm>> -> memref<1x1792xi32, #tpu.memory_space<hbm>>
      %dma_start3A_567 = tpu.memref_squeeze %dma_start3A_566 : memref<1x1792xi32, #tpu.memory_space<hbm>> -> memref<1792xi32, #tpu.memory_space<hbm>>
      %dma_start3A_568 = tpu.memref_slice %arg3[%dma_start3A_565, %mul3A_562] : memref<2x1600000xi32, #tpu.memory_space<hbm>> -> memref<1x1792xi32, #tpu.memory_space<hbm>>
      %dma_start3A_569 = tpu.memref_squeeze %dma_start3A_568 : memref<1x1792xi32, #tpu.memory_space<hbm>> -> memref<1792xi32, #tpu.memory_space<hbm>>
      tpu.enqueue_dma source(%dma_start3A_569 : memref<1792xi32, #tpu.memory_space<hbm>>) target(%arg16 : memref<1792xi32, #tpu.memory_space<vmem>>) target_semaphore(%arg21 : memref<!tpu.dma_semaphore, #tpu.memory_space<semaphore_mem>>)
      %dma_start3A_570 = arith.constant 1 : i32
      %dma_start3A_571 = tpu.memref_slice %arg3[%dma_start3A_570, %mul3A_562] : memref<2x1600000xi32, #tpu.memory_space<hbm>> -> memref<1x1792xi32, #tpu.memory_space<hbm>>
      %dma_start3A_572 = tpu.memref_squeeze %dma_start3A_571 : memref<1x1792xi32, #tpu.memory_space<hbm>> -> memref<1792xi32, #tpu.memory_space<hbm>>
      %dma_start3A_573 = tpu.memref_slice %arg3[%dma_start3A_570, %mul3A_562] : memref<2x1600000xi32, #tpu.memory_space<hbm>> -> memref<1x1792xi32, #tpu.memory_space<hbm>>
      %dma_start3A_574 = tpu.memref_squeeze %dma_start3A_573 : memref<1x1792xi32, #tpu.memory_space<hbm>> -> memref<1792xi32, #tpu.memory_space<hbm>>
      tpu.enqueue_dma source(%dma_start3A_574 : memref<1792xi32, #tpu.memory_space<hbm>>) target(%arg17 : memref<1792xi32, #tpu.memory_space<vmem>>) target_semaphore(%arg21 : memref<!tpu.dma_semaphore, #tpu.memory_space<semaphore_mem>>)
      %dma_start3A_575 = tpu.memref_slice %arg4[%mul3A_562] : memref<1600000xf32, #tpu.memory_space<hbm>> -> memref<1792xf32, #tpu.memory_space<hbm>>
      %dma_start3A_576 = tpu.memref_slice %arg4[%mul3A_562] : memref<1600000xf32, #tpu.memory_space<hbm>> -> memref<1792xf32, #tpu.memory_space<hbm>>
      tpu.enqueue_dma source(%dma_start3A_576 : memref<1792xf32, #tpu.memory_space<hbm>>) target(%arg18 : memref<1792xf32, #tpu.memory_space<vmem>>) target_semaphore(%arg21 : memref<!tpu.dma_semaphore, #tpu.memory_space<semaphore_mem>>)
      %gt3A_577 = arith.constant 0 : i32
      %gt3A_578 = arith.cmpi sgt, %scan3A_528, %gt3A_577 : i32
      %convert_element_type3A_579 = arith.extui %gt3A_578 : i1 to i32
      %cond3A = arith.constant 0 : i32
      %cond3A_580 = arith.cmpi ne, %convert_element_type3A_579, %cond3A : i32
      scf.if %cond3A_580 {
        %dma_wait3A_641 = arith.constant 0 : i32
        %dma_wait3A_642 = arith.constant 0 : i32
        %dma_wait3A_643 = tpu.memref_slice %arg7[%dma_wait3A_641, %dma_wait3A_642] : memref<19x1600000xf32, #tpu.memory_space<hbm>> -> memref<19x1792xf32, #tpu.memory_space<hbm>>
        %dma_wait3A_644 = arith.constant 0 : i32
        %dma_wait3A_645 = arith.constant 0 : i32
        %dma_wait3A_646 = tpu.memref_slice %arg7[%dma_wait3A_644, %dma_wait3A_645] : memref<19x1600000xf32, #tpu.memory_space<hbm>> -> memref<19x1792xf32, #tpu.memory_space<hbm>>
        tpu.wait_dma2 semaphore(%arg22 : memref<!tpu.dma_semaphore, #tpu.memory_space<semaphore_mem>>) src(%arg14 : memref<19x1792xf32, #tpu.memory_space<vmem>>) dst(%dma_wait3A_646 : memref<19x1792xf32, #tpu.memory_space<hbm>>)
      } else {
      }
      %parallel_loop3A = arith.constant 0 : i32
      %parallel_loop3A_581 = arith.constant 112 : i32
      %parallel_loop3A_582 = arith.constant 1 : i32
      scf.for %parallel_loop3A_641 = %parallel_loop3A to %parallel_loop3A_581 step %parallel_loop3A_582  : i32 {
        %parallel_loop3A_642 = arith.constant 16 : i32
        %parallel_loop3A_643 = arith.muli %parallel_loop3A_641, %parallel_loop3A_642 : i32
        %parallel_loop3A_644 = tpu.assume_multiple %parallel_loop3A_643, 16 : i32
        %parallel_loop3A_645 = arith.index_cast %parallel_loop3A_644 : i32 to index
        %parallel_loop3A_646 = tpu.vector_load %arg10[%parallel_loop3A_645] {strides = array<i32>} : memref<1792xi32, #tpu.memory_space<vmem>>, vector<16xi32>,
        %parallel_loop3A_647 = arith.index_cast %parallel_loop3A_644 : i32 to index
        %parallel_loop3A_648 = tpu.vector_load %arg11[%parallel_loop3A_647] {strides = array<i32>} : memref<1792xi32, #tpu.memory_space<vmem>>, vector<16xi32>,
        %parallel_loop3A_649 = arith.index_cast %parallel_loop3A_644 : i32 to index
        %parallel_loop3A_650 = tpu.vector_load %arg12[%parallel_loop3A_649] {strides = array<i32>} : memref<1792xi32, #tpu.memory_space<vmem>>, vector<16xi32>,
        %parallel_loop3A_651 = arith.index_cast %parallel_loop3A_644 : i32 to index
        %parallel_loop3A_652 = tpu.vector_load %arg13[%parallel_loop3A_651] {strides = array<i32>} : memref<1792xf32, #tpu.memory_space<vmem>>, vector<16xf32>,
        %parallel_loop3A_653 = arith.constant 4 : i32
        %parallel_loop3A_654 = vector.broadcast %parallel_loop3A_653 : i32 to vector<16xi32>
        %parallel_loop3A_655 = arith.muli %parallel_loop3A_648, %parallel_loop3A_654 : vector<16xi32>
        %parallel_loop3A_656 = arith.addi %parallel_loop3A_655, %parallel_loop3A_650 : vector<16xi32>
        %parallel_loop3A_657 = tpu.vector_load_idx %arg9[%parallel_loop3A_656] : memref<16xf32, #tpu.memory_space<vmem>>[vector<16xi32>], vector<16xf32>,
        %parallel_loop3A_658 = tpu.bitcast %parallel_loop3A_652 : vector<16xf32> -> vector<16xi32>
        %parallel_loop3A_659 = arith.constant 23 : i32
        %parallel_loop3A_660 = vector.broadcast %parallel_loop3A_659 : i32 to vector<16xi32>
        %parallel_loop3A_661 = arith.shrsi %parallel_loop3A_658, %parallel_loop3A_660 : vector<16xi32>
        %parallel_loop3A_662 = arith.constant 127 : i32
        %parallel_loop3A_663 = vector.broadcast %parallel_loop3A_662 : i32 to vector<16xi32>
        %parallel_loop3A_664 = arith.subi %parallel_loop3A_661, %parallel_loop3A_663 : vector<16xi32>
        %parallel_loop3A_665 = arith.constant 8388607 : i32
        %parallel_loop3A_666 = vector.broadcast %parallel_loop3A_665 : i32 to vector<16xi32>
        %parallel_loop3A_667 = arith.andi %parallel_loop3A_658, %parallel_loop3A_666 : vector<16xi32>
        %parallel_loop3A_668 = arith.constant 1065353216 : i32
        %parallel_loop3A_669 = vector.broadcast %parallel_loop3A_668 : i32 to vector<16xi32>
        %parallel_loop3A_670 = arith.ori %parallel_loop3A_667, %parallel_loop3A_669 : vector<16xi32>
        %parallel_loop3A_671 = tpu.bitcast %parallel_loop3A_670 : vector<16xi32> -> vector<16xf32>
        %parallel_loop3A_672 = arith.constant 1.41421354 : f32
        %parallel_loop3A_673 = vector.broadcast %parallel_loop3A_672 : f32 to vector<16xf32>
        %parallel_loop3A_674 = arith.cmpf ogt, %parallel_loop3A_671, %parallel_loop3A_673 : vector<16xf32>
        %parallel_loop3A_675 = arith.constant 5.000000e-01 : f32
        %parallel_loop3A_676 = vector.broadcast %parallel_loop3A_675 : f32 to vector<16xf32>
        %parallel_loop3A_677 = arith.mulf %parallel_loop3A_671, %parallel_loop3A_676 : vector<16xf32>
        %parallel_loop3A_678 = arith.select %parallel_loop3A_674, %parallel_loop3A_677, %parallel_loop3A_671 : vector<16xi1>, vector<16xf32>
        %parallel_loop3A_679 = arith.sitofp %parallel_loop3A_664 : vector<16xi32> to vector<16xf32>
        %parallel_loop3A_680 = arith.constant 1.000000e+00 : f32
        %parallel_loop3A_681 = arith.constant 0.000000e+00 : f32
        %parallel_loop3A_682 = vector.broadcast %parallel_loop3A_680 : f32 to vector<16xf32>
        %parallel_loop3A_683 = vector.broadcast %parallel_loop3A_681 : f32 to vector<16xf32>
        %parallel_loop3A_684 = arith.select %parallel_loop3A_674, %parallel_loop3A_682, %parallel_loop3A_683 : vector<16xi1>, vector<16xf32>
        %parallel_loop3A_685 = arith.addf %parallel_loop3A_679, %parallel_loop3A_684 : vector<16xf32>
        %parallel_loop3A_686 = arith.constant 1.000000e+00 : f32
        %parallel_loop3A_687 = vector.broadcast %parallel_loop3A_686 : f32 to vector<16xf32>
        %parallel_loop3A_688 = arith.subf %parallel_loop3A_678, %parallel_loop3A_687 : vector<16xf32>
        %parallel_loop3A_689 = arith.constant 1.000000e+00 : f32
        %parallel_loop3A_690 = vector.broadcast %parallel_loop3A_689 : f32 to vector<16xf32>
        %parallel_loop3A_691 = arith.addf %parallel_loop3A_678, %parallel_loop3A_690 : vector<16xf32>
        %parallel_loop3A_692 = arith.divf %parallel_loop3A_688, %parallel_loop3A_691 : vector<16xf32>
        %parallel_loop3A_693 = arith.constant 0.693147182 : f32
        %parallel_loop3A_694 = vector.broadcast %parallel_loop3A_693 : f32 to vector<16xf32>
        %parallel_loop3A_695 = arith.mulf %parallel_loop3A_685, %parallel_loop3A_694 : vector<16xf32>
        %parallel_loop3A_696 = arith.mulf %parallel_loop3A_692, %parallel_loop3A_692 : vector<16xf32>
        %parallel_loop3A_697 = arith.constant 0.285714298 : f32
        %parallel_loop3A_698 = vector.broadcast %parallel_loop3A_697 : f32 to vector<16xf32>
        %parallel_loop3A_699 = arith.mulf %parallel_loop3A_696, %parallel_loop3A_698 : vector<16xf32>
        %parallel_loop3A_700 = arith.constant 4.000000e-01 : f32
        %parallel_loop3A_701 = vector.broadcast %parallel_loop3A_700 : f32 to vector<16xf32>
        %parallel_loop3A_702 = arith.addf %parallel_loop3A_701, %parallel_loop3A_699 : vector<16xf32>
        %parallel_loop3A_703 = arith.mulf %parallel_loop3A_696, %parallel_loop3A_702 : vector<16xf32>
        %parallel_loop3A_704 = arith.constant 0.666666686 : f32
        %parallel_loop3A_705 = vector.broadcast %parallel_loop3A_704 : f32 to vector<16xf32>
        %parallel_loop3A_706 = arith.addf %parallel_loop3A_705, %parallel_loop3A_703 : vector<16xf32>
        %parallel_loop3A_707 = arith.mulf %parallel_loop3A_696, %parallel_loop3A_706 : vector<16xf32>
        %parallel_loop3A_708 = arith.constant 2.000000e+00 : f32
        %parallel_loop3A_709 = vector.broadcast %parallel_loop3A_708 : f32 to vector<16xf32>
        %parallel_loop3A_710 = arith.addf %parallel_loop3A_709, %parallel_loop3A_707 : vector<16xf32>
        %parallel_loop3A_711 = arith.mulf %parallel_loop3A_692, %parallel_loop3A_710 : vector<16xf32>
        %parallel_loop3A_712 = arith.addf %parallel_loop3A_695, %parallel_loop3A_711 : vector<16xf32>
        %parallel_loop3A_713 = arith.subf %parallel_loop3A_657, %parallel_loop3A_712 : vector<16xf32>
        %parallel_loop3A_714 = arith.constant 6.000000e+00 : f32
        %parallel_loop3A_715 = vector.broadcast %parallel_loop3A_714 : f32 to vector<16xf32>
        %parallel_loop3A_716 = arith.subf %parallel_loop3A_652, %parallel_loop3A_715 : vector<16xf32>
        %parallel_loop3A_717 = arith.constant 5.000000e+00 : f32
        %parallel_loop3A_718 = vector.broadcast %parallel_loop3A_717 : f32 to vector<16xf32>
        %parallel_loop3A_719 = arith.mulf %parallel_loop3A_716, %parallel_loop3A_718 : vector<16xf32>
        %parallel_loop3A_720 = math.exp %parallel_loop3A_719 : vector<16xf32>
        %parallel_loop3A_721 = arith.constant 1.000000e+00 : f32
        %parallel_loop3A_722 = vector.broadcast %parallel_loop3A_721 : f32 to vector<16xf32>
        %parallel_loop3A_723 = arith.addf %parallel_loop3A_722, %parallel_loop3A_720 : vector<16xf32>
        %parallel_loop3A_724 = arith.constant 1.000000e+00 : f32
        %parallel_loop3A_725 = vector.broadcast %parallel_loop3A_724 : f32 to vector<16xf32>
        %parallel_loop3A_726 = arith.divf %parallel_loop3A_725, %parallel_loop3A_723 : vector<16xf32>
        %parallel_loop3A_727 = arith.constant 0 : i32
        %parallel_loop3A_728 = vector.broadcast %parallel_loop3A_727 : i32 to vector<16xi32>
        %parallel_loop3A_729 = arith.cmpi slt, %parallel_loop3A_646, %parallel_loop3A_728 : vector<16xi32>
        %parallel_loop3A_730 = arith.constant 16 : i32
        %parallel_loop3A_731 = vector.broadcast %parallel_loop3A_730 : i32 to vector<16xi32>
        %parallel_loop3A_732 = arith.addi %parallel_loop3A_646, %parallel_loop3A_731 : vector<16xi32>
        %parallel_loop3A_733 = arith.select %parallel_loop3A_729, %parallel_loop3A_732, %parallel_loop3A_646 : vector<16xi1>, vector<16xi32>
        %parallel_loop3A_734 = vector.shape_cast %parallel_loop3A_733 : vector<16xi32> to vector<16x1xi32>
        %parallel_loop3A_735 = vector.shape_cast %parallel_loop3A_734 : vector<16x1xi32> to vector<16xi32>
        %parallel_loop3A_736 = tpu.dynamic_gather %or3A_68[%parallel_loop3A_735] in [0] : vector<16xi32>, vector<16xi32> -> vector<16xi32>
        %parallel_loop3A_737 = arith.constant -65536 : i32
        %parallel_loop3A_738 = vector.broadcast %parallel_loop3A_737 : i32 to vector<16xi32>
        %parallel_loop3A_739 = arith.andi %parallel_loop3A_736, %parallel_loop3A_738 : vector<16xi32>
        %parallel_loop3A_740 = tpu.bitcast %parallel_loop3A_739 : vector<16xi32> -> vector<16xf32>
        %parallel_loop3A_741 = arith.constant 16 : i32
        %parallel_loop3A_742 = vector.broadcast %parallel_loop3A_741 : i32 to vector<16xi32>
        %parallel_loop3A_743 = arith.shli %parallel_loop3A_736, %parallel_loop3A_742 : vector<16xi32>
        %parallel_loop3A_744 = tpu.bitcast %parallel_loop3A_743 : vector<16xi32> -> vector<16xf32>
        %parallel_loop3A_745 = arith.mulf %parallel_loop3A_740, %parallel_loop3A_726 : vector<16xf32>
        %parallel_loop3A_746 = arith.mulf %parallel_loop3A_744, %parallel_loop3A_713 : vector<16xf32>
        %parallel_loop3A_747 = arith.addf %parallel_loop3A_713, %parallel_loop3A_746 : vector<16xf32>
        %parallel_loop3A_748 = math.exp %parallel_loop3A_747 : vector<16xf32>
        %parallel_loop3A_749 = arith.mulf %parallel_loop3A_745, %parallel_loop3A_748 : vector<16xf32>
        %parallel_loop3A_750 = arith.constant 0 : i32
        %parallel_loop3A_751 = arith.index_cast %parallel_loop3A_750 : i32 to index
        %parallel_loop3A_752 = arith.index_cast %parallel_loop3A_644 : i32 to index
        %parallel_loop3A_753 = tpu.vector_load %arg14[%parallel_loop3A_751, %parallel_loop3A_752] {strides = array<i32>} : memref<19x1792xf32, #tpu.memory_space<vmem>>, vector<16xf32>,
        tpu.vector_store %arg14[%parallel_loop3A_751, %parallel_loop3A_752], %parallel_loop3A_749 {strides = array<i32>} : memref<19x1792xf32, #tpu.memory_space<vmem>>, vector<16xf32>,
        %parallel_loop3A_754 = arith.constant 0 : i32
        %parallel_loop3A_755 = vector.broadcast %parallel_loop3A_754 : i32 to vector<16xi32>
        %parallel_loop3A_756 = arith.cmpi slt, %parallel_loop3A_646, %parallel_loop3A_755 : vector<16xi32>
        %parallel_loop3A_757 = arith.constant 16 : i32
        %parallel_loop3A_758 = vector.broadcast %parallel_loop3A_757 : i32 to vector<16xi32>
        %parallel_loop3A_759 = arith.addi %parallel_loop3A_646, %parallel_loop3A_758 : vector<16xi32>
        %parallel_loop3A_760 = arith.select %parallel_loop3A_756, %parallel_loop3A_759, %parallel_loop3A_646 : vector<16xi1>, vector<16xi32>
        %parallel_loop3A_761 = vector.shape_cast %parallel_loop3A_760 : vector<16xi32> to vector<16x1xi32>
        %parallel_loop3A_762 = vector.shape_cast %parallel_loop3A_761 : vector<16x1xi32> to vector<16xi32>
        %parallel_loop3A_763 = tpu.dynamic_gather %or3A_91[%parallel_loop3A_762] in [0] : vector<16xi32>, vector<16xi32> -> vector<16xi32>
        %parallel_loop3A_764 = arith.constant -65536 : i32
        %parallel_loop3A_765 = vector.broadcast %parallel_loop3A_764 : i32 to vector<16xi32>
        %parallel_loop3A_766 = arith.andi %parallel_loop3A_763, %parallel_loop3A_765 : vector<16xi32>
        %parallel_loop3A_767 = tpu.bitcast %parallel_loop3A_766 : vector<16xi32> -> vector<16xf32>
        %parallel_loop3A_768 = arith.constant 16 : i32
        %parallel_loop3A_769 = vector.broadcast %parallel_loop3A_768 : i32 to vector<16xi32>
        %parallel_loop3A_770 = arith.shli %parallel_loop3A_763, %parallel_loop3A_769 : vector<16xi32>
        %parallel_loop3A_771 = tpu.bitcast %parallel_loop3A_770 : vector<16xi32> -> vector<16xf32>
        %parallel_loop3A_772 = arith.mulf %parallel_loop3A_767, %parallel_loop3A_726 : vector<16xf32>
        %parallel_loop3A_773 = arith.mulf %parallel_loop3A_771, %parallel_loop3A_713 : vector<16xf32>
        %parallel_loop3A_774 = arith.addf %parallel_loop3A_713, %parallel_loop3A_773 : vector<16xf32>
        %parallel_loop3A_775 = math.exp %parallel_loop3A_774 : vector<16xf32>
        %parallel_loop3A_776 = arith.mulf %parallel_loop3A_772, %parallel_loop3A_775 : vector<16xf32>
        %parallel_loop3A_777 = arith.constant 1 : i32
        %parallel_loop3A_778 = arith.index_cast %parallel_loop3A_777 : i32 to index
        %parallel_loop3A_779 = arith.index_cast %parallel_loop3A_644 : i32 to index
        %parallel_loop3A_780 = tpu.vector_load %arg14[%parallel_loop3A_778, %parallel_loop3A_779] {strides = array<i32>} : memref<19x1792xf32, #tpu.memory_space<vmem>>, vector<16xf32>,
        tpu.vector_store %arg14[%parallel_loop3A_778, %parallel_loop3A_779], %parallel_loop3A_776 {strides = array<i32>} : memref<19x1792xf32, #tpu.memory_space<vmem>>, vector<16xf32>,
        %parallel_loop3A_781 = arith.constant 0 : i32
        %parallel_loop3A_782 = vector.broadcast %parallel_loop3A_781 : i32 to vector<16xi32>
        %parallel_loop3A_783 = arith.cmpi slt, %parallel_loop3A_646, %parallel_loop3A_782 : vector<16xi32>
        %parallel_loop3A_784 = arith.constant 16 : i32
        %parallel_loop3A_785 = vector.broadcast %parallel_loop3A_784 : i32 to vector<16xi32>
        %parallel_loop3A_786 = arith.addi %parallel_loop3A_646, %parallel_loop3A_785 : vector<16xi32>
        %parallel_loop3A_787 = arith.select %parallel_loop3A_783, %parallel_loop3A_786, %parallel_loop3A_646 : vector<16xi1>, vector<16xi32>
        %parallel_loop3A_788 = vector.shape_cast %parallel_loop3A_787 : vector<16xi32> to vector<16x1xi32>
        %parallel_loop3A_789 = vector.shape_cast %parallel_loop3A_788 : vector<16x1xi32> to vector<16xi32>
        %parallel_loop3A_790 = tpu.dynamic_gather %or3A_114[%parallel_loop3A_789] in [0] : vector<16xi32>, vector<16xi32> -> vector<16xi32>
        %parallel_loop3A_791 = arith.constant -65536 : i32
        %parallel_loop3A_792 = vector.broadcast %parallel_loop3A_791 : i32 to vector<16xi32>
        %parallel_loop3A_793 = arith.andi %parallel_loop3A_790, %parallel_loop3A_792 : vector<16xi32>
        %parallel_loop3A_794 = tpu.bitcast %parallel_loop3A_793 : vector<16xi32> -> vector<16xf32>
        %parallel_loop3A_795 = arith.constant 16 : i32
        %parallel_loop3A_796 = vector.broadcast %parallel_loop3A_795 : i32 to vector<16xi32>
        %parallel_loop3A_797 = arith.shli %parallel_loop3A_790, %parallel_loop3A_796 : vector<16xi32>
        %parallel_loop3A_798 = tpu.bitcast %parallel_loop3A_797 : vector<16xi32> -> vector<16xf32>
        %parallel_loop3A_799 = arith.mulf %parallel_loop3A_794, %parallel_loop3A_726 : vector<16xf32>
        %parallel_loop3A_800 = arith.mulf %parallel_loop3A_798, %parallel_loop3A_713 : vector<16xf32>
        %parallel_loop3A_801 = arith.addf %parallel_loop3A_713, %parallel_loop3A_800 : vector<16xf32>
        %parallel_loop3A_802 = math.exp %parallel_loop3A_801 : vector<16xf32>
        %parallel_loop3A_803 = arith.mulf %parallel_loop3A_799, %parallel_loop3A_802 : vector<16xf32>
        %parallel_loop3A_804 = arith.constant 2 : i32
        %parallel_loop3A_805 = arith.index_cast %parallel_loop3A_804 : i32 to index
        %parallel_loop3A_806 = arith.index_cast %parallel_loop3A_644 : i32 to index
        %parallel_loop3A_807 = tpu.vector_load %arg14[%parallel_loop3A_805, %parallel_loop3A_806] {strides = array<i32>} : memref<19x1792xf32, #tpu.memory_space<vmem>>, vector<16xf32>,
        tpu.vector_store %arg14[%parallel_loop3A_805, %parallel_loop3A_806], %parallel_loop3A_803 {strides = array<i32>} : memref<19x1792xf32, #tpu.memory_space<vmem>>, vector<16xf32>,
        %parallel_loop3A_808 = arith.constant 0 : i32
        %parallel_loop3A_809 = vector.broadcast %parallel_loop3A_808 : i32 to vector<16xi32>
        %parallel_loop3A_810 = arith.cmpi slt, %parallel_loop3A_646, %parallel_loop3A_809 : vector<16xi32>
        %parallel_loop3A_811 = arith.constant 16 : i32
        %parallel_loop3A_812 = vector.broadcast %parallel_loop3A_811 : i32 to vector<16xi32>
        %parallel_loop3A_813 = arith.addi %parallel_loop3A_646, %parallel_loop3A_812 : vector<16xi32>
        %parallel_loop3A_814 = arith.select %parallel_loop3A_810, %parallel_loop3A_813, %parallel_loop3A_646 : vector<16xi1>, vector<16xi32>
        %parallel_loop3A_815 = vector.shape_cast %parallel_loop3A_814 : vector<16xi32> to vector<16x1xi32>
        %parallel_loop3A_816 = vector.shape_cast %parallel_loop3A_815 : vector<16x1xi32> to vector<16xi32>
        %parallel_loop3A_817 = tpu.dynamic_gather %or3A_137[%parallel_loop3A_816] in [0] : vector<16xi32>, vector<16xi32> -> vector<16xi32>
        %parallel_loop3A_818 = arith.constant -65536 : i32
        %parallel_loop3A_819 = vector.broadcast %parallel_loop3A_818 : i32 to vector<16xi32>
        %parallel_loop3A_820 = arith.andi %parallel_loop3A_817, %parallel_loop3A_819 : vector<16xi32>
        %parallel_loop3A_821 = tpu.bitcast %parallel_loop3A_820 : vector<16xi32> -> vector<16xf32>
        %parallel_loop3A_822 = arith.constant 16 : i32
        %parallel_loop3A_823 = vector.broadcast %parallel_loop3A_822 : i32 to vector<16xi32>
        %parallel_loop3A_824 = arith.shli %parallel_loop3A_817, %parallel_loop3A_823 : vector<16xi32>
        %parallel_loop3A_825 = tpu.bitcast %parallel_loop3A_824 : vector<16xi32> -> vector<16xf32>
        %parallel_loop3A_826 = arith.mulf %parallel_loop3A_821, %parallel_loop3A_726 : vector<16xf32>
        %parallel_loop3A_827 = arith.mulf %parallel_loop3A_825, %parallel_loop3A_713 : vector<16xf32>
        %parallel_loop3A_828 = arith.addf %parallel_loop3A_713, %parallel_loop3A_827 : vector<16xf32>
        %parallel_loop3A_829 = math.exp %parallel_loop3A_828 : vector<16xf32>
        %parallel_loop3A_830 = arith.mulf %parallel_loop3A_826, %parallel_loop3A_829 : vector<16xf32>
        %parallel_loop3A_831 = arith.constant 3 : i32
        %parallel_loop3A_832 = arith.index_cast %parallel_loop3A_831 : i32 to index
        %parallel_loop3A_833 = arith.index_cast %parallel_loop3A_644 : i32 to index
        %parallel_loop3A_834 = tpu.vector_load %arg14[%parallel_loop3A_832, %parallel_loop3A_833] {strides = array<i32>} : memref<19x1792xf32, #tpu.memory_space<vmem>>, vector<16xf32>,
        tpu.vector_store %arg14[%parallel_loop3A_832, %parallel_loop3A_833], %parallel_loop3A_830 {strides = array<i32>} : memref<19x1792xf32, #tpu.memory_space<vmem>>, vector<16xf32>,
        %parallel_loop3A_835 = arith.constant 0 : i32
        %parallel_loop3A_836 = vector.broadcast %parallel_loop3A_835 : i32 to vector<16xi32>
        %parallel_loop3A_837 = arith.cmpi slt, %parallel_loop3A_646, %parallel_loop3A_836 : vector<16xi32>
        %parallel_loop3A_838 = arith.constant 16 : i32
        %parallel_loop3A_839 = vector.broadcast %parallel_loop3A_838 : i32 to vector<16xi32>
        %parallel_loop3A_840 = arith.addi %parallel_loop3A_646, %parallel_loop3A_839 : vector<16xi32>
        %parallel_loop3A_841 = arith.select %parallel_loop3A_837, %parallel_loop3A_840, %parallel_loop3A_646 : vector<16xi1>, vector<16xi32>
        %parallel_loop3A_842 = vector.shape_cast %parallel_loop3A_841 : vector<16xi32> to vector<16x1xi32>
        %parallel_loop3A_843 = vector.shape_cast %parallel_loop3A_842 : vector<16x1xi32> to vector<16xi32>
        %parallel_loop3A_844 = tpu.dynamic_gather %or3A_160[%parallel_loop3A_843] in [0] : vector<16xi32>, vector<16xi32> -> vector<16xi32>
        %parallel_loop3A_845 = arith.constant -65536 : i32
        %parallel_loop3A_846 = vector.broadcast %parallel_loop3A_845 : i32 to vector<16xi32>
        %parallel_loop3A_847 = arith.andi %parallel_loop3A_844, %parallel_loop3A_846 : vector<16xi32>
        %parallel_loop3A_848 = tpu.bitcast %parallel_loop3A_847 : vector<16xi32> -> vector<16xf32>
        %parallel_loop3A_849 = arith.constant 16 : i32
        %parallel_loop3A_850 = vector.broadcast %parallel_loop3A_849 : i32 to vector<16xi32>
        %parallel_loop3A_851 = arith.shli %parallel_loop3A_844, %parallel_loop3A_850 : vector<16xi32>
        %parallel_loop3A_852 = tpu.bitcast %parallel_loop3A_851 : vector<16xi32> -> vector<16xf32>
        %parallel_loop3A_853 = arith.mulf %parallel_loop3A_848, %parallel_loop3A_726 : vector<16xf32>
        %parallel_loop3A_854 = arith.mulf %parallel_loop3A_852, %parallel_loop3A_713 : vector<16xf32>
        %parallel_loop3A_855 = arith.addf %parallel_loop3A_713, %parallel_loop3A_854 : vector<16xf32>
        %parallel_loop3A_856 = math.exp %parallel_loop3A_855 : vector<16xf32>
        %parallel_loop3A_857 = arith.mulf %parallel_loop3A_853, %parallel_loop3A_856 : vector<16xf32>
        %parallel_loop3A_858 = arith.constant 4 : i32
        %parallel_loop3A_859 = arith.index_cast %parallel_loop3A_858 : i32 to index
        %parallel_loop3A_860 = arith.index_cast %parallel_loop3A_644 : i32 to index
        %parallel_loop3A_861 = tpu.vector_load %arg14[%parallel_loop3A_859, %parallel_loop3A_860] {strides = array<i32>} : memref<19x1792xf32, #tpu.memory_space<vmem>>, vector<16xf32>,
        tpu.vector_store %arg14[%parallel_loop3A_859, %parallel_loop3A_860], %parallel_loop3A_857 {strides = array<i32>} : memref<19x1792xf32, #tpu.memory_space<vmem>>, vector<16xf32>,
        %parallel_loop3A_862 = arith.constant 0 : i32
        %parallel_loop3A_863 = vector.broadcast %parallel_loop3A_862 : i32 to vector<16xi32>
        %parallel_loop3A_864 = arith.cmpi slt, %parallel_loop3A_646, %parallel_loop3A_863 : vector<16xi32>
        %parallel_loop3A_865 = arith.constant 16 : i32
        %parallel_loop3A_866 = vector.broadcast %parallel_loop3A_865 : i32 to vector<16xi32>
        %parallel_loop3A_867 = arith.addi %parallel_loop3A_646, %parallel_loop3A_866 : vector<16xi32>
        %parallel_loop3A_868 = arith.select %parallel_loop3A_864, %parallel_loop3A_867, %parallel_loop3A_646 : vector<16xi1>, vector<16xi32>
        %parallel_loop3A_869 = vector.shape_cast %parallel_loop3A_868 : vector<16xi32> to vector<16x1xi32>
        %parallel_loop3A_870 = vector.shape_cast %parallel_loop3A_869 : vector<16x1xi32> to vector<16xi32>
        %parallel_loop3A_871 = tpu.dynamic_gather %or3A_183[%parallel_loop3A_870] in [0] : vector<16xi32>, vector<16xi32> -> vector<16xi32>
        %parallel_loop3A_872 = arith.constant -65536 : i32
        %parallel_loop3A_873 = vector.broadcast %parallel_loop3A_872 : i32 to vector<16xi32>
        %parallel_loop3A_874 = arith.andi %parallel_loop3A_871, %parallel_loop3A_873 : vector<16xi32>
        %parallel_loop3A_875 = tpu.bitcast %parallel_loop3A_874 : vector<16xi32> -> vector<16xf32>
        %parallel_loop3A_876 = arith.constant 16 : i32
        %parallel_loop3A_877 = vector.broadcast %parallel_loop3A_876 : i32 to vector<16xi32>
        %parallel_loop3A_878 = arith.shli %parallel_loop3A_871, %parallel_loop3A_877 : vector<16xi32>
        %parallel_loop3A_879 = tpu.bitcast %parallel_loop3A_878 : vector<16xi32> -> vector<16xf32>
        %parallel_loop3A_880 = arith.mulf %parallel_loop3A_875, %parallel_loop3A_726 : vector<16xf32>
        %parallel_loop3A_881 = arith.mulf %parallel_loop3A_879, %parallel_loop3A_713 : vector<16xf32>
        %parallel_loop3A_882 = arith.addf %parallel_loop3A_713, %parallel_loop3A_881 : vector<16xf32>
        %parallel_loop3A_883 = math.exp %parallel_loop3A_882 : vector<16xf32>
        %parallel_loop3A_884 = arith.mulf %parallel_loop3A_880, %parallel_loop3A_883 : vector<16xf32>
        %parallel_loop3A_885 = arith.constant 5 : i32
        %parallel_loop3A_886 = arith.index_cast %parallel_loop3A_885 : i32 to index
        %parallel_loop3A_887 = arith.index_cast %parallel_loop3A_644 : i32 to index
        %parallel_loop3A_888 = tpu.vector_load %arg14[%parallel_loop3A_886, %parallel_loop3A_887] {strides = array<i32>} : memref<19x1792xf32, #tpu.memory_space<vmem>>, vector<16xf32>,
        tpu.vector_store %arg14[%parallel_loop3A_886, %parallel_loop3A_887], %parallel_loop3A_884 {strides = array<i32>} : memref<19x1792xf32, #tpu.memory_space<vmem>>, vector<16xf32>,
        %parallel_loop3A_889 = arith.constant 0 : i32
        %parallel_loop3A_890 = vector.broadcast %parallel_loop3A_889 : i32 to vector<16xi32>
        %parallel_loop3A_891 = arith.cmpi slt, %parallel_loop3A_646, %parallel_loop3A_890 : vector<16xi32>
        %parallel_loop3A_892 = arith.constant 16 : i32
        %parallel_loop3A_893 = vector.broadcast %parallel_loop3A_892 : i32 to vector<16xi32>
        %parallel_loop3A_894 = arith.addi %parallel_loop3A_646, %parallel_loop3A_893 : vector<16xi32>
        %parallel_loop3A_895 = arith.select %parallel_loop3A_891, %parallel_loop3A_894, %parallel_loop3A_646 : vector<16xi1>, vector<16xi32>
        %parallel_loop3A_896 = vector.shape_cast %parallel_loop3A_895 : vector<16xi32> to vector<16x1xi32>
        %parallel_loop3A_897 = vector.shape_cast %parallel_loop3A_896 : vector<16x1xi32> to vector<16xi32>
        %parallel_loop3A_898 = tpu.dynamic_gather %or3A_206[%parallel_loop3A_897] in [0] : vector<16xi32>, vector<16xi32> -> vector<16xi32>
        %parallel_loop3A_899 = arith.constant -65536 : i32
        %parallel_loop3A_900 = vector.broadcast %parallel_loop3A_899 : i32 to vector<16xi32>
        %parallel_loop3A_901 = arith.andi %parallel_loop3A_898, %parallel_loop3A_900 : vector<16xi32>
        %parallel_loop3A_902 = tpu.bitcast %parallel_loop3A_901 : vector<16xi32> -> vector<16xf32>
        %parallel_loop3A_903 = arith.constant 16 : i32
        %parallel_loop3A_904 = vector.broadcast %parallel_loop3A_903 : i32 to vector<16xi32>
        %parallel_loop3A_905 = arith.shli %parallel_loop3A_898, %parallel_loop3A_904 : vector<16xi32>
        %parallel_loop3A_906 = tpu.bitcast %parallel_loop3A_905 : vector<16xi32> -> vector<16xf32>
        %parallel_loop3A_907 = arith.mulf %parallel_loop3A_902, %parallel_loop3A_726 : vector<16xf32>
        %parallel_loop3A_908 = arith.mulf %parallel_loop3A_906, %parallel_loop3A_713 : vector<16xf32>
        %parallel_loop3A_909 = arith.addf %parallel_loop3A_713, %parallel_loop3A_908 : vector<16xf32>
        %parallel_loop3A_910 = math.exp %parallel_loop3A_909 : vector<16xf32>
        %parallel_loop3A_911 = arith.mulf %parallel_loop3A_907, %parallel_loop3A_910 : vector<16xf32>
        %parallel_loop3A_912 = arith.constant 6 : i32
        %parallel_loop3A_913 = arith.index_cast %parallel_loop3A_912 : i32 to index
        %parallel_loop3A_914 = arith.index_cast %parallel_loop3A_644 : i32 to index
        %parallel_loop3A_915 = tpu.vector_load %arg14[%parallel_loop3A_913, %parallel_loop3A_914] {strides = array<i32>} : memref<19x1792xf32, #tpu.memory_space<vmem>>, vector<16xf32>,
        tpu.vector_store %arg14[%parallel_loop3A_913, %parallel_loop3A_914], %parallel_loop3A_911 {strides = array<i32>} : memref<19x1792xf32, #tpu.memory_space<vmem>>, vector<16xf32>,
        %parallel_loop3A_916 = arith.constant 0 : i32
        %parallel_loop3A_917 = vector.broadcast %parallel_loop3A_916 : i32 to vector<16xi32>
        %parallel_loop3A_918 = arith.cmpi slt, %parallel_loop3A_646, %parallel_loop3A_917 : vector<16xi32>
        %parallel_loop3A_919 = arith.constant 16 : i32
        %parallel_loop3A_920 = vector.broadcast %parallel_loop3A_919 : i32 to vector<16xi32>
        %parallel_loop3A_921 = arith.addi %parallel_loop3A_646, %parallel_loop3A_920 : vector<16xi32>
        %parallel_loop3A_922 = arith.select %parallel_loop3A_918, %parallel_loop3A_921, %parallel_loop3A_646 : vector<16xi1>, vector<16xi32>
        %parallel_loop3A_923 = vector.shape_cast %parallel_loop3A_922 : vector<16xi32> to vector<16x1xi32>
        %parallel_loop3A_924 = vector.shape_cast %parallel_loop3A_923 : vector<16x1xi32> to vector<16xi32>
        %parallel_loop3A_925 = tpu.dynamic_gather %or3A_229[%parallel_loop3A_924] in [0] : vector<16xi32>, vector<16xi32> -> vector<16xi32>
        %parallel_loop3A_926 = arith.constant -65536 : i32
        %parallel_loop3A_927 = vector.broadcast %parallel_loop3A_926 : i32 to vector<16xi32>
        %parallel_loop3A_928 = arith.andi %parallel_loop3A_925, %parallel_loop3A_927 : vector<16xi32>
        %parallel_loop3A_929 = tpu.bitcast %parallel_loop3A_928 : vector<16xi32> -> vector<16xf32>
        %parallel_loop3A_930 = arith.constant 16 : i32
        %parallel_loop3A_931 = vector.broadcast %parallel_loop3A_930 : i32 to vector<16xi32>
        %parallel_loop3A_932 = arith.shli %parallel_loop3A_925, %parallel_loop3A_931 : vector<16xi32>
        %parallel_loop3A_933 = tpu.bitcast %parallel_loop3A_932 : vector<16xi32> -> vector<16xf32>
        %parallel_loop3A_934 = arith.mulf %parallel_loop3A_929, %parallel_loop3A_726 : vector<16xf32>
        %parallel_loop3A_935 = arith.mulf %parallel_loop3A_933, %parallel_loop3A_713 : vector<16xf32>
        %parallel_loop3A_936 = arith.addf %parallel_loop3A_713, %parallel_loop3A_935 : vector<16xf32>
        %parallel_loop3A_937 = math.exp %parallel_loop3A_936 : vector<16xf32>
        %parallel_loop3A_938 = arith.mulf %parallel_loop3A_934, %parallel_loop3A_937 : vector<16xf32>
        %parallel_loop3A_939 = arith.constant 7 : i32
        %parallel_loop3A_940 = arith.index_cast %parallel_loop3A_939 : i32 to index
        %parallel_loop3A_941 = arith.index_cast %parallel_loop3A_644 : i32 to index
        %parallel_loop3A_942 = tpu.vector_load %arg14[%parallel_loop3A_940, %parallel_loop3A_941] {strides = array<i32>} : memref<19x1792xf32, #tpu.memory_space<vmem>>, vector<16xf32>,
        tpu.vector_store %arg14[%parallel_loop3A_940, %parallel_loop3A_941], %parallel_loop3A_938 {strides = array<i32>} : memref<19x1792xf32, #tpu.memory_space<vmem>>, vector<16xf32>,
        %parallel_loop3A_943 = arith.constant 0 : i32
        %parallel_loop3A_944 = vector.broadcast %parallel_loop3A_943 : i32 to vector<16xi32>
        %parallel_loop3A_945 = arith.cmpi slt, %parallel_loop3A_646, %parallel_loop3A_944 : vector<16xi32>
        %parallel_loop3A_946 = arith.constant 16 : i32
        %parallel_loop3A_947 = vector.broadcast %parallel_loop3A_946 : i32 to vector<16xi32>
        %parallel_loop3A_948 = arith.addi %parallel_loop3A_646, %parallel_loop3A_947 : vector<16xi32>
        %parallel_loop3A_949 = arith.select %parallel_loop3A_945, %parallel_loop3A_948, %parallel_loop3A_646 : vector<16xi1>, vector<16xi32>
        %parallel_loop3A_950 = vector.shape_cast %parallel_loop3A_949 : vector<16xi32> to vector<16x1xi32>
        %parallel_loop3A_951 = vector.shape_cast %parallel_loop3A_950 : vector<16x1xi32> to vector<16xi32>
        %parallel_loop3A_952 = tpu.dynamic_gather %or3A_252[%parallel_loop3A_951] in [0] : vector<16xi32>, vector<16xi32> -> vector<16xi32>
        %parallel_loop3A_953 = arith.constant -65536 : i32
        %parallel_loop3A_954 = vector.broadcast %parallel_loop3A_953 : i32 to vector<16xi32>
        %parallel_loop3A_955 = arith.andi %parallel_loop3A_952, %parallel_loop3A_954 : vector<16xi32>
        %parallel_loop3A_956 = tpu.bitcast %parallel_loop3A_955 : vector<16xi32> -> vector<16xf32>
        %parallel_loop3A_957 = arith.constant 16 : i32
        %parallel_loop3A_958 = vector.broadcast %parallel_loop3A_957 : i32 to vector<16xi32>
        %parallel_loop3A_959 = arith.shli %parallel_loop3A_952, %parallel_loop3A_958 : vector<16xi32>
        %parallel_loop3A_960 = tpu.bitcast %parallel_loop3A_959 : vector<16xi32> -> vector<16xf32>
        %parallel_loop3A_961 = arith.mulf %parallel_loop3A_956, %parallel_loop3A_726 : vector<16xf32>
        %parallel_loop3A_962 = arith.mulf %parallel_loop3A_960, %parallel_loop3A_713 : vector<16xf32>
        %parallel_loop3A_963 = arith.addf %parallel_loop3A_713, %parallel_loop3A_962 : vector<16xf32>
        %parallel_loop3A_964 = math.exp %parallel_loop3A_963 : vector<16xf32>
        %parallel_loop3A_965 = arith.mulf %parallel_loop3A_961, %parallel_loop3A_964 : vector<16xf32>
        %parallel_loop3A_966 = arith.constant 8 : i32
        %parallel_loop3A_967 = arith.index_cast %parallel_loop3A_966 : i32 to index
        %parallel_loop3A_968 = arith.index_cast %parallel_loop3A_644 : i32 to index
        %parallel_loop3A_969 = tpu.vector_load %arg14[%parallel_loop3A_967, %parallel_loop3A_968] {strides = array<i32>} : memref<19x1792xf32, #tpu.memory_space<vmem>>, vector<16xf32>,
        tpu.vector_store %arg14[%parallel_loop3A_967, %parallel_loop3A_968], %parallel_loop3A_965 {strides = array<i32>} : memref<19x1792xf32, #tpu.memory_space<vmem>>, vector<16xf32>,
        %parallel_loop3A_970 = arith.constant 0 : i32
        %parallel_loop3A_971 = vector.broadcast %parallel_loop3A_970 : i32 to vector<16xi32>
        %parallel_loop3A_972 = arith.cmpi slt, %parallel_loop3A_646, %parallel_loop3A_971 : vector<16xi32>
        %parallel_loop3A_973 = arith.constant 16 : i32
        %parallel_loop3A_974 = vector.broadcast %parallel_loop3A_973 : i32 to vector<16xi32>
        %parallel_loop3A_975 = arith.addi %parallel_loop3A_646, %parallel_loop3A_974 : vector<16xi32>
        %parallel_loop3A_976 = arith.select %parallel_loop3A_972, %parallel_loop3A_975, %parallel_loop3A_646 : vector<16xi1>, vector<16xi32>
        %parallel_loop3A_977 = vector.shape_cast %parallel_loop3A_976 : vector<16xi32> to vector<16x1xi32>
        %parallel_loop3A_978 = vector.shape_cast %parallel_loop3A_977 : vector<16x1xi32> to vector<16xi32>
        %parallel_loop3A_979 = tpu.dynamic_gather %or3A_275[%parallel_loop3A_978] in [0] : vector<16xi32>, vector<16xi32> -> vector<16xi32>
        %parallel_loop3A_980 = arith.constant -65536 : i32
        %parallel_loop3A_981 = vector.broadcast %parallel_loop3A_980 : i32 to vector<16xi32>
        %parallel_loop3A_982 = arith.andi %parallel_loop3A_979, %parallel_loop3A_981 : vector<16xi32>
        %parallel_loop3A_983 = tpu.bitcast %parallel_loop3A_982 : vector<16xi32> -> vector<16xf32>
        %parallel_loop3A_984 = arith.constant 16 : i32
        %parallel_loop3A_985 = vector.broadcast %parallel_loop3A_984 : i32 to vector<16xi32>
        %parallel_loop3A_986 = arith.shli %parallel_loop3A_979, %parallel_loop3A_985 : vector<16xi32>
        %parallel_loop3A_987 = tpu.bitcast %parallel_loop3A_986 : vector<16xi32> -> vector<16xf32>
        %parallel_loop3A_988 = arith.mulf %parallel_loop3A_983, %parallel_loop3A_726 : vector<16xf32>
        %parallel_loop3A_989 = arith.mulf %parallel_loop3A_987, %parallel_loop3A_713 : vector<16xf32>
        %parallel_loop3A_990 = arith.addf %parallel_loop3A_713, %parallel_loop3A_989 : vector<16xf32>
        %parallel_loop3A_991 = math.exp %parallel_loop3A_990 : vector<16xf32>
        %parallel_loop3A_992 = arith.mulf %parallel_loop3A_988, %parallel_loop3A_991 : vector<16xf32>
        %parallel_loop3A_993 = arith.constant 9 : i32
        %parallel_loop3A_994 = arith.index_cast %parallel_loop3A_993 : i32 to index
        %parallel_loop3A_995 = arith.index_cast %parallel_loop3A_644 : i32 to index
        %parallel_loop3A_996 = tpu.vector_load %arg14[%parallel_loop3A_994, %parallel_loop3A_995] {strides = array<i32>} : memref<19x1792xf32, #tpu.memory_space<vmem>>, vector<16xf32>,
        tpu.vector_store %arg14[%parallel_loop3A_994, %parallel_loop3A_995], %parallel_loop3A_992 {strides = array<i32>} : memref<19x1792xf32, #tpu.memory_space<vmem>>, vector<16xf32>,
        %parallel_loop3A_997 = arith.constant 0 : i32
        %parallel_loop3A_998 = vector.broadcast %parallel_loop3A_997 : i32 to vector<16xi32>
        %parallel_loop3A_999 = arith.cmpi slt, %parallel_loop3A_646, %parallel_loop3A_998 : vector<16xi32>
        %parallel_loop3A_1000 = arith.constant 16 : i32
        %parallel_loop3A_1001 = vector.broadcast %parallel_loop3A_1000 : i32 to vector<16xi32>
        %parallel_loop3A_1002 = arith.addi %parallel_loop3A_646, %parallel_loop3A_1001 : vector<16xi32>
        %parallel_loop3A_1003 = arith.select %parallel_loop3A_999, %parallel_loop3A_1002, %parallel_loop3A_646 : vector<16xi1>, vector<16xi32>
        %parallel_loop3A_1004 = vector.shape_cast %parallel_loop3A_1003 : vector<16xi32> to vector<16x1xi32>
        %parallel_loop3A_1005 = vector.shape_cast %parallel_loop3A_1004 : vector<16x1xi32> to vector<16xi32>
        %parallel_loop3A_1006 = tpu.dynamic_gather %or3A_298[%parallel_loop3A_1005] in [0] : vector<16xi32>, vector<16xi32> -> vector<16xi32>
        %parallel_loop3A_1007 = arith.constant -65536 : i32
        %parallel_loop3A_1008 = vector.broadcast %parallel_loop3A_1007 : i32 to vector<16xi32>
        %parallel_loop3A_1009 = arith.andi %parallel_loop3A_1006, %parallel_loop3A_1008 : vector<16xi32>
        %parallel_loop3A_1010 = tpu.bitcast %parallel_loop3A_1009 : vector<16xi32> -> vector<16xf32>
        %parallel_loop3A_1011 = arith.constant 16 : i32
        %parallel_loop3A_1012 = vector.broadcast %parallel_loop3A_1011 : i32 to vector<16xi32>
        %parallel_loop3A_1013 = arith.shli %parallel_loop3A_1006, %parallel_loop3A_1012 : vector<16xi32>
        %parallel_loop3A_1014 = tpu.bitcast %parallel_loop3A_1013 : vector<16xi32> -> vector<16xf32>
        %parallel_loop3A_1015 = arith.mulf %parallel_loop3A_1010, %parallel_loop3A_726 : vector<16xf32>
        %parallel_loop3A_1016 = arith.mulf %parallel_loop3A_1014, %parallel_loop3A_713 : vector<16xf32>
        %parallel_loop3A_1017 = arith.addf %parallel_loop3A_713, %parallel_loop3A_1016 : vector<16xf32>
        %parallel_loop3A_1018 = math.exp %parallel_loop3A_1017 : vector<16xf32>
        %parallel_loop3A_1019 = arith.mulf %parallel_loop3A_1015, %parallel_loop3A_1018 : vector<16xf32>
        %parallel_loop3A_1020 = arith.constant 10 : i32
        %parallel_loop3A_1021 = arith.index_cast %parallel_loop3A_1020 : i32 to index
        %parallel_loop3A_1022 = arith.index_cast %parallel_loop3A_644 : i32 to index
        %parallel_loop3A_1023 = tpu.vector_load %arg14[%parallel_loop3A_1021, %parallel_loop3A_1022] {strides = array<i32>} : memref<19x1792xf32, #tpu.memory_space<vmem>>, vector<16xf32>,
        tpu.vector_store %arg14[%parallel_loop3A_1021, %parallel_loop3A_1022], %parallel_loop3A_1019 {strides = array<i32>} : memref<19x1792xf32, #tpu.memory_space<vmem>>, vector<16xf32>,
        %parallel_loop3A_1024 = arith.constant 0 : i32
        %parallel_loop3A_1025 = vector.broadcast %parallel_loop3A_1024 : i32 to vector<16xi32>
        %parallel_loop3A_1026 = arith.cmpi slt, %parallel_loop3A_646, %parallel_loop3A_1025 : vector<16xi32>
        %parallel_loop3A_1027 = arith.constant 16 : i32
        %parallel_loop3A_1028 = vector.broadcast %parallel_loop3A_1027 : i32 to vector<16xi32>
        %parallel_loop3A_1029 = arith.addi %parallel_loop3A_646, %parallel_loop3A_1028 : vector<16xi32>
        %parallel_loop3A_1030 = arith.select %parallel_loop3A_1026, %parallel_loop3A_1029, %parallel_loop3A_646 : vector<16xi1>, vector<16xi32>
        %parallel_loop3A_1031 = vector.shape_cast %parallel_loop3A_1030 : vector<16xi32> to vector<16x1xi32>
        %parallel_loop3A_1032 = vector.shape_cast %parallel_loop3A_1031 : vector<16x1xi32> to vector<16xi32>
        %parallel_loop3A_1033 = tpu.dynamic_gather %or3A_321[%parallel_loop3A_1032] in [0] : vector<16xi32>, vector<16xi32> -> vector<16xi32>
        %parallel_loop3A_1034 = arith.constant -65536 : i32
        %parallel_loop3A_1035 = vector.broadcast %parallel_loop3A_1034 : i32 to vector<16xi32>
        %parallel_loop3A_1036 = arith.andi %parallel_loop3A_1033, %parallel_loop3A_1035 : vector<16xi32>
        %parallel_loop3A_1037 = tpu.bitcast %parallel_loop3A_1036 : vector<16xi32> -> vector<16xf32>
        %parallel_loop3A_1038 = arith.constant 16 : i32
        %parallel_loop3A_1039 = vector.broadcast %parallel_loop3A_1038 : i32 to vector<16xi32>
        %parallel_loop3A_1040 = arith.shli %parallel_loop3A_1033, %parallel_loop3A_1039 : vector<16xi32>
        %parallel_loop3A_1041 = tpu.bitcast %parallel_loop3A_1040 : vector<16xi32> -> vector<16xf32>
        %parallel_loop3A_1042 = arith.mulf %parallel_loop3A_1037, %parallel_loop3A_726 : vector<16xf32>
        %parallel_loop3A_1043 = arith.mulf %parallel_loop3A_1041, %parallel_loop3A_713 : vector<16xf32>
        %parallel_loop3A_1044 = arith.addf %parallel_loop3A_713, %parallel_loop3A_1043 : vector<16xf32>
        %parallel_loop3A_1045 = math.exp %parallel_loop3A_1044 : vector<16xf32>
        %parallel_loop3A_1046 = arith.mulf %parallel_loop3A_1042, %parallel_loop3A_1045 : vector<16xf32>
        %parallel_loop3A_1047 = arith.constant 11 : i32
        %parallel_loop3A_1048 = arith.index_cast %parallel_loop3A_1047 : i32 to index
        %parallel_loop3A_1049 = arith.index_cast %parallel_loop3A_644 : i32 to index
        %parallel_loop3A_1050 = tpu.vector_load %arg14[%parallel_loop3A_1048, %parallel_loop3A_1049] {strides = array<i32>} : memref<19x1792xf32, #tpu.memory_space<vmem>>, vector<16xf32>,
        tpu.vector_store %arg14[%parallel_loop3A_1048, %parallel_loop3A_1049], %parallel_loop3A_1046 {strides = array<i32>} : memref<19x1792xf32, #tpu.memory_space<vmem>>, vector<16xf32>,
        %parallel_loop3A_1051 = arith.constant 0 : i32
        %parallel_loop3A_1052 = vector.broadcast %parallel_loop3A_1051 : i32 to vector<16xi32>
        %parallel_loop3A_1053 = arith.cmpi slt, %parallel_loop3A_646, %parallel_loop3A_1052 : vector<16xi32>
        %parallel_loop3A_1054 = arith.constant 16 : i32
        %parallel_loop3A_1055 = vector.broadcast %parallel_loop3A_1054 : i32 to vector<16xi32>
        %parallel_loop3A_1056 = arith.addi %parallel_loop3A_646, %parallel_loop3A_1055 : vector<16xi32>
        %parallel_loop3A_1057 = arith.select %parallel_loop3A_1053, %parallel_loop3A_1056, %parallel_loop3A_646 : vector<16xi1>, vector<16xi32>
        %parallel_loop3A_1058 = vector.shape_cast %parallel_loop3A_1057 : vector<16xi32> to vector<16x1xi32>
        %parallel_loop3A_1059 = vector.shape_cast %parallel_loop3A_1058 : vector<16x1xi32> to vector<16xi32>
        %parallel_loop3A_1060 = tpu.dynamic_gather %or3A_344[%parallel_loop3A_1059] in [0] : vector<16xi32>, vector<16xi32> -> vector<16xi32>
        %parallel_loop3A_1061 = arith.constant -65536 : i32
        %parallel_loop3A_1062 = vector.broadcast %parallel_loop3A_1061 : i32 to vector<16xi32>
        %parallel_loop3A_1063 = arith.andi %parallel_loop3A_1060, %parallel_loop3A_1062 : vector<16xi32>
        %parallel_loop3A_1064 = tpu.bitcast %parallel_loop3A_1063 : vector<16xi32> -> vector<16xf32>
        %parallel_loop3A_1065 = arith.constant 16 : i32
        %parallel_loop3A_1066 = vector.broadcast %parallel_loop3A_1065 : i32 to vector<16xi32>
        %parallel_loop3A_1067 = arith.shli %parallel_loop3A_1060, %parallel_loop3A_1066 : vector<16xi32>
        %parallel_loop3A_1068 = tpu.bitcast %parallel_loop3A_1067 : vector<16xi32> -> vector<16xf32>
        %parallel_loop3A_1069 = arith.mulf %parallel_loop3A_1064, %parallel_loop3A_726 : vector<16xf32>
        %parallel_loop3A_1070 = arith.mulf %parallel_loop3A_1068, %parallel_loop3A_713 : vector<16xf32>
        %parallel_loop3A_1071 = arith.addf %parallel_loop3A_713, %parallel_loop3A_1070 : vector<16xf32>
        %parallel_loop3A_1072 = math.exp %parallel_loop3A_1071 : vector<16xf32>
        %parallel_loop3A_1073 = arith.mulf %parallel_loop3A_1069, %parallel_loop3A_1072 : vector<16xf32>
        %parallel_loop3A_1074 = arith.constant 12 : i32
        %parallel_loop3A_1075 = arith.index_cast %parallel_loop3A_1074 : i32 to index
        %parallel_loop3A_1076 = arith.index_cast %parallel_loop3A_644 : i32 to index
        %parallel_loop3A_1077 = tpu.vector_load %arg14[%parallel_loop3A_1075, %parallel_loop3A_1076] {strides = array<i32>} : memref<19x1792xf32, #tpu.memory_space<vmem>>, vector<16xf32>,
        tpu.vector_store %arg14[%parallel_loop3A_1075, %parallel_loop3A_1076], %parallel_loop3A_1073 {strides = array<i32>} : memref<19x1792xf32, #tpu.memory_space<vmem>>, vector<16xf32>,
        %parallel_loop3A_1078 = arith.constant 0 : i32
        %parallel_loop3A_1079 = vector.broadcast %parallel_loop3A_1078 : i32 to vector<16xi32>
        %parallel_loop3A_1080 = arith.cmpi slt, %parallel_loop3A_646, %parallel_loop3A_1079 : vector<16xi32>
        %parallel_loop3A_1081 = arith.constant 16 : i32
        %parallel_loop3A_1082 = vector.broadcast %parallel_loop3A_1081 : i32 to vector<16xi32>
        %parallel_loop3A_1083 = arith.addi %parallel_loop3A_646, %parallel_loop3A_1082 : vector<16xi32>
        %parallel_loop3A_1084 = arith.select %parallel_loop3A_1080, %parallel_loop3A_1083, %parallel_loop3A_646 : vector<16xi1>, vector<16xi32>
        %parallel_loop3A_1085 = vector.shape_cast %parallel_loop3A_1084 : vector<16xi32> to vector<16x1xi32>
        %parallel_loop3A_1086 = vector.shape_cast %parallel_loop3A_1085 : vector<16x1xi32> to vector<16xi32>
        %parallel_loop3A_1087 = tpu.dynamic_gather %or3A_367[%parallel_loop3A_1086] in [0] : vector<16xi32>, vector<16xi32> -> vector<16xi32>
        %parallel_loop3A_1088 = arith.constant -65536 : i32
        %parallel_loop3A_1089 = vector.broadcast %parallel_loop3A_1088 : i32 to vector<16xi32>
        %parallel_loop3A_1090 = arith.andi %parallel_loop3A_1087, %parallel_loop3A_1089 : vector<16xi32>
        %parallel_loop3A_1091 = tpu.bitcast %parallel_loop3A_1090 : vector<16xi32> -> vector<16xf32>
        %parallel_loop3A_1092 = arith.constant 16 : i32
        %parallel_loop3A_1093 = vector.broadcast %parallel_loop3A_1092 : i32 to vector<16xi32>
        %parallel_loop3A_1094 = arith.shli %parallel_loop3A_1087, %parallel_loop3A_1093 : vector<16xi32>
        %parallel_loop3A_1095 = tpu.bitcast %parallel_loop3A_1094 : vector<16xi32> -> vector<16xf32>
        %parallel_loop3A_1096 = arith.mulf %parallel_loop3A_1091, %parallel_loop3A_726 : vector<16xf32>
        %parallel_loop3A_1097 = arith.mulf %parallel_loop3A_1095, %parallel_loop3A_713 : vector<16xf32>
        %parallel_loop3A_1098 = arith.addf %parallel_loop3A_713, %parallel_loop3A_1097 : vector<16xf32>
        %parallel_loop3A_1099 = math.exp %parallel_loop3A_1098 : vector<16xf32>
        %parallel_loop3A_1100 = arith.mulf %parallel_loop3A_1096, %parallel_loop3A_1099 : vector<16xf32>
        %parallel_loop3A_1101 = arith.constant 13 : i32
        %parallel_loop3A_1102 = arith.index_cast %parallel_loop3A_1101 : i32 to index
        %parallel_loop3A_1103 = arith.index_cast %parallel_loop3A_644 : i32 to index
        %parallel_loop3A_1104 = tpu.vector_load %arg14[%parallel_loop3A_1102, %parallel_loop3A_1103] {strides = array<i32>} : memref<19x1792xf32, #tpu.memory_space<vmem>>, vector<16xf32>,
        tpu.vector_store %arg14[%parallel_loop3A_1102, %parallel_loop3A_1103], %parallel_loop3A_1100 {strides = array<i32>} : memref<19x1792xf32, #tpu.memory_space<vmem>>, vector<16xf32>,
        %parallel_loop3A_1105 = arith.constant 0 : i32
        %parallel_loop3A_1106 = vector.broadcast %parallel_loop3A_1105 : i32 to vector<16xi32>
        %parallel_loop3A_1107 = arith.cmpi slt, %parallel_loop3A_646, %parallel_loop3A_1106 : vector<16xi32>
        %parallel_loop3A_1108 = arith.constant 16 : i32
        %parallel_loop3A_1109 = vector.broadcast %parallel_loop3A_1108 : i32 to vector<16xi32>
        %parallel_loop3A_1110 = arith.addi %parallel_loop3A_646, %parallel_loop3A_1109 : vector<16xi32>
        %parallel_loop3A_1111 = arith.select %parallel_loop3A_1107, %parallel_loop3A_1110, %parallel_loop3A_646 : vector<16xi1>, vector<16xi32>
        %parallel_loop3A_1112 = vector.shape_cast %parallel_loop3A_1111 : vector<16xi32> to vector<16x1xi32>
        %parallel_loop3A_1113 = vector.shape_cast %parallel_loop3A_1112 : vector<16x1xi32> to vector<16xi32>
        %parallel_loop3A_1114 = tpu.dynamic_gather %or3A_390[%parallel_loop3A_1113] in [0] : vector<16xi32>, vector<16xi32> -> vector<16xi32>
        %parallel_loop3A_1115 = arith.constant -65536 : i32
        %parallel_loop3A_1116 = vector.broadcast %parallel_loop3A_1115 : i32 to vector<16xi32>
        %parallel_loop3A_1117 = arith.andi %parallel_loop3A_1114, %parallel_loop3A_1116 : vector<16xi32>
        %parallel_loop3A_1118 = tpu.bitcast %parallel_loop3A_1117 : vector<16xi32> -> vector<16xf32>
        %parallel_loop3A_1119 = arith.constant 16 : i32
        %parallel_loop3A_1120 = vector.broadcast %parallel_loop3A_1119 : i32 to vector<16xi32>
        %parallel_loop3A_1121 = arith.shli %parallel_loop3A_1114, %parallel_loop3A_1120 : vector<16xi32>
        %parallel_loop3A_1122 = tpu.bitcast %parallel_loop3A_1121 : vector<16xi32> -> vector<16xf32>
        %parallel_loop3A_1123 = arith.mulf %parallel_loop3A_1118, %parallel_loop3A_726 : vector<16xf32>
        %parallel_loop3A_1124 = arith.mulf %parallel_loop3A_1122, %parallel_loop3A_713 : vector<16xf32>
        %parallel_loop3A_1125 = arith.addf %parallel_loop3A_713, %parallel_loop3A_1124 : vector<16xf32>
        %parallel_loop3A_1126 = math.exp %parallel_loop3A_1125 : vector<16xf32>
        %parallel_loop3A_1127 = arith.mulf %parallel_loop3A_1123, %parallel_loop3A_1126 : vector<16xf32>
        %parallel_loop3A_1128 = arith.constant 14 : i32
        %parallel_loop3A_1129 = arith.index_cast %parallel_loop3A_1128 : i32 to index
        %parallel_loop3A_1130 = arith.index_cast %parallel_loop3A_644 : i32 to index
        %parallel_loop3A_1131 = tpu.vector_load %arg14[%parallel_loop3A_1129, %parallel_loop3A_1130] {strides = array<i32>} : memref<19x1792xf32, #tpu.memory_space<vmem>>, vector<16xf32>,
        tpu.vector_store %arg14[%parallel_loop3A_1129, %parallel_loop3A_1130], %parallel_loop3A_1127 {strides = array<i32>} : memref<19x1792xf32, #tpu.memory_space<vmem>>, vector<16xf32>,
        %parallel_loop3A_1132 = arith.constant 0 : i32
        %parallel_loop3A_1133 = vector.broadcast %parallel_loop3A_1132 : i32 to vector<16xi32>
        %parallel_loop3A_1134 = arith.cmpi slt, %parallel_loop3A_646, %parallel_loop3A_1133 : vector<16xi32>
        %parallel_loop3A_1135 = arith.constant 16 : i32
        %parallel_loop3A_1136 = vector.broadcast %parallel_loop3A_1135 : i32 to vector<16xi32>
        %parallel_loop3A_1137 = arith.addi %parallel_loop3A_646, %parallel_loop3A_1136 : vector<16xi32>
        %parallel_loop3A_1138 = arith.select %parallel_loop3A_1134, %parallel_loop3A_1137, %parallel_loop3A_646 : vector<16xi1>, vector<16xi32>
        %parallel_loop3A_1139 = vector.shape_cast %parallel_loop3A_1138 : vector<16xi32> to vector<16x1xi32>
        %parallel_loop3A_1140 = vector.shape_cast %parallel_loop3A_1139 : vector<16x1xi32> to vector<16xi32>
        %parallel_loop3A_1141 = tpu.dynamic_gather %or3A_413[%parallel_loop3A_1140] in [0] : vector<16xi32>, vector<16xi32> -> vector<16xi32>
        %parallel_loop3A_1142 = arith.constant -65536 : i32
        %parallel_loop3A_1143 = vector.broadcast %parallel_loop3A_1142 : i32 to vector<16xi32>
        %parallel_loop3A_1144 = arith.andi %parallel_loop3A_1141, %parallel_loop3A_1143 : vector<16xi32>
        %parallel_loop3A_1145 = tpu.bitcast %parallel_loop3A_1144 : vector<16xi32> -> vector<16xf32>
        %parallel_loop3A_1146 = arith.constant 16 : i32
        %parallel_loop3A_1147 = vector.broadcast %parallel_loop3A_1146 : i32 to vector<16xi32>
        %parallel_loop3A_1148 = arith.shli %parallel_loop3A_1141, %parallel_loop3A_1147 : vector<16xi32>
        %parallel_loop3A_1149 = tpu.bitcast %parallel_loop3A_1148 : vector<16xi32> -> vector<16xf32>
        %parallel_loop3A_1150 = arith.mulf %parallel_loop3A_1145, %parallel_loop3A_726 : vector<16xf32>
        %parallel_loop3A_1151 = arith.mulf %parallel_loop3A_1149, %parallel_loop3A_713 : vector<16xf32>
        %parallel_loop3A_1152 = arith.addf %parallel_loop3A_713, %parallel_loop3A_1151 : vector<16xf32>
        %parallel_loop3A_1153 = math.exp %parallel_loop3A_1152 : vector<16xf32>
        %parallel_loop3A_1154 = arith.mulf %parallel_loop3A_1150, %parallel_loop3A_1153 : vector<16xf32>
        %parallel_loop3A_1155 = arith.constant 15 : i32
        %parallel_loop3A_1156 = arith.index_cast %parallel_loop3A_1155 : i32 to index
        %parallel_loop3A_1157 = arith.index_cast %parallel_loop3A_644 : i32 to index
        %parallel_loop3A_1158 = tpu.vector_load %arg14[%parallel_loop3A_1156, %parallel_loop3A_1157] {strides = array<i32>} : memref<19x1792xf32, #tpu.memory_space<vmem>>, vector<16xf32>,
        tpu.vector_store %arg14[%parallel_loop3A_1156, %parallel_loop3A_1157], %parallel_loop3A_1154 {strides = array<i32>} : memref<19x1792xf32, #tpu.memory_space<vmem>>, vector<16xf32>,
        %parallel_loop3A_1159 = arith.constant 0 : i32
        %parallel_loop3A_1160 = vector.broadcast %parallel_loop3A_1159 : i32 to vector<16xi32>
        %parallel_loop3A_1161 = arith.cmpi slt, %parallel_loop3A_646, %parallel_loop3A_1160 : vector<16xi32>
        %parallel_loop3A_1162 = arith.constant 16 : i32
        %parallel_loop3A_1163 = vector.broadcast %parallel_loop3A_1162 : i32 to vector<16xi32>
        %parallel_loop3A_1164 = arith.addi %parallel_loop3A_646, %parallel_loop3A_1163 : vector<16xi32>
        %parallel_loop3A_1165 = arith.select %parallel_loop3A_1161, %parallel_loop3A_1164, %parallel_loop3A_646 : vector<16xi1>, vector<16xi32>
        %parallel_loop3A_1166 = vector.shape_cast %parallel_loop3A_1165 : vector<16xi32> to vector<16x1xi32>
        %parallel_loop3A_1167 = vector.shape_cast %parallel_loop3A_1166 : vector<16x1xi32> to vector<16xi32>
        %parallel_loop3A_1168 = tpu.dynamic_gather %or3A_436[%parallel_loop3A_1167] in [0] : vector<16xi32>, vector<16xi32> -> vector<16xi32>
        %parallel_loop3A_1169 = arith.constant -65536 : i32
        %parallel_loop3A_1170 = vector.broadcast %parallel_loop3A_1169 : i32 to vector<16xi32>
        %parallel_loop3A_1171 = arith.andi %parallel_loop3A_1168, %parallel_loop3A_1170 : vector<16xi32>
        %parallel_loop3A_1172 = tpu.bitcast %parallel_loop3A_1171 : vector<16xi32> -> vector<16xf32>
        %parallel_loop3A_1173 = arith.constant 16 : i32
        %parallel_loop3A_1174 = vector.broadcast %parallel_loop3A_1173 : i32 to vector<16xi32>
        %parallel_loop3A_1175 = arith.shli %parallel_loop3A_1168, %parallel_loop3A_1174 : vector<16xi32>
        %parallel_loop3A_1176 = tpu.bitcast %parallel_loop3A_1175 : vector<16xi32> -> vector<16xf32>
        %parallel_loop3A_1177 = arith.mulf %parallel_loop3A_1172, %parallel_loop3A_726 : vector<16xf32>
        %parallel_loop3A_1178 = arith.mulf %parallel_loop3A_1176, %parallel_loop3A_713 : vector<16xf32>
        %parallel_loop3A_1179 = arith.addf %parallel_loop3A_713, %parallel_loop3A_1178 : vector<16xf32>
        %parallel_loop3A_1180 = math.exp %parallel_loop3A_1179 : vector<16xf32>
        %parallel_loop3A_1181 = arith.mulf %parallel_loop3A_1177, %parallel_loop3A_1180 : vector<16xf32>
        %parallel_loop3A_1182 = arith.constant 16 : i32
        %parallel_loop3A_1183 = arith.index_cast %parallel_loop3A_1182 : i32 to index
        %parallel_loop3A_1184 = arith.index_cast %parallel_loop3A_644 : i32 to index
        %parallel_loop3A_1185 = tpu.vector_load %arg14[%parallel_loop3A_1183, %parallel_loop3A_1184] {strides = array<i32>} : memref<19x1792xf32, #tpu.memory_space<vmem>>, vector<16xf32>,
        tpu.vector_store %arg14[%parallel_loop3A_1183, %parallel_loop3A_1184], %parallel_loop3A_1181 {strides = array<i32>} : memref<19x1792xf32, #tpu.memory_space<vmem>>, vector<16xf32>,
        %parallel_loop3A_1186 = arith.constant 0 : i32
        %parallel_loop3A_1187 = vector.broadcast %parallel_loop3A_1186 : i32 to vector<16xi32>
        %parallel_loop3A_1188 = arith.cmpi slt, %parallel_loop3A_646, %parallel_loop3A_1187 : vector<16xi32>
        %parallel_loop3A_1189 = arith.constant 16 : i32
        %parallel_loop3A_1190 = vector.broadcast %parallel_loop3A_1189 : i32 to vector<16xi32>
        %parallel_loop3A_1191 = arith.addi %parallel_loop3A_646, %parallel_loop3A_1190 : vector<16xi32>
        %parallel_loop3A_1192 = arith.select %parallel_loop3A_1188, %parallel_loop3A_1191, %parallel_loop3A_646 : vector<16xi1>, vector<16xi32>
        %parallel_loop3A_1193 = vector.shape_cast %parallel_loop3A_1192 : vector<16xi32> to vector<16x1xi32>
        %parallel_loop3A_1194 = vector.shape_cast %parallel_loop3A_1193 : vector<16x1xi32> to vector<16xi32>
        %parallel_loop3A_1195 = tpu.dynamic_gather %or3A_459[%parallel_loop3A_1194] in [0] : vector<16xi32>, vector<16xi32> -> vector<16xi32>
        %parallel_loop3A_1196 = arith.constant -65536 : i32
        %parallel_loop3A_1197 = vector.broadcast %parallel_loop3A_1196 : i32 to vector<16xi32>
        %parallel_loop3A_1198 = arith.andi %parallel_loop3A_1195, %parallel_loop3A_1197 : vector<16xi32>
        %parallel_loop3A_1199 = tpu.bitcast %parallel_loop3A_1198 : vector<16xi32> -> vector<16xf32>
        %parallel_loop3A_1200 = arith.constant 16 : i32
        %parallel_loop3A_1201 = vector.broadcast %parallel_loop3A_1200 : i32 to vector<16xi32>
        %parallel_loop3A_1202 = arith.shli %parallel_loop3A_1195, %parallel_loop3A_1201 : vector<16xi32>
        %parallel_loop3A_1203 = tpu.bitcast %parallel_loop3A_1202 : vector<16xi32> -> vector<16xf32>
        %parallel_loop3A_1204 = arith.mulf %parallel_loop3A_1199, %parallel_loop3A_726 : vector<16xf32>
        %parallel_loop3A_1205 = arith.mulf %parallel_loop3A_1203, %parallel_loop3A_713 : vector<16xf32>
        %parallel_loop3A_1206 = arith.addf %parallel_loop3A_713, %parallel_loop3A_1205 : vector<16xf32>
        %parallel_loop3A_1207 = math.exp %parallel_loop3A_1206 : vector<16xf32>
        %parallel_loop3A_1208 = arith.mulf %parallel_loop3A_1204, %parallel_loop3A_1207 : vector<16xf32>
        %parallel_loop3A_1209 = arith.constant 17 : i32
        %parallel_loop3A_1210 = arith.index_cast %parallel_loop3A_1209 : i32 to index
        %parallel_loop3A_1211 = arith.index_cast %parallel_loop3A_644 : i32 to index
        %parallel_loop3A_1212 = tpu.vector_load %arg14[%parallel_loop3A_1210, %parallel_loop3A_1211] {strides = array<i32>} : memref<19x1792xf32, #tpu.memory_space<vmem>>, vector<16xf32>,
        tpu.vector_store %arg14[%parallel_loop3A_1210, %parallel_loop3A_1211], %parallel_loop3A_1208 {strides = array<i32>} : memref<19x1792xf32, #tpu.memory_space<vmem>>, vector<16xf32>,
        %parallel_loop3A_1213 = arith.constant 0 : i32
        %parallel_loop3A_1214 = vector.broadcast %parallel_loop3A_1213 : i32 to vector<16xi32>
        %parallel_loop3A_1215 = arith.cmpi slt, %parallel_loop3A_646, %parallel_loop3A_1214 : vector<16xi32>
        %parallel_loop3A_1216 = arith.constant 16 : i32
        %parallel_loop3A_1217 = vector.broadcast %parallel_loop3A_1216 : i32 to vector<16xi32>
        %parallel_loop3A_1218 = arith.addi %parallel_loop3A_646, %parallel_loop3A_1217 : vector<16xi32>
        %parallel_loop3A_1219 = arith.select %parallel_loop3A_1215, %parallel_loop3A_1218, %parallel_loop3A_646 : vector<16xi1>, vector<16xi32>
        %parallel_loop3A_1220 = vector.shape_cast %parallel_loop3A_1219 : vector<16xi32> to vector<16x1xi32>
        %parallel_loop3A_1221 = vector.shape_cast %parallel_loop3A_1220 : vector<16x1xi32> to vector<16xi32>
        %parallel_loop3A_1222 = tpu.dynamic_gather %or3A_482[%parallel_loop3A_1221] in [0] : vector<16xi32>, vector<16xi32> -> vector<16xi32>
        %parallel_loop3A_1223 = arith.constant -65536 : i32
        %parallel_loop3A_1224 = vector.broadcast %parallel_loop3A_1223 : i32 to vector<16xi32>
        %parallel_loop3A_1225 = arith.andi %parallel_loop3A_1222, %parallel_loop3A_1224 : vector<16xi32>
        %parallel_loop3A_1226 = tpu.bitcast %parallel_loop3A_1225 : vector<16xi32> -> vector<16xf32>
        %parallel_loop3A_1227 = arith.constant 16 : i32
        %parallel_loop3A_1228 = vector.broadcast %parallel_loop3A_1227 : i32 to vector<16xi32>
        %parallel_loop3A_1229 = arith.shli %parallel_loop3A_1222, %parallel_loop3A_1228 : vector<16xi32>
        %parallel_loop3A_1230 = tpu.bitcast %parallel_loop3A_1229 : vector<16xi32> -> vector<16xf32>
        %parallel_loop3A_1231 = arith.mulf %parallel_loop3A_1226, %parallel_loop3A_726 : vector<16xf32>
        %parallel_loop3A_1232 = arith.mulf %parallel_loop3A_1230, %parallel_loop3A_713 : vector<16xf32>
        %parallel_loop3A_1233 = arith.addf %parallel_loop3A_713, %parallel_loop3A_1232 : vector<16xf32>
        %parallel_loop3A_1234 = math.exp %parallel_loop3A_1233 : vector<16xf32>
        %parallel_loop3A_1235 = arith.mulf %parallel_loop3A_1231, %parallel_loop3A_1234 : vector<16xf32>
        %parallel_loop3A_1236 = arith.constant 18 : i32
        %parallel_loop3A_1237 = arith.index_cast %parallel_loop3A_1236 : i32 to index
        %parallel_loop3A_1238 = arith.index_cast %parallel_loop3A_644 : i32 to index
        %parallel_loop3A_1239 = tpu.vector_load %arg14[%parallel_loop3A_1237, %parallel_loop3A_1238] {strides = array<i32>} : memref<19x1792xf32, #tpu.memory_space<vmem>>, vector<16xf32>,
        tpu.vector_store %arg14[%parallel_loop3A_1237, %parallel_loop3A_1238], %parallel_loop3A_1235 {strides = array<i32>} : memref<19x1792xf32, #tpu.memory_space<vmem>>, vector<16xf32>,
      } {sc.loop_unroll_factor = 4 : i64, sc.parallel_access}
      %mul3A_583 = arith.constant 14 : i32
      %mul3A_584 = arith.muli %mul3A_530, %mul3A_583 : i32
      %add3A_585 = arith.addi %shift_right_arithmetic3A_486, %mul3A_584 : i32
      %sub3A_586 = arith.constant 14 : i32
      %sub3A_587 = arith.subi %shift_right_arithmetic3A_492, %sub3A_586 : i32
      %min3A_588 = arith.minsi %add3A_585, %sub3A_587 : i32
      %mul3A_589 = arith.constant 128 : i32
      %mul3A_590 = arith.muli %min3A_588, %mul3A_589 : i32
      %dma_start3A_591 = arith.constant 0 : i32
      %dma_start3A_592 = tpu.memref_slice %arg7[%dma_start3A_591, %mul3A_590] : memref<19x1600000xf32, #tpu.memory_space<hbm>> -> memref<19x1792xf32, #tpu.memory_space<hbm>>
      %dma_start3A_593 = arith.constant 0 : i32
      %dma_start3A_594 = tpu.memref_slice %arg7[%dma_start3A_593, %mul3A_590] : memref<19x1600000xf32, #tpu.memory_space<hbm>> -> memref<19x1792xf32, #tpu.memory_space<hbm>>
      tpu.enqueue_dma source(%arg14 : memref<19x1792xf32, #tpu.memory_space<vmem>>) target(%dma_start3A_594 : memref<19x1792xf32, #tpu.memory_space<hbm>>) target_semaphore(%arg22 : memref<!tpu.dma_semaphore, #tpu.memory_space<semaphore_mem>>)
      %dma_wait3A_595 = arith.constant 0 : i32
      %dma_wait3A_596 = tpu.memref_slice %arg2[%dma_wait3A_595] : memref<1600000xi32, #tpu.memory_space<hbm>> -> memref<1792xi32, #tpu.memory_space<hbm>>
      %dma_wait3A_597 = arith.constant 0 : i32
      %dma_wait3A_598 = tpu.memref_slice %arg2[%dma_wait3A_597] : memref<1600000xi32, #tpu.memory_space<hbm>> -> memref<1792xi32, #tpu.memory_space<hbm>>
      tpu.wait_dma2 semaphore(%arg21 : memref<!tpu.dma_semaphore, #tpu.memory_space<semaphore_mem>>) src(%dma_wait3A_598 : memref<1792xi32, #tpu.memory_space<hbm>>) dst(%arg15 : memref<1792xi32, #tpu.memory_space<vmem>>)
      %dma_wait3A_599 = arith.constant 0 : i32
      %dma_wait3A_600 = arith.constant 0 : i32
      %dma_wait3A_601 = tpu.memref_slice %arg3[%dma_wait3A_599, %dma_wait3A_600] : memref<2x1600000xi32, #tpu.memory_space<hbm>> -> memref<1x1792xi32, #tpu.memory_space<hbm>>
      %dma_wait3A_602 = tpu.memref_squeeze %dma_wait3A_601 : memref<1x1792xi32, #tpu.memory_space<hbm>> -> memref<1792xi32, #tpu.memory_space<hbm>>
      %dma_wait3A_603 = arith.constant 0 : i32
      %dma_wait3A_604 = tpu.memref_slice %arg3[%dma_wait3A_599, %dma_wait3A_603] : memref<2x1600000xi32, #tpu.memory_space<hbm>> -> memref<1x1792xi32, #tpu.memory_space<hbm>>
      %dma_wait3A_605 = tpu.memref_squeeze %dma_wait3A_604 : memref<1x1792xi32, #tpu.memory_space<hbm>> -> memref<1792xi32, #tpu.memory_space<hbm>>
      tpu.wait_dma2 semaphore(%arg21 : memref<!tpu.dma_semaphore, #tpu.memory_space<semaphore_mem>>) src(%dma_wait3A_605 : memref<1792xi32, #tpu.memory_space<hbm>>) dst(%arg16 : memref<1792xi32, #tpu.memory_space<vmem>>)
      %dma_wait3A_606 = arith.constant 1 : i32
      %dma_wait3A_607 = arith.constant 0 : i32
      %dma_wait3A_608 = tpu.memref_slice %arg3[%dma_wait3A_606, %dma_wait3A_607] : memref<2x1600000xi32, #tpu.memory_space<hbm>> -> memref<1x1792xi32, #tpu.memory_space<hbm>>
      %dma_wait3A_609 = tpu.memref_squeeze %dma_wait3A_608 : memref<1x1792xi32, #tpu.memory_space<hbm>> -> memref<1792xi32, #tpu.memory_space<hbm>>
      %dma_wait3A_610 = arith.constant 0 : i32
      %dma_wait3A_611 = tpu.memref_slice %arg3[%dma_wait3A_606, %dma_wait3A_610] : memref<2x1600000xi32, #tpu.memory_space<hbm>> -> memref<1x1792xi32, #tpu.memory_space<hbm>>
      %dma_wait3A_612 = tpu.memref_squeeze %dma_wait3A_611 : memref<1x1792xi32, #tpu.memory_space<hbm>> -> memref<1792xi32, #tpu.memory_space<hbm>>
      tpu.wait_dma2 semaphore(%arg21 : memref<!tpu.dma_semaphore, #tpu.memory_space<semaphore_mem>>) src(%dma_wait3A_612 : memref<1792xi32, #tpu.memory_space<hbm>>) dst(%arg17 : memref<1792xi32, #tpu.memory_space<vmem>>)
      %dma_wait3A_613 = arith.constant 0 : i32
      %dma_wait3A_614 = tpu.memref_slice %arg4[%dma_wait3A_613] : memref<1600000xf32, #tpu.memory_space<hbm>> -> memref<1792xf32, #tpu.memory_space<hbm>>
      %dma_wait3A_615 = arith.constant 0 : i32
      %dma_wait3A_616 = tpu.memref_slice %arg4[%dma_wait3A_615] : memref<1600000xf32, #tpu.memory_space<hbm>> -> memref<1792xf32, #tpu.memory_space<hbm>>
      tpu.wait_dma2 semaphore(%arg21 : memref<!tpu.dma_semaphore, #tpu.memory_space<semaphore_mem>>) src(%dma_wait3A_616 : memref<1792xf32, #tpu.memory_space<hbm>>) dst(%arg18 : memref<1792xf32, #tpu.memory_space<vmem>>)
      %lt3A = arith.constant 13 : i32
      %lt3A_617 = arith.cmpi slt, %scan3A_528, %lt3A : i32
      %convert_element_type3A_618 = arith.extui %lt3A_617 : i1 to i32
      %cond3A_619 = arith.constant 0 : i32
      %cond3A_620 = arith.cmpi ne, %convert_element_type3A_618, %cond3A_619 : i32
      scf.if %cond3A_620 {
        %add3A_641 = arith.constant 2 : i32
        %add3A_642 = arith.addi %mul3A_530, %add3A_641 : i32
        %mul3A_643 = arith.constant 14 : i32
        %mul3A_644 = arith.muli %add3A_642, %mul3A_643 : i32
        %add3A_645 = arith.addi %shift_right_arithmetic3A_486, %mul3A_644 : i32
        %sub3A_646 = arith.constant 14 : i32
        %sub3A_647 = arith.subi %shift_right_arithmetic3A_492, %sub3A_646 : i32
        %min3A_648 = arith.minsi %add3A_645, %sub3A_647 : i32
        %mul3A_649 = arith.constant 128 : i32
        %mul3A_650 = arith.muli %min3A_648, %mul3A_649 : i32
        %dma_start3A_651 = tpu.memref_slice %arg2[%mul3A_650] : memref<1600000xi32, #tpu.memory_space<hbm>> -> memref<1792xi32, #tpu.memory_space<hbm>>
        %dma_start3A_652 = tpu.memref_slice %arg2[%mul3A_650] : memref<1600000xi32, #tpu.memory_space<hbm>> -> memref<1792xi32, #tpu.memory_space<hbm>>
        tpu.enqueue_dma source(%dma_start3A_652 : memref<1792xi32, #tpu.memory_space<hbm>>) target(%arg10 : memref<1792xi32, #tpu.memory_space<vmem>>) target_semaphore(%arg20 : memref<!tpu.dma_semaphore, #tpu.memory_space<semaphore_mem>>)
        %dma_start3A_653 = arith.constant 0 : i32
        %dma_start3A_654 = tpu.memref_slice %arg3[%dma_start3A_653, %mul3A_650] : memref<2x1600000xi32, #tpu.memory_space<hbm>> -> memref<1x1792xi32, #tpu.memory_space<hbm>>
        %dma_start3A_655 = tpu.memref_squeeze %dma_start3A_654 : memref<1x1792xi32, #tpu.memory_space<hbm>> -> memref<1792xi32, #tpu.memory_space<hbm>>
        %dma_start3A_656 = tpu.memref_slice %arg3[%dma_start3A_653, %mul3A_650] : memref<2x1600000xi32, #tpu.memory_space<hbm>> -> memref<1x1792xi32, #tpu.memory_space<hbm>>
        %dma_start3A_657 = tpu.memref_squeeze %dma_start3A_656 : memref<1x1792xi32, #tpu.memory_space<hbm>> -> memref<1792xi32, #tpu.memory_space<hbm>>
        tpu.enqueue_dma source(%dma_start3A_657 : memref<1792xi32, #tpu.memory_space<hbm>>) target(%arg11 : memref<1792xi32, #tpu.memory_space<vmem>>) target_semaphore(%arg20 : memref<!tpu.dma_semaphore, #tpu.memory_space<semaphore_mem>>)
        %dma_start3A_658 = arith.constant 1 : i32
        %dma_start3A_659 = tpu.memref_slice %arg3[%dma_start3A_658, %mul3A_650] : memref<2x1600000xi32, #tpu.memory_space<hbm>> -> memref<1x1792xi32, #tpu.memory_space<hbm>>
        %dma_start3A_660 = tpu.memref_squeeze %dma_start3A_659 : memref<1x1792xi32, #tpu.memory_space<hbm>> -> memref<1792xi32, #tpu.memory_space<hbm>>
        %dma_start3A_661 = tpu.memref_slice %arg3[%dma_start3A_658, %mul3A_650] : memref<2x1600000xi32, #tpu.memory_space<hbm>> -> memref<1x1792xi32, #tpu.memory_space<hbm>>
        %dma_start3A_662 = tpu.memref_squeeze %dma_start3A_661 : memref<1x1792xi32, #tpu.memory_space<hbm>> -> memref<1792xi32, #tpu.memory_space<hbm>>
        tpu.enqueue_dma source(%dma_start3A_662 : memref<1792xi32, #tpu.memory_space<hbm>>) target(%arg12 : memref<1792xi32, #tpu.memory_space<vmem>>) target_semaphore(%arg20 : memref<!tpu.dma_semaphore, #tpu.memory_space<semaphore_mem>>)
        %dma_start3A_663 = tpu.memref_slice %arg4[%mul3A_650] : memref<1600000xf32, #tpu.memory_space<hbm>> -> memref<1792xf32, #tpu.memory_space<hbm>>
        %dma_start3A_664 = tpu.memref_slice %arg4[%mul3A_650] : memref<1600000xf32, #tpu.memory_space<hbm>> -> memref<1792xf32, #tpu.memory_space<hbm>>
        tpu.enqueue_dma source(%dma_start3A_664 : memref<1792xf32, #tpu.memory_space<hbm>>) target(%arg13 : memref<1792xf32, #tpu.memory_space<vmem>>) target_semaphore(%arg20 : memref<!tpu.dma_semaphore, #tpu.memory_space<semaphore_mem>>)
      } else {
      }
      %gt3A_621 = arith.constant 0 : i32
      %gt3A_622 = arith.cmpi sgt, %scan3A_528, %gt3A_621 : i32
      %convert_element_type3A_623 = arith.extui %gt3A_622 : i1 to i32
      %cond3A_624 = arith.constant 0 : i32
      %cond3A_625 = arith.cmpi ne, %convert_element_type3A_623, %cond3A_624 : i32
      scf.if %cond3A_625 {
        %dma_wait3A_641 = arith.constant 0 : i32
        %dma_wait3A_642 = arith.constant 0 : i32
        %dma_wait3A_643 = tpu.memref_slice %arg7[%dma_wait3A_641, %dma_wait3A_642] : memref<19x1600000xf32, #tpu.memory_space<hbm>> -> memref<19x1792xf32, #tpu.memory_space<hbm>>
        %dma_wait3A_644 = arith.constant 0 : i32
        %dma_wait3A_645 = arith.constant 0 : i32
        %dma_wait3A_646 = tpu.memref_slice %arg7[%dma_wait3A_644, %dma_wait3A_645] : memref<19x1600000xf32, #tpu.memory_space<hbm>> -> memref<19x1792xf32, #tpu.memory_space<hbm>>
        tpu.wait_dma2 semaphore(%arg23 : memref<!tpu.dma_semaphore, #tpu.memory_space<semaphore_mem>>) src(%arg19 : memref<19x1792xf32, #tpu.memory_space<vmem>>) dst(%dma_wait3A_646 : memref<19x1792xf32, #tpu.memory_space<hbm>>)
      } else {
      }
      %parallel_loop3A_626 = arith.constant 0 : i32
      %parallel_loop3A_627 = arith.constant 112 : i32
      %parallel_loop3A_628 = arith.constant 1 : i32
      scf.for %parallel_loop3A_641 = %parallel_loop3A_626 to %parallel_loop3A_627 step %parallel_loop3A_628  : i32 {
        %parallel_loop3A_642 = arith.constant 16 : i32
        %parallel_loop3A_643 = arith.muli %parallel_loop3A_641, %parallel_loop3A_642 : i32
        %parallel_loop3A_644 = tpu.assume_multiple %parallel_loop3A_643, 16 : i32
        %parallel_loop3A_645 = arith.index_cast %parallel_loop3A_644 : i32 to index
        %parallel_loop3A_646 = tpu.vector_load %arg15[%parallel_loop3A_645] {strides = array<i32>} : memref<1792xi32, #tpu.memory_space<vmem>>, vector<16xi32>,
        %parallel_loop3A_647 = arith.index_cast %parallel_loop3A_644 : i32 to index
        %parallel_loop3A_648 = tpu.vector_load %arg16[%parallel_loop3A_647] {strides = array<i32>} : memref<1792xi32, #tpu.memory_space<vmem>>, vector<16xi32>,
        %parallel_loop3A_649 = arith.index_cast %parallel_loop3A_644 : i32 to index
        %parallel_loop3A_650 = tpu.vector_load %arg17[%parallel_loop3A_649] {strides = array<i32>} : memref<1792xi32, #tpu.memory_space<vmem>>, vector<16xi32>,
        %parallel_loop3A_651 = arith.index_cast %parallel_loop3A_644 : i32 to index
        %parallel_loop3A_652 = tpu.vector_load %arg18[%parallel_loop3A_651] {strides = array<i32>} : memref<1792xf32, #tpu.memory_space<vmem>>, vector<16xf32>,
        %parallel_loop3A_653 = arith.constant 4 : i32
        %parallel_loop3A_654 = vector.broadcast %parallel_loop3A_653 : i32 to vector<16xi32>
        %parallel_loop3A_655 = arith.muli %parallel_loop3A_648, %parallel_loop3A_654 : vector<16xi32>
        %parallel_loop3A_656 = arith.addi %parallel_loop3A_655, %parallel_loop3A_650 : vector<16xi32>
        %parallel_loop3A_657 = tpu.vector_load_idx %arg9[%parallel_loop3A_656] : memref<16xf32, #tpu.memory_space<vmem>>[vector<16xi32>], vector<16xf32>,
        %parallel_loop3A_658 = tpu.bitcast %parallel_loop3A_652 : vector<16xf32> -> vector<16xi32>
        %parallel_loop3A_659 = arith.constant 23 : i32
        %parallel_loop3A_660 = vector.broadcast %parallel_loop3A_659 : i32 to vector<16xi32>
        %parallel_loop3A_661 = arith.shrsi %parallel_loop3A_658, %parallel_loop3A_660 : vector<16xi32>
        %parallel_loop3A_662 = arith.constant 127 : i32
        %parallel_loop3A_663 = vector.broadcast %parallel_loop3A_662 : i32 to vector<16xi32>
        %parallel_loop3A_664 = arith.subi %parallel_loop3A_661, %parallel_loop3A_663 : vector<16xi32>
        %parallel_loop3A_665 = arith.constant 8388607 : i32
        %parallel_loop3A_666 = vector.broadcast %parallel_loop3A_665 : i32 to vector<16xi32>
        %parallel_loop3A_667 = arith.andi %parallel_loop3A_658, %parallel_loop3A_666 : vector<16xi32>
        %parallel_loop3A_668 = arith.constant 1065353216 : i32
        %parallel_loop3A_669 = vector.broadcast %parallel_loop3A_668 : i32 to vector<16xi32>
        %parallel_loop3A_670 = arith.ori %parallel_loop3A_667, %parallel_loop3A_669 : vector<16xi32>
        %parallel_loop3A_671 = tpu.bitcast %parallel_loop3A_670 : vector<16xi32> -> vector<16xf32>
        %parallel_loop3A_672 = arith.constant 1.41421354 : f32
        %parallel_loop3A_673 = vector.broadcast %parallel_loop3A_672 : f32 to vector<16xf32>
        %parallel_loop3A_674 = arith.cmpf ogt, %parallel_loop3A_671, %parallel_loop3A_673 : vector<16xf32>
        %parallel_loop3A_675 = arith.constant 5.000000e-01 : f32
        %parallel_loop3A_676 = vector.broadcast %parallel_loop3A_675 : f32 to vector<16xf32>
        %parallel_loop3A_677 = arith.mulf %parallel_loop3A_671, %parallel_loop3A_676 : vector<16xf32>
        %parallel_loop3A_678 = arith.select %parallel_loop3A_674, %parallel_loop3A_677, %parallel_loop3A_671 : vector<16xi1>, vector<16xf32>
        %parallel_loop3A_679 = arith.sitofp %parallel_loop3A_664 : vector<16xi32> to vector<16xf32>
        %parallel_loop3A_680 = arith.constant 1.000000e+00 : f32
        %parallel_loop3A_681 = arith.constant 0.000000e+00 : f32
        %parallel_loop3A_682 = vector.broadcast %parallel_loop3A_680 : f32 to vector<16xf32>
        %parallel_loop3A_683 = vector.broadcast %parallel_loop3A_681 : f32 to vector<16xf32>
        %parallel_loop3A_684 = arith.select %parallel_loop3A_674, %parallel_loop3A_682, %parallel_loop3A_683 : vector<16xi1>, vector<16xf32>
        %parallel_loop3A_685 = arith.addf %parallel_loop3A_679, %parallel_loop3A_684 : vector<16xf32>
        %parallel_loop3A_686 = arith.constant 1.000000e+00 : f32
        %parallel_loop3A_687 = vector.broadcast %parallel_loop3A_686 : f32 to vector<16xf32>
        %parallel_loop3A_688 = arith.subf %parallel_loop3A_678, %parallel_loop3A_687 : vector<16xf32>
        %parallel_loop3A_689 = arith.constant 1.000000e+00 : f32
        %parallel_loop3A_690 = vector.broadcast %parallel_loop3A_689 : f32 to vector<16xf32>
        %parallel_loop3A_691 = arith.addf %parallel_loop3A_678, %parallel_loop3A_690 : vector<16xf32>
        %parallel_loop3A_692 = arith.divf %parallel_loop3A_688, %parallel_loop3A_691 : vector<16xf32>
        %parallel_loop3A_693 = arith.constant 0.693147182 : f32
        %parallel_loop3A_694 = vector.broadcast %parallel_loop3A_693 : f32 to vector<16xf32>
        %parallel_loop3A_695 = arith.mulf %parallel_loop3A_685, %parallel_loop3A_694 : vector<16xf32>
        %parallel_loop3A_696 = arith.mulf %parallel_loop3A_692, %parallel_loop3A_692 : vector<16xf32>
        %parallel_loop3A_697 = arith.constant 0.285714298 : f32
        %parallel_loop3A_698 = vector.broadcast %parallel_loop3A_697 : f32 to vector<16xf32>
        %parallel_loop3A_699 = arith.mulf %parallel_loop3A_696, %parallel_loop3A_698 : vector<16xf32>
        %parallel_loop3A_700 = arith.constant 4.000000e-01 : f32
        %parallel_loop3A_701 = vector.broadcast %parallel_loop3A_700 : f32 to vector<16xf32>
        %parallel_loop3A_702 = arith.addf %parallel_loop3A_701, %parallel_loop3A_699 : vector<16xf32>
        %parallel_loop3A_703 = arith.mulf %parallel_loop3A_696, %parallel_loop3A_702 : vector<16xf32>
        %parallel_loop3A_704 = arith.constant 0.666666686 : f32
        %parallel_loop3A_705 = vector.broadcast %parallel_loop3A_704 : f32 to vector<16xf32>
        %parallel_loop3A_706 = arith.addf %parallel_loop3A_705, %parallel_loop3A_703 : vector<16xf32>
        %parallel_loop3A_707 = arith.mulf %parallel_loop3A_696, %parallel_loop3A_706 : vector<16xf32>
        %parallel_loop3A_708 = arith.constant 2.000000e+00 : f32
        %parallel_loop3A_709 = vector.broadcast %parallel_loop3A_708 : f32 to vector<16xf32>
        %parallel_loop3A_710 = arith.addf %parallel_loop3A_709, %parallel_loop3A_707 : vector<16xf32>
        %parallel_loop3A_711 = arith.mulf %parallel_loop3A_692, %parallel_loop3A_710 : vector<16xf32>
        %parallel_loop3A_712 = arith.addf %parallel_loop3A_695, %parallel_loop3A_711 : vector<16xf32>
        %parallel_loop3A_713 = arith.subf %parallel_loop3A_657, %parallel_loop3A_712 : vector<16xf32>
        %parallel_loop3A_714 = arith.constant 6.000000e+00 : f32
        %parallel_loop3A_715 = vector.broadcast %parallel_loop3A_714 : f32 to vector<16xf32>
        %parallel_loop3A_716 = arith.subf %parallel_loop3A_652, %parallel_loop3A_715 : vector<16xf32>
        %parallel_loop3A_717 = arith.constant 5.000000e+00 : f32
        %parallel_loop3A_718 = vector.broadcast %parallel_loop3A_717 : f32 to vector<16xf32>
        %parallel_loop3A_719 = arith.mulf %parallel_loop3A_716, %parallel_loop3A_718 : vector<16xf32>
        %parallel_loop3A_720 = math.exp %parallel_loop3A_719 : vector<16xf32>
        %parallel_loop3A_721 = arith.constant 1.000000e+00 : f32
        %parallel_loop3A_722 = vector.broadcast %parallel_loop3A_721 : f32 to vector<16xf32>
        %parallel_loop3A_723 = arith.addf %parallel_loop3A_722, %parallel_loop3A_720 : vector<16xf32>
        %parallel_loop3A_724 = arith.constant 1.000000e+00 : f32
        %parallel_loop3A_725 = vector.broadcast %parallel_loop3A_724 : f32 to vector<16xf32>
        %parallel_loop3A_726 = arith.divf %parallel_loop3A_725, %parallel_loop3A_723 : vector<16xf32>
        %parallel_loop3A_727 = arith.constant 0 : i32
        %parallel_loop3A_728 = vector.broadcast %parallel_loop3A_727 : i32 to vector<16xi32>
        %parallel_loop3A_729 = arith.cmpi slt, %parallel_loop3A_646, %parallel_loop3A_728 : vector<16xi32>
        %parallel_loop3A_730 = arith.constant 16 : i32
        %parallel_loop3A_731 = vector.broadcast %parallel_loop3A_730 : i32 to vector<16xi32>
        %parallel_loop3A_732 = arith.addi %parallel_loop3A_646, %parallel_loop3A_731 : vector<16xi32>
        %parallel_loop3A_733 = arith.select %parallel_loop3A_729, %parallel_loop3A_732, %parallel_loop3A_646 : vector<16xi1>, vector<16xi32>
        %parallel_loop3A_734 = vector.shape_cast %parallel_loop3A_733 : vector<16xi32> to vector<16x1xi32>
        %parallel_loop3A_735 = vector.shape_cast %parallel_loop3A_734 : vector<16x1xi32> to vector<16xi32>
        %parallel_loop3A_736 = tpu.dynamic_gather %or3A_68[%parallel_loop3A_735] in [0] : vector<16xi32>, vector<16xi32> -> vector<16xi32>
        %parallel_loop3A_737 = arith.constant -65536 : i32
        %parallel_loop3A_738 = vector.broadcast %parallel_loop3A_737 : i32 to vector<16xi32>
        %parallel_loop3A_739 = arith.andi %parallel_loop3A_736, %parallel_loop3A_738 : vector<16xi32>
        %parallel_loop3A_740 = tpu.bitcast %parallel_loop3A_739 : vector<16xi32> -> vector<16xf32>
        %parallel_loop3A_741 = arith.constant 16 : i32
        %parallel_loop3A_742 = vector.broadcast %parallel_loop3A_741 : i32 to vector<16xi32>
        %parallel_loop3A_743 = arith.shli %parallel_loop3A_736, %parallel_loop3A_742 : vector<16xi32>
        %parallel_loop3A_744 = tpu.bitcast %parallel_loop3A_743 : vector<16xi32> -> vector<16xf32>
        %parallel_loop3A_745 = arith.mulf %parallel_loop3A_740, %parallel_loop3A_726 : vector<16xf32>
        %parallel_loop3A_746 = arith.mulf %parallel_loop3A_744, %parallel_loop3A_713 : vector<16xf32>
        %parallel_loop3A_747 = arith.addf %parallel_loop3A_713, %parallel_loop3A_746 : vector<16xf32>
        %parallel_loop3A_748 = math.exp %parallel_loop3A_747 : vector<16xf32>
        %parallel_loop3A_749 = arith.mulf %parallel_loop3A_745, %parallel_loop3A_748 : vector<16xf32>
        %parallel_loop3A_750 = arith.constant 0 : i32
        %parallel_loop3A_751 = arith.index_cast %parallel_loop3A_750 : i32 to index
        %parallel_loop3A_752 = arith.index_cast %parallel_loop3A_644 : i32 to index
        %parallel_loop3A_753 = tpu.vector_load %arg19[%parallel_loop3A_751, %parallel_loop3A_752] {strides = array<i32>} : memref<19x1792xf32, #tpu.memory_space<vmem>>, vector<16xf32>,
        tpu.vector_store %arg19[%parallel_loop3A_751, %parallel_loop3A_752], %parallel_loop3A_749 {strides = array<i32>} : memref<19x1792xf32, #tpu.memory_space<vmem>>, vector<16xf32>,
        %parallel_loop3A_754 = arith.constant 0 : i32
        %parallel_loop3A_755 = vector.broadcast %parallel_loop3A_754 : i32 to vector<16xi32>
        %parallel_loop3A_756 = arith.cmpi slt, %parallel_loop3A_646, %parallel_loop3A_755 : vector<16xi32>
        %parallel_loop3A_757 = arith.constant 16 : i32
        %parallel_loop3A_758 = vector.broadcast %parallel_loop3A_757 : i32 to vector<16xi32>
        %parallel_loop3A_759 = arith.addi %parallel_loop3A_646, %parallel_loop3A_758 : vector<16xi32>
        %parallel_loop3A_760 = arith.select %parallel_loop3A_756, %parallel_loop3A_759, %parallel_loop3A_646 : vector<16xi1>, vector<16xi32>
        %parallel_loop3A_761 = vector.shape_cast %parallel_loop3A_760 : vector<16xi32> to vector<16x1xi32>
        %parallel_loop3A_762 = vector.shape_cast %parallel_loop3A_761 : vector<16x1xi32> to vector<16xi32>
        %parallel_loop3A_763 = tpu.dynamic_gather %or3A_91[%parallel_loop3A_762] in [0] : vector<16xi32>, vector<16xi32> -> vector<16xi32>
        %parallel_loop3A_764 = arith.constant -65536 : i32
        %parallel_loop3A_765 = vector.broadcast %parallel_loop3A_764 : i32 to vector<16xi32>
        %parallel_loop3A_766 = arith.andi %parallel_loop3A_763, %parallel_loop3A_765 : vector<16xi32>
        %parallel_loop3A_767 = tpu.bitcast %parallel_loop3A_766 : vector<16xi32> -> vector<16xf32>
        %parallel_loop3A_768 = arith.constant 16 : i32
        %parallel_loop3A_769 = vector.broadcast %parallel_loop3A_768 : i32 to vector<16xi32>
        %parallel_loop3A_770 = arith.shli %parallel_loop3A_763, %parallel_loop3A_769 : vector<16xi32>
        %parallel_loop3A_771 = tpu.bitcast %parallel_loop3A_770 : vector<16xi32> -> vector<16xf32>
        %parallel_loop3A_772 = arith.mulf %parallel_loop3A_767, %parallel_loop3A_726 : vector<16xf32>
        %parallel_loop3A_773 = arith.mulf %parallel_loop3A_771, %parallel_loop3A_713 : vector<16xf32>
        %parallel_loop3A_774 = arith.addf %parallel_loop3A_713, %parallel_loop3A_773 : vector<16xf32>
        %parallel_loop3A_775 = math.exp %parallel_loop3A_774 : vector<16xf32>
        %parallel_loop3A_776 = arith.mulf %parallel_loop3A_772, %parallel_loop3A_775 : vector<16xf32>
        %parallel_loop3A_777 = arith.constant 1 : i32
        %parallel_loop3A_778 = arith.index_cast %parallel_loop3A_777 : i32 to index
        %parallel_loop3A_779 = arith.index_cast %parallel_loop3A_644 : i32 to index
        %parallel_loop3A_780 = tpu.vector_load %arg19[%parallel_loop3A_778, %parallel_loop3A_779] {strides = array<i32>} : memref<19x1792xf32, #tpu.memory_space<vmem>>, vector<16xf32>,
        tpu.vector_store %arg19[%parallel_loop3A_778, %parallel_loop3A_779], %parallel_loop3A_776 {strides = array<i32>} : memref<19x1792xf32, #tpu.memory_space<vmem>>, vector<16xf32>,
        %parallel_loop3A_781 = arith.constant 0 : i32
        %parallel_loop3A_782 = vector.broadcast %parallel_loop3A_781 : i32 to vector<16xi32>
        %parallel_loop3A_783 = arith.cmpi slt, %parallel_loop3A_646, %parallel_loop3A_782 : vector<16xi32>
        %parallel_loop3A_784 = arith.constant 16 : i32
        %parallel_loop3A_785 = vector.broadcast %parallel_loop3A_784 : i32 to vector<16xi32>
        %parallel_loop3A_786 = arith.addi %parallel_loop3A_646, %parallel_loop3A_785 : vector<16xi32>
        %parallel_loop3A_787 = arith.select %parallel_loop3A_783, %parallel_loop3A_786, %parallel_loop3A_646 : vector<16xi1>, vector<16xi32>
        %parallel_loop3A_788 = vector.shape_cast %parallel_loop3A_787 : vector<16xi32> to vector<16x1xi32>
        %parallel_loop3A_789 = vector.shape_cast %parallel_loop3A_788 : vector<16x1xi32> to vector<16xi32>
        %parallel_loop3A_790 = tpu.dynamic_gather %or3A_114[%parallel_loop3A_789] in [0] : vector<16xi32>, vector<16xi32> -> vector<16xi32>
        %parallel_loop3A_791 = arith.constant -65536 : i32
        %parallel_loop3A_792 = vector.broadcast %parallel_loop3A_791 : i32 to vector<16xi32>
        %parallel_loop3A_793 = arith.andi %parallel_loop3A_790, %parallel_loop3A_792 : vector<16xi32>
        %parallel_loop3A_794 = tpu.bitcast %parallel_loop3A_793 : vector<16xi32> -> vector<16xf32>
        %parallel_loop3A_795 = arith.constant 16 : i32
        %parallel_loop3A_796 = vector.broadcast %parallel_loop3A_795 : i32 to vector<16xi32>
        %parallel_loop3A_797 = arith.shli %parallel_loop3A_790, %parallel_loop3A_796 : vector<16xi32>
        %parallel_loop3A_798 = tpu.bitcast %parallel_loop3A_797 : vector<16xi32> -> vector<16xf32>
        %parallel_loop3A_799 = arith.mulf %parallel_loop3A_794, %parallel_loop3A_726 : vector<16xf32>
        %parallel_loop3A_800 = arith.mulf %parallel_loop3A_798, %parallel_loop3A_713 : vector<16xf32>
        %parallel_loop3A_801 = arith.addf %parallel_loop3A_713, %parallel_loop3A_800 : vector<16xf32>
        %parallel_loop3A_802 = math.exp %parallel_loop3A_801 : vector<16xf32>
        %parallel_loop3A_803 = arith.mulf %parallel_loop3A_799, %parallel_loop3A_802 : vector<16xf32>
        %parallel_loop3A_804 = arith.constant 2 : i32
        %parallel_loop3A_805 = arith.index_cast %parallel_loop3A_804 : i32 to index
        %parallel_loop3A_806 = arith.index_cast %parallel_loop3A_644 : i32 to index
        %parallel_loop3A_807 = tpu.vector_load %arg19[%parallel_loop3A_805, %parallel_loop3A_806] {strides = array<i32>} : memref<19x1792xf32, #tpu.memory_space<vmem>>, vector<16xf32>,
        tpu.vector_store %arg19[%parallel_loop3A_805, %parallel_loop3A_806], %parallel_loop3A_803 {strides = array<i32>} : memref<19x1792xf32, #tpu.memory_space<vmem>>, vector<16xf32>,
        %parallel_loop3A_808 = arith.constant 0 : i32
        %parallel_loop3A_809 = vector.broadcast %parallel_loop3A_808 : i32 to vector<16xi32>
        %parallel_loop3A_810 = arith.cmpi slt, %parallel_loop3A_646, %parallel_loop3A_809 : vector<16xi32>
        %parallel_loop3A_811 = arith.constant 16 : i32
        %parallel_loop3A_812 = vector.broadcast %parallel_loop3A_811 : i32 to vector<16xi32>
        %parallel_loop3A_813 = arith.addi %parallel_loop3A_646, %parallel_loop3A_812 : vector<16xi32>
        %parallel_loop3A_814 = arith.select %parallel_loop3A_810, %parallel_loop3A_813, %parallel_loop3A_646 : vector<16xi1>, vector<16xi32>
        %parallel_loop3A_815 = vector.shape_cast %parallel_loop3A_814 : vector<16xi32> to vector<16x1xi32>
        %parallel_loop3A_816 = vector.shape_cast %parallel_loop3A_815 : vector<16x1xi32> to vector<16xi32>
        %parallel_loop3A_817 = tpu.dynamic_gather %or3A_137[%parallel_loop3A_816] in [0] : vector<16xi32>, vector<16xi32> -> vector<16xi32>
        %parallel_loop3A_818 = arith.constant -65536 : i32
        %parallel_loop3A_819 = vector.broadcast %parallel_loop3A_818 : i32 to vector<16xi32>
        %parallel_loop3A_820 = arith.andi %parallel_loop3A_817, %parallel_loop3A_819 : vector<16xi32>
        %parallel_loop3A_821 = tpu.bitcast %parallel_loop3A_820 : vector<16xi32> -> vector<16xf32>
        %parallel_loop3A_822 = arith.constant 16 : i32
        %parallel_loop3A_823 = vector.broadcast %parallel_loop3A_822 : i32 to vector<16xi32>
        %parallel_loop3A_824 = arith.shli %parallel_loop3A_817, %parallel_loop3A_823 : vector<16xi32>
        %parallel_loop3A_825 = tpu.bitcast %parallel_loop3A_824 : vector<16xi32> -> vector<16xf32>
        %parallel_loop3A_826 = arith.mulf %parallel_loop3A_821, %parallel_loop3A_726 : vector<16xf32>
        %parallel_loop3A_827 = arith.mulf %parallel_loop3A_825, %parallel_loop3A_713 : vector<16xf32>
        %parallel_loop3A_828 = arith.addf %parallel_loop3A_713, %parallel_loop3A_827 : vector<16xf32>
        %parallel_loop3A_829 = math.exp %parallel_loop3A_828 : vector<16xf32>
        %parallel_loop3A_830 = arith.mulf %parallel_loop3A_826, %parallel_loop3A_829 : vector<16xf32>
        %parallel_loop3A_831 = arith.constant 3 : i32
        %parallel_loop3A_832 = arith.index_cast %parallel_loop3A_831 : i32 to index
        %parallel_loop3A_833 = arith.index_cast %parallel_loop3A_644 : i32 to index
        %parallel_loop3A_834 = tpu.vector_load %arg19[%parallel_loop3A_832, %parallel_loop3A_833] {strides = array<i32>} : memref<19x1792xf32, #tpu.memory_space<vmem>>, vector<16xf32>,
        tpu.vector_store %arg19[%parallel_loop3A_832, %parallel_loop3A_833], %parallel_loop3A_830 {strides = array<i32>} : memref<19x1792xf32, #tpu.memory_space<vmem>>, vector<16xf32>,
        %parallel_loop3A_835 = arith.constant 0 : i32
        %parallel_loop3A_836 = vector.broadcast %parallel_loop3A_835 : i32 to vector<16xi32>
        %parallel_loop3A_837 = arith.cmpi slt, %parallel_loop3A_646, %parallel_loop3A_836 : vector<16xi32>
        %parallel_loop3A_838 = arith.constant 16 : i32
        %parallel_loop3A_839 = vector.broadcast %parallel_loop3A_838 : i32 to vector<16xi32>
        %parallel_loop3A_840 = arith.addi %parallel_loop3A_646, %parallel_loop3A_839 : vector<16xi32>
        %parallel_loop3A_841 = arith.select %parallel_loop3A_837, %parallel_loop3A_840, %parallel_loop3A_646 : vector<16xi1>, vector<16xi32>
        %parallel_loop3A_842 = vector.shape_cast %parallel_loop3A_841 : vector<16xi32> to vector<16x1xi32>
        %parallel_loop3A_843 = vector.shape_cast %parallel_loop3A_842 : vector<16x1xi32> to vector<16xi32>
        %parallel_loop3A_844 = tpu.dynamic_gather %or3A_160[%parallel_loop3A_843] in [0] : vector<16xi32>, vector<16xi32> -> vector<16xi32>
        %parallel_loop3A_845 = arith.constant -65536 : i32
        %parallel_loop3A_846 = vector.broadcast %parallel_loop3A_845 : i32 to vector<16xi32>
        %parallel_loop3A_847 = arith.andi %parallel_loop3A_844, %parallel_loop3A_846 : vector<16xi32>
        %parallel_loop3A_848 = tpu.bitcast %parallel_loop3A_847 : vector<16xi32> -> vector<16xf32>
        %parallel_loop3A_849 = arith.constant 16 : i32
        %parallel_loop3A_850 = vector.broadcast %parallel_loop3A_849 : i32 to vector<16xi32>
        %parallel_loop3A_851 = arith.shli %parallel_loop3A_844, %parallel_loop3A_850 : vector<16xi32>
        %parallel_loop3A_852 = tpu.bitcast %parallel_loop3A_851 : vector<16xi32> -> vector<16xf32>
        %parallel_loop3A_853 = arith.mulf %parallel_loop3A_848, %parallel_loop3A_726 : vector<16xf32>
        %parallel_loop3A_854 = arith.mulf %parallel_loop3A_852, %parallel_loop3A_713 : vector<16xf32>
        %parallel_loop3A_855 = arith.addf %parallel_loop3A_713, %parallel_loop3A_854 : vector<16xf32>
        %parallel_loop3A_856 = math.exp %parallel_loop3A_855 : vector<16xf32>
        %parallel_loop3A_857 = arith.mulf %parallel_loop3A_853, %parallel_loop3A_856 : vector<16xf32>
        %parallel_loop3A_858 = arith.constant 4 : i32
        %parallel_loop3A_859 = arith.index_cast %parallel_loop3A_858 : i32 to index
        %parallel_loop3A_860 = arith.index_cast %parallel_loop3A_644 : i32 to index
        %parallel_loop3A_861 = tpu.vector_load %arg19[%parallel_loop3A_859, %parallel_loop3A_860] {strides = array<i32>} : memref<19x1792xf32, #tpu.memory_space<vmem>>, vector<16xf32>,
        tpu.vector_store %arg19[%parallel_loop3A_859, %parallel_loop3A_860], %parallel_loop3A_857 {strides = array<i32>} : memref<19x1792xf32, #tpu.memory_space<vmem>>, vector<16xf32>,
        %parallel_loop3A_862 = arith.constant 0 : i32
        %parallel_loop3A_863 = vector.broadcast %parallel_loop3A_862 : i32 to vector<16xi32>
        %parallel_loop3A_864 = arith.cmpi slt, %parallel_loop3A_646, %parallel_loop3A_863 : vector<16xi32>
        %parallel_loop3A_865 = arith.constant 16 : i32
        %parallel_loop3A_866 = vector.broadcast %parallel_loop3A_865 : i32 to vector<16xi32>
        %parallel_loop3A_867 = arith.addi %parallel_loop3A_646, %parallel_loop3A_866 : vector<16xi32>
        %parallel_loop3A_868 = arith.select %parallel_loop3A_864, %parallel_loop3A_867, %parallel_loop3A_646 : vector<16xi1>, vector<16xi32>
        %parallel_loop3A_869 = vector.shape_cast %parallel_loop3A_868 : vector<16xi32> to vector<16x1xi32>
        %parallel_loop3A_870 = vector.shape_cast %parallel_loop3A_869 : vector<16x1xi32> to vector<16xi32>
        %parallel_loop3A_871 = tpu.dynamic_gather %or3A_183[%parallel_loop3A_870] in [0] : vector<16xi32>, vector<16xi32> -> vector<16xi32>
        %parallel_loop3A_872 = arith.constant -65536 : i32
        %parallel_loop3A_873 = vector.broadcast %parallel_loop3A_872 : i32 to vector<16xi32>
        %parallel_loop3A_874 = arith.andi %parallel_loop3A_871, %parallel_loop3A_873 : vector<16xi32>
        %parallel_loop3A_875 = tpu.bitcast %parallel_loop3A_874 : vector<16xi32> -> vector<16xf32>
        %parallel_loop3A_876 = arith.constant 16 : i32
        %parallel_loop3A_877 = vector.broadcast %parallel_loop3A_876 : i32 to vector<16xi32>
        %parallel_loop3A_878 = arith.shli %parallel_loop3A_871, %parallel_loop3A_877 : vector<16xi32>
        %parallel_loop3A_879 = tpu.bitcast %parallel_loop3A_878 : vector<16xi32> -> vector<16xf32>
        %parallel_loop3A_880 = arith.mulf %parallel_loop3A_875, %parallel_loop3A_726 : vector<16xf32>
        %parallel_loop3A_881 = arith.mulf %parallel_loop3A_879, %parallel_loop3A_713 : vector<16xf32>
        %parallel_loop3A_882 = arith.addf %parallel_loop3A_713, %parallel_loop3A_881 : vector<16xf32>
        %parallel_loop3A_883 = math.exp %parallel_loop3A_882 : vector<16xf32>
        %parallel_loop3A_884 = arith.mulf %parallel_loop3A_880, %parallel_loop3A_883 : vector<16xf32>
        %parallel_loop3A_885 = arith.constant 5 : i32
        %parallel_loop3A_886 = arith.index_cast %parallel_loop3A_885 : i32 to index
        %parallel_loop3A_887 = arith.index_cast %parallel_loop3A_644 : i32 to index
        %parallel_loop3A_888 = tpu.vector_load %arg19[%parallel_loop3A_886, %parallel_loop3A_887] {strides = array<i32>} : memref<19x1792xf32, #tpu.memory_space<vmem>>, vector<16xf32>,
        tpu.vector_store %arg19[%parallel_loop3A_886, %parallel_loop3A_887], %parallel_loop3A_884 {strides = array<i32>} : memref<19x1792xf32, #tpu.memory_space<vmem>>, vector<16xf32>,
        %parallel_loop3A_889 = arith.constant 0 : i32
        %parallel_loop3A_890 = vector.broadcast %parallel_loop3A_889 : i32 to vector<16xi32>
        %parallel_loop3A_891 = arith.cmpi slt, %parallel_loop3A_646, %parallel_loop3A_890 : vector<16xi32>
        %parallel_loop3A_892 = arith.constant 16 : i32
        %parallel_loop3A_893 = vector.broadcast %parallel_loop3A_892 : i32 to vector<16xi32>
        %parallel_loop3A_894 = arith.addi %parallel_loop3A_646, %parallel_loop3A_893 : vector<16xi32>
        %parallel_loop3A_895 = arith.select %parallel_loop3A_891, %parallel_loop3A_894, %parallel_loop3A_646 : vector<16xi1>, vector<16xi32>
        %parallel_loop3A_896 = vector.shape_cast %parallel_loop3A_895 : vector<16xi32> to vector<16x1xi32>
        %parallel_loop3A_897 = vector.shape_cast %parallel_loop3A_896 : vector<16x1xi32> to vector<16xi32>
        %parallel_loop3A_898 = tpu.dynamic_gather %or3A_206[%parallel_loop3A_897] in [0] : vector<16xi32>, vector<16xi32> -> vector<16xi32>
        %parallel_loop3A_899 = arith.constant -65536 : i32
        %parallel_loop3A_900 = vector.broadcast %parallel_loop3A_899 : i32 to vector<16xi32>
        %parallel_loop3A_901 = arith.andi %parallel_loop3A_898, %parallel_loop3A_900 : vector<16xi32>
        %parallel_loop3A_902 = tpu.bitcast %parallel_loop3A_901 : vector<16xi32> -> vector<16xf32>
        %parallel_loop3A_903 = arith.constant 16 : i32
        %parallel_loop3A_904 = vector.broadcast %parallel_loop3A_903 : i32 to vector<16xi32>
        %parallel_loop3A_905 = arith.shli %parallel_loop3A_898, %parallel_loop3A_904 : vector<16xi32>
        %parallel_loop3A_906 = tpu.bitcast %parallel_loop3A_905 : vector<16xi32> -> vector<16xf32>
        %parallel_loop3A_907 = arith.mulf %parallel_loop3A_902, %parallel_loop3A_726 : vector<16xf32>
        %parallel_loop3A_908 = arith.mulf %parallel_loop3A_906, %parallel_loop3A_713 : vector<16xf32>
        %parallel_loop3A_909 = arith.addf %parallel_loop3A_713, %parallel_loop3A_908 : vector<16xf32>
        %parallel_loop3A_910 = math.exp %parallel_loop3A_909 : vector<16xf32>
        %parallel_loop3A_911 = arith.mulf %parallel_loop3A_907, %parallel_loop3A_910 : vector<16xf32>
        %parallel_loop3A_912 = arith.constant 6 : i32
        %parallel_loop3A_913 = arith.index_cast %parallel_loop3A_912 : i32 to index
        %parallel_loop3A_914 = arith.index_cast %parallel_loop3A_644 : i32 to index
        %parallel_loop3A_915 = tpu.vector_load %arg19[%parallel_loop3A_913, %parallel_loop3A_914] {strides = array<i32>} : memref<19x1792xf32, #tpu.memory_space<vmem>>, vector<16xf32>,
        tpu.vector_store %arg19[%parallel_loop3A_913, %parallel_loop3A_914], %parallel_loop3A_911 {strides = array<i32>} : memref<19x1792xf32, #tpu.memory_space<vmem>>, vector<16xf32>,
        %parallel_loop3A_916 = arith.constant 0 : i32
        %parallel_loop3A_917 = vector.broadcast %parallel_loop3A_916 : i32 to vector<16xi32>
        %parallel_loop3A_918 = arith.cmpi slt, %parallel_loop3A_646, %parallel_loop3A_917 : vector<16xi32>
        %parallel_loop3A_919 = arith.constant 16 : i32
        %parallel_loop3A_920 = vector.broadcast %parallel_loop3A_919 : i32 to vector<16xi32>
        %parallel_loop3A_921 = arith.addi %parallel_loop3A_646, %parallel_loop3A_920 : vector<16xi32>
        %parallel_loop3A_922 = arith.select %parallel_loop3A_918, %parallel_loop3A_921, %parallel_loop3A_646 : vector<16xi1>, vector<16xi32>
        %parallel_loop3A_923 = vector.shape_cast %parallel_loop3A_922 : vector<16xi32> to vector<16x1xi32>
        %parallel_loop3A_924 = vector.shape_cast %parallel_loop3A_923 : vector<16x1xi32> to vector<16xi32>
        %parallel_loop3A_925 = tpu.dynamic_gather %or3A_229[%parallel_loop3A_924] in [0] : vector<16xi32>, vector<16xi32> -> vector<16xi32>
        %parallel_loop3A_926 = arith.constant -65536 : i32
        %parallel_loop3A_927 = vector.broadcast %parallel_loop3A_926 : i32 to vector<16xi32>
        %parallel_loop3A_928 = arith.andi %parallel_loop3A_925, %parallel_loop3A_927 : vector<16xi32>
        %parallel_loop3A_929 = tpu.bitcast %parallel_loop3A_928 : vector<16xi32> -> vector<16xf32>
        %parallel_loop3A_930 = arith.constant 16 : i32
        %parallel_loop3A_931 = vector.broadcast %parallel_loop3A_930 : i32 to vector<16xi32>
        %parallel_loop3A_932 = arith.shli %parallel_loop3A_925, %parallel_loop3A_931 : vector<16xi32>
        %parallel_loop3A_933 = tpu.bitcast %parallel_loop3A_932 : vector<16xi32> -> vector<16xf32>
        %parallel_loop3A_934 = arith.mulf %parallel_loop3A_929, %parallel_loop3A_726 : vector<16xf32>
        %parallel_loop3A_935 = arith.mulf %parallel_loop3A_933, %parallel_loop3A_713 : vector<16xf32>
        %parallel_loop3A_936 = arith.addf %parallel_loop3A_713, %parallel_loop3A_935 : vector<16xf32>
        %parallel_loop3A_937 = math.exp %parallel_loop3A_936 : vector<16xf32>
        %parallel_loop3A_938 = arith.mulf %parallel_loop3A_934, %parallel_loop3A_937 : vector<16xf32>
        %parallel_loop3A_939 = arith.constant 7 : i32
        %parallel_loop3A_940 = arith.index_cast %parallel_loop3A_939 : i32 to index
        %parallel_loop3A_941 = arith.index_cast %parallel_loop3A_644 : i32 to index
        %parallel_loop3A_942 = tpu.vector_load %arg19[%parallel_loop3A_940, %parallel_loop3A_941] {strides = array<i32>} : memref<19x1792xf32, #tpu.memory_space<vmem>>, vector<16xf32>,
        tpu.vector_store %arg19[%parallel_loop3A_940, %parallel_loop3A_941], %parallel_loop3A_938 {strides = array<i32>} : memref<19x1792xf32, #tpu.memory_space<vmem>>, vector<16xf32>,
        %parallel_loop3A_943 = arith.constant 0 : i32
        %parallel_loop3A_944 = vector.broadcast %parallel_loop3A_943 : i32 to vector<16xi32>
        %parallel_loop3A_945 = arith.cmpi slt, %parallel_loop3A_646, %parallel_loop3A_944 : vector<16xi32>
        %parallel_loop3A_946 = arith.constant 16 : i32
        %parallel_loop3A_947 = vector.broadcast %parallel_loop3A_946 : i32 to vector<16xi32>
        %parallel_loop3A_948 = arith.addi %parallel_loop3A_646, %parallel_loop3A_947 : vector<16xi32>
        %parallel_loop3A_949 = arith.select %parallel_loop3A_945, %parallel_loop3A_948, %parallel_loop3A_646 : vector<16xi1>, vector<16xi32>
        %parallel_loop3A_950 = vector.shape_cast %parallel_loop3A_949 : vector<16xi32> to vector<16x1xi32>
        %parallel_loop3A_951 = vector.shape_cast %parallel_loop3A_950 : vector<16x1xi32> to vector<16xi32>
        %parallel_loop3A_952 = tpu.dynamic_gather %or3A_252[%parallel_loop3A_951] in [0] : vector<16xi32>, vector<16xi32> -> vector<16xi32>
        %parallel_loop3A_953 = arith.constant -65536 : i32
        %parallel_loop3A_954 = vector.broadcast %parallel_loop3A_953 : i32 to vector<16xi32>
        %parallel_loop3A_955 = arith.andi %parallel_loop3A_952, %parallel_loop3A_954 : vector<16xi32>
        %parallel_loop3A_956 = tpu.bitcast %parallel_loop3A_955 : vector<16xi32> -> vector<16xf32>
        %parallel_loop3A_957 = arith.constant 16 : i32
        %parallel_loop3A_958 = vector.broadcast %parallel_loop3A_957 : i32 to vector<16xi32>
        %parallel_loop3A_959 = arith.shli %parallel_loop3A_952, %parallel_loop3A_958 : vector<16xi32>
        %parallel_loop3A_960 = tpu.bitcast %parallel_loop3A_959 : vector<16xi32> -> vector<16xf32>
        %parallel_loop3A_961 = arith.mulf %parallel_loop3A_956, %parallel_loop3A_726 : vector<16xf32>
        %parallel_loop3A_962 = arith.mulf %parallel_loop3A_960, %parallel_loop3A_713 : vector<16xf32>
        %parallel_loop3A_963 = arith.addf %parallel_loop3A_713, %parallel_loop3A_962 : vector<16xf32>
        %parallel_loop3A_964 = math.exp %parallel_loop3A_963 : vector<16xf32>
        %parallel_loop3A_965 = arith.mulf %parallel_loop3A_961, %parallel_loop3A_964 : vector<16xf32>
        %parallel_loop3A_966 = arith.constant 8 : i32
        %parallel_loop3A_967 = arith.index_cast %parallel_loop3A_966 : i32 to index
        %parallel_loop3A_968 = arith.index_cast %parallel_loop3A_644 : i32 to index
        %parallel_loop3A_969 = tpu.vector_load %arg19[%parallel_loop3A_967, %parallel_loop3A_968] {strides = array<i32>} : memref<19x1792xf32, #tpu.memory_space<vmem>>, vector<16xf32>,
        tpu.vector_store %arg19[%parallel_loop3A_967, %parallel_loop3A_968], %parallel_loop3A_965 {strides = array<i32>} : memref<19x1792xf32, #tpu.memory_space<vmem>>, vector<16xf32>,
        %parallel_loop3A_970 = arith.constant 0 : i32
        %parallel_loop3A_971 = vector.broadcast %parallel_loop3A_970 : i32 to vector<16xi32>
        %parallel_loop3A_972 = arith.cmpi slt, %parallel_loop3A_646, %parallel_loop3A_971 : vector<16xi32>
        %parallel_loop3A_973 = arith.constant 16 : i32
        %parallel_loop3A_974 = vector.broadcast %parallel_loop3A_973 : i32 to vector<16xi32>
        %parallel_loop3A_975 = arith.addi %parallel_loop3A_646, %parallel_loop3A_974 : vector<16xi32>
        %parallel_loop3A_976 = arith.select %parallel_loop3A_972, %parallel_loop3A_975, %parallel_loop3A_646 : vector<16xi1>, vector<16xi32>
        %parallel_loop3A_977 = vector.shape_cast %parallel_loop3A_976 : vector<16xi32> to vector<16x1xi32>
        %parallel_loop3A_978 = vector.shape_cast %parallel_loop3A_977 : vector<16x1xi32> to vector<16xi32>
        %parallel_loop3A_979 = tpu.dynamic_gather %or3A_275[%parallel_loop3A_978] in [0] : vector<16xi32>, vector<16xi32> -> vector<16xi32>
        %parallel_loop3A_980 = arith.constant -65536 : i32
        %parallel_loop3A_981 = vector.broadcast %parallel_loop3A_980 : i32 to vector<16xi32>
        %parallel_loop3A_982 = arith.andi %parallel_loop3A_979, %parallel_loop3A_981 : vector<16xi32>
        %parallel_loop3A_983 = tpu.bitcast %parallel_loop3A_982 : vector<16xi32> -> vector<16xf32>
        %parallel_loop3A_984 = arith.constant 16 : i32
        %parallel_loop3A_985 = vector.broadcast %parallel_loop3A_984 : i32 to vector<16xi32>
        %parallel_loop3A_986 = arith.shli %parallel_loop3A_979, %parallel_loop3A_985 : vector<16xi32>
        %parallel_loop3A_987 = tpu.bitcast %parallel_loop3A_986 : vector<16xi32> -> vector<16xf32>
        %parallel_loop3A_988 = arith.mulf %parallel_loop3A_983, %parallel_loop3A_726 : vector<16xf32>
        %parallel_loop3A_989 = arith.mulf %parallel_loop3A_987, %parallel_loop3A_713 : vector<16xf32>
        %parallel_loop3A_990 = arith.addf %parallel_loop3A_713, %parallel_loop3A_989 : vector<16xf32>
        %parallel_loop3A_991 = math.exp %parallel_loop3A_990 : vector<16xf32>
        %parallel_loop3A_992 = arith.mulf %parallel_loop3A_988, %parallel_loop3A_991 : vector<16xf32>
        %parallel_loop3A_993 = arith.constant 9 : i32
        %parallel_loop3A_994 = arith.index_cast %parallel_loop3A_993 : i32 to index
        %parallel_loop3A_995 = arith.index_cast %parallel_loop3A_644 : i32 to index
        %parallel_loop3A_996 = tpu.vector_load %arg19[%parallel_loop3A_994, %parallel_loop3A_995] {strides = array<i32>} : memref<19x1792xf32, #tpu.memory_space<vmem>>, vector<16xf32>,
        tpu.vector_store %arg19[%parallel_loop3A_994, %parallel_loop3A_995], %parallel_loop3A_992 {strides = array<i32>} : memref<19x1792xf32, #tpu.memory_space<vmem>>, vector<16xf32>,
        %parallel_loop3A_997 = arith.constant 0 : i32
        %parallel_loop3A_998 = vector.broadcast %parallel_loop3A_997 : i32 to vector<16xi32>
        %parallel_loop3A_999 = arith.cmpi slt, %parallel_loop3A_646, %parallel_loop3A_998 : vector<16xi32>
        %parallel_loop3A_1000 = arith.constant 16 : i32
        %parallel_loop3A_1001 = vector.broadcast %parallel_loop3A_1000 : i32 to vector<16xi32>
        %parallel_loop3A_1002 = arith.addi %parallel_loop3A_646, %parallel_loop3A_1001 : vector<16xi32>
        %parallel_loop3A_1003 = arith.select %parallel_loop3A_999, %parallel_loop3A_1002, %parallel_loop3A_646 : vector<16xi1>, vector<16xi32>
        %parallel_loop3A_1004 = vector.shape_cast %parallel_loop3A_1003 : vector<16xi32> to vector<16x1xi32>
        %parallel_loop3A_1005 = vector.shape_cast %parallel_loop3A_1004 : vector<16x1xi32> to vector<16xi32>
        %parallel_loop3A_1006 = tpu.dynamic_gather %or3A_298[%parallel_loop3A_1005] in [0] : vector<16xi32>, vector<16xi32> -> vector<16xi32>
        %parallel_loop3A_1007 = arith.constant -65536 : i32
        %parallel_loop3A_1008 = vector.broadcast %parallel_loop3A_1007 : i32 to vector<16xi32>
        %parallel_loop3A_1009 = arith.andi %parallel_loop3A_1006, %parallel_loop3A_1008 : vector<16xi32>
        %parallel_loop3A_1010 = tpu.bitcast %parallel_loop3A_1009 : vector<16xi32> -> vector<16xf32>
        %parallel_loop3A_1011 = arith.constant 16 : i32
        %parallel_loop3A_1012 = vector.broadcast %parallel_loop3A_1011 : i32 to vector<16xi32>
        %parallel_loop3A_1013 = arith.shli %parallel_loop3A_1006, %parallel_loop3A_1012 : vector<16xi32>
        %parallel_loop3A_1014 = tpu.bitcast %parallel_loop3A_1013 : vector<16xi32> -> vector<16xf32>
        %parallel_loop3A_1015 = arith.mulf %parallel_loop3A_1010, %parallel_loop3A_726 : vector<16xf32>
        %parallel_loop3A_1016 = arith.mulf %parallel_loop3A_1014, %parallel_loop3A_713 : vector<16xf32>
        %parallel_loop3A_1017 = arith.addf %parallel_loop3A_713, %parallel_loop3A_1016 : vector<16xf32>
        %parallel_loop3A_1018 = math.exp %parallel_loop3A_1017 : vector<16xf32>
        %parallel_loop3A_1019 = arith.mulf %parallel_loop3A_1015, %parallel_loop3A_1018 : vector<16xf32>
        %parallel_loop3A_1020 = arith.constant 10 : i32
        %parallel_loop3A_1021 = arith.index_cast %parallel_loop3A_1020 : i32 to index
        %parallel_loop3A_1022 = arith.index_cast %parallel_loop3A_644 : i32 to index
        %parallel_loop3A_1023 = tpu.vector_load %arg19[%parallel_loop3A_1021, %parallel_loop3A_1022] {strides = array<i32>} : memref<19x1792xf32, #tpu.memory_space<vmem>>, vector<16xf32>,
        tpu.vector_store %arg19[%parallel_loop3A_1021, %parallel_loop3A_1022], %parallel_loop3A_1019 {strides = array<i32>} : memref<19x1792xf32, #tpu.memory_space<vmem>>, vector<16xf32>,
        %parallel_loop3A_1024 = arith.constant 0 : i32
        %parallel_loop3A_1025 = vector.broadcast %parallel_loop3A_1024 : i32 to vector<16xi32>
        %parallel_loop3A_1026 = arith.cmpi slt, %parallel_loop3A_646, %parallel_loop3A_1025 : vector<16xi32>
        %parallel_loop3A_1027 = arith.constant 16 : i32
        %parallel_loop3A_1028 = vector.broadcast %parallel_loop3A_1027 : i32 to vector<16xi32>
        %parallel_loop3A_1029 = arith.addi %parallel_loop3A_646, %parallel_loop3A_1028 : vector<16xi32>
        %parallel_loop3A_1030 = arith.select %parallel_loop3A_1026, %parallel_loop3A_1029, %parallel_loop3A_646 : vector<16xi1>, vector<16xi32>
        %parallel_loop3A_1031 = vector.shape_cast %parallel_loop3A_1030 : vector<16xi32> to vector<16x1xi32>
        %parallel_loop3A_1032 = vector.shape_cast %parallel_loop3A_1031 : vector<16x1xi32> to vector<16xi32>
        %parallel_loop3A_1033 = tpu.dynamic_gather %or3A_321[%parallel_loop3A_1032] in [0] : vector<16xi32>, vector<16xi32> -> vector<16xi32>
        %parallel_loop3A_1034 = arith.constant -65536 : i32
        %parallel_loop3A_1035 = vector.broadcast %parallel_loop3A_1034 : i32 to vector<16xi32>
        %parallel_loop3A_1036 = arith.andi %parallel_loop3A_1033, %parallel_loop3A_1035 : vector<16xi32>
        %parallel_loop3A_1037 = tpu.bitcast %parallel_loop3A_1036 : vector<16xi32> -> vector<16xf32>
        %parallel_loop3A_1038 = arith.constant 16 : i32
        %parallel_loop3A_1039 = vector.broadcast %parallel_loop3A_1038 : i32 to vector<16xi32>
        %parallel_loop3A_1040 = arith.shli %parallel_loop3A_1033, %parallel_loop3A_1039 : vector<16xi32>
        %parallel_loop3A_1041 = tpu.bitcast %parallel_loop3A_1040 : vector<16xi32> -> vector<16xf32>
        %parallel_loop3A_1042 = arith.mulf %parallel_loop3A_1037, %parallel_loop3A_726 : vector<16xf32>
        %parallel_loop3A_1043 = arith.mulf %parallel_loop3A_1041, %parallel_loop3A_713 : vector<16xf32>
        %parallel_loop3A_1044 = arith.addf %parallel_loop3A_713, %parallel_loop3A_1043 : vector<16xf32>
        %parallel_loop3A_1045 = math.exp %parallel_loop3A_1044 : vector<16xf32>
        %parallel_loop3A_1046 = arith.mulf %parallel_loop3A_1042, %parallel_loop3A_1045 : vector<16xf32>
        %parallel_loop3A_1047 = arith.constant 11 : i32
        %parallel_loop3A_1048 = arith.index_cast %parallel_loop3A_1047 : i32 to index
        %parallel_loop3A_1049 = arith.index_cast %parallel_loop3A_644 : i32 to index
        %parallel_loop3A_1050 = tpu.vector_load %arg19[%parallel_loop3A_1048, %parallel_loop3A_1049] {strides = array<i32>} : memref<19x1792xf32, #tpu.memory_space<vmem>>, vector<16xf32>,
        tpu.vector_store %arg19[%parallel_loop3A_1048, %parallel_loop3A_1049], %parallel_loop3A_1046 {strides = array<i32>} : memref<19x1792xf32, #tpu.memory_space<vmem>>, vector<16xf32>,
        %parallel_loop3A_1051 = arith.constant 0 : i32
        %parallel_loop3A_1052 = vector.broadcast %parallel_loop3A_1051 : i32 to vector<16xi32>
        %parallel_loop3A_1053 = arith.cmpi slt, %parallel_loop3A_646, %parallel_loop3A_1052 : vector<16xi32>
        %parallel_loop3A_1054 = arith.constant 16 : i32
        %parallel_loop3A_1055 = vector.broadcast %parallel_loop3A_1054 : i32 to vector<16xi32>
        %parallel_loop3A_1056 = arith.addi %parallel_loop3A_646, %parallel_loop3A_1055 : vector<16xi32>
        %parallel_loop3A_1057 = arith.select %parallel_loop3A_1053, %parallel_loop3A_1056, %parallel_loop3A_646 : vector<16xi1>, vector<16xi32>
        %parallel_loop3A_1058 = vector.shape_cast %parallel_loop3A_1057 : vector<16xi32> to vector<16x1xi32>
        %parallel_loop3A_1059 = vector.shape_cast %parallel_loop3A_1058 : vector<16x1xi32> to vector<16xi32>
        %parallel_loop3A_1060 = tpu.dynamic_gather %or3A_344[%parallel_loop3A_1059] in [0] : vector<16xi32>, vector<16xi32> -> vector<16xi32>
        %parallel_loop3A_1061 = arith.constant -65536 : i32
        %parallel_loop3A_1062 = vector.broadcast %parallel_loop3A_1061 : i32 to vector<16xi32>
        %parallel_loop3A_1063 = arith.andi %parallel_loop3A_1060, %parallel_loop3A_1062 : vector<16xi32>
        %parallel_loop3A_1064 = tpu.bitcast %parallel_loop3A_1063 : vector<16xi32> -> vector<16xf32>
        %parallel_loop3A_1065 = arith.constant 16 : i32
        %parallel_loop3A_1066 = vector.broadcast %parallel_loop3A_1065 : i32 to vector<16xi32>
        %parallel_loop3A_1067 = arith.shli %parallel_loop3A_1060, %parallel_loop3A_1066 : vector<16xi32>
        %parallel_loop3A_1068 = tpu.bitcast %parallel_loop3A_1067 : vector<16xi32> -> vector<16xf32>
        %parallel_loop3A_1069 = arith.mulf %parallel_loop3A_1064, %parallel_loop3A_726 : vector<16xf32>
        %parallel_loop3A_1070 = arith.mulf %parallel_loop3A_1068, %parallel_loop3A_713 : vector<16xf32>
        %parallel_loop3A_1071 = arith.addf %parallel_loop3A_713, %parallel_loop3A_1070 : vector<16xf32>
        %parallel_loop3A_1072 = math.exp %parallel_loop3A_1071 : vector<16xf32>
        %parallel_loop3A_1073 = arith.mulf %parallel_loop3A_1069, %parallel_loop3A_1072 : vector<16xf32>
        %parallel_loop3A_1074 = arith.constant 12 : i32
        %parallel_loop3A_1075 = arith.index_cast %parallel_loop3A_1074 : i32 to index
        %parallel_loop3A_1076 = arith.index_cast %parallel_loop3A_644 : i32 to index
        %parallel_loop3A_1077 = tpu.vector_load %arg19[%parallel_loop3A_1075, %parallel_loop3A_1076] {strides = array<i32>} : memref<19x1792xf32, #tpu.memory_space<vmem>>, vector<16xf32>,
        tpu.vector_store %arg19[%parallel_loop3A_1075, %parallel_loop3A_1076], %parallel_loop3A_1073 {strides = array<i32>} : memref<19x1792xf32, #tpu.memory_space<vmem>>, vector<16xf32>,
        %parallel_loop3A_1078 = arith.constant 0 : i32
        %parallel_loop3A_1079 = vector.broadcast %parallel_loop3A_1078 : i32 to vector<16xi32>
        %parallel_loop3A_1080 = arith.cmpi slt, %parallel_loop3A_646, %parallel_loop3A_1079 : vector<16xi32>
        %parallel_loop3A_1081 = arith.constant 16 : i32
        %parallel_loop3A_1082 = vector.broadcast %parallel_loop3A_1081 : i32 to vector<16xi32>
        %parallel_loop3A_1083 = arith.addi %parallel_loop3A_646, %parallel_loop3A_1082 : vector<16xi32>
        %parallel_loop3A_1084 = arith.select %parallel_loop3A_1080, %parallel_loop3A_1083, %parallel_loop3A_646 : vector<16xi1>, vector<16xi32>
        %parallel_loop3A_1085 = vector.shape_cast %parallel_loop3A_1084 : vector<16xi32> to vector<16x1xi32>
        %parallel_loop3A_1086 = vector.shape_cast %parallel_loop3A_1085 : vector<16x1xi32> to vector<16xi32>
        %parallel_loop3A_1087 = tpu.dynamic_gather %or3A_367[%parallel_loop3A_1086] in [0] : vector<16xi32>, vector<16xi32> -> vector<16xi32>
        %parallel_loop3A_1088 = arith.constant -65536 : i32
        %parallel_loop3A_1089 = vector.broadcast %parallel_loop3A_1088 : i32 to vector<16xi32>
        %parallel_loop3A_1090 = arith.andi %parallel_loop3A_1087, %parallel_loop3A_1089 : vector<16xi32>
        %parallel_loop3A_1091 = tpu.bitcast %parallel_loop3A_1090 : vector<16xi32> -> vector<16xf32>
        %parallel_loop3A_1092 = arith.constant 16 : i32
        %parallel_loop3A_1093 = vector.broadcast %parallel_loop3A_1092 : i32 to vector<16xi32>
        %parallel_loop3A_1094 = arith.shli %parallel_loop3A_1087, %parallel_loop3A_1093 : vector<16xi32>
        %parallel_loop3A_1095 = tpu.bitcast %parallel_loop3A_1094 : vector<16xi32> -> vector<16xf32>
        %parallel_loop3A_1096 = arith.mulf %parallel_loop3A_1091, %parallel_loop3A_726 : vector<16xf32>
        %parallel_loop3A_1097 = arith.mulf %parallel_loop3A_1095, %parallel_loop3A_713 : vector<16xf32>
        %parallel_loop3A_1098 = arith.addf %parallel_loop3A_713, %parallel_loop3A_1097 : vector<16xf32>
        %parallel_loop3A_1099 = math.exp %parallel_loop3A_1098 : vector<16xf32>
        %parallel_loop3A_1100 = arith.mulf %parallel_loop3A_1096, %parallel_loop3A_1099 : vector<16xf32>
        %parallel_loop3A_1101 = arith.constant 13 : i32
        %parallel_loop3A_1102 = arith.index_cast %parallel_loop3A_1101 : i32 to index
        %parallel_loop3A_1103 = arith.index_cast %parallel_loop3A_644 : i32 to index
        %parallel_loop3A_1104 = tpu.vector_load %arg19[%parallel_loop3A_1102, %parallel_loop3A_1103] {strides = array<i32>} : memref<19x1792xf32, #tpu.memory_space<vmem>>, vector<16xf32>,
        tpu.vector_store %arg19[%parallel_loop3A_1102, %parallel_loop3A_1103], %parallel_loop3A_1100 {strides = array<i32>} : memref<19x1792xf32, #tpu.memory_space<vmem>>, vector<16xf32>,
        %parallel_loop3A_1105 = arith.constant 0 : i32
        %parallel_loop3A_1106 = vector.broadcast %parallel_loop3A_1105 : i32 to vector<16xi32>
        %parallel_loop3A_1107 = arith.cmpi slt, %parallel_loop3A_646, %parallel_loop3A_1106 : vector<16xi32>
        %parallel_loop3A_1108 = arith.constant 16 : i32
        %parallel_loop3A_1109 = vector.broadcast %parallel_loop3A_1108 : i32 to vector<16xi32>
        %parallel_loop3A_1110 = arith.addi %parallel_loop3A_646, %parallel_loop3A_1109 : vector<16xi32>
        %parallel_loop3A_1111 = arith.select %parallel_loop3A_1107, %parallel_loop3A_1110, %parallel_loop3A_646 : vector<16xi1>, vector<16xi32>
        %parallel_loop3A_1112 = vector.shape_cast %parallel_loop3A_1111 : vector<16xi32> to vector<16x1xi32>
        %parallel_loop3A_1113 = vector.shape_cast %parallel_loop3A_1112 : vector<16x1xi32> to vector<16xi32>
        %parallel_loop3A_1114 = tpu.dynamic_gather %or3A_390[%parallel_loop3A_1113] in [0] : vector<16xi32>, vector<16xi32> -> vector<16xi32>
        %parallel_loop3A_1115 = arith.constant -65536 : i32
        %parallel_loop3A_1116 = vector.broadcast %parallel_loop3A_1115 : i32 to vector<16xi32>
        %parallel_loop3A_1117 = arith.andi %parallel_loop3A_1114, %parallel_loop3A_1116 : vector<16xi32>
        %parallel_loop3A_1118 = tpu.bitcast %parallel_loop3A_1117 : vector<16xi32> -> vector<16xf32>
        %parallel_loop3A_1119 = arith.constant 16 : i32
        %parallel_loop3A_1120 = vector.broadcast %parallel_loop3A_1119 : i32 to vector<16xi32>
        %parallel_loop3A_1121 = arith.shli %parallel_loop3A_1114, %parallel_loop3A_1120 : vector<16xi32>
        %parallel_loop3A_1122 = tpu.bitcast %parallel_loop3A_1121 : vector<16xi32> -> vector<16xf32>
        %parallel_loop3A_1123 = arith.mulf %parallel_loop3A_1118, %parallel_loop3A_726 : vector<16xf32>
        %parallel_loop3A_1124 = arith.mulf %parallel_loop3A_1122, %parallel_loop3A_713 : vector<16xf32>
        %parallel_loop3A_1125 = arith.addf %parallel_loop3A_713, %parallel_loop3A_1124 : vector<16xf32>
        %parallel_loop3A_1126 = math.exp %parallel_loop3A_1125 : vector<16xf32>
        %parallel_loop3A_1127 = arith.mulf %parallel_loop3A_1123, %parallel_loop3A_1126 : vector<16xf32>
        %parallel_loop3A_1128 = arith.constant 14 : i32
        %parallel_loop3A_1129 = arith.index_cast %parallel_loop3A_1128 : i32 to index
        %parallel_loop3A_1130 = arith.index_cast %parallel_loop3A_644 : i32 to index
        %parallel_loop3A_1131 = tpu.vector_load %arg19[%parallel_loop3A_1129, %parallel_loop3A_1130] {strides = array<i32>} : memref<19x1792xf32, #tpu.memory_space<vmem>>, vector<16xf32>,
        tpu.vector_store %arg19[%parallel_loop3A_1129, %parallel_loop3A_1130], %parallel_loop3A_1127 {strides = array<i32>} : memref<19x1792xf32, #tpu.memory_space<vmem>>, vector<16xf32>,
        %parallel_loop3A_1132 = arith.constant 0 : i32
        %parallel_loop3A_1133 = vector.broadcast %parallel_loop3A_1132 : i32 to vector<16xi32>
        %parallel_loop3A_1134 = arith.cmpi slt, %parallel_loop3A_646, %parallel_loop3A_1133 : vector<16xi32>
        %parallel_loop3A_1135 = arith.constant 16 : i32
        %parallel_loop3A_1136 = vector.broadcast %parallel_loop3A_1135 : i32 to vector<16xi32>
        %parallel_loop3A_1137 = arith.addi %parallel_loop3A_646, %parallel_loop3A_1136 : vector<16xi32>
        %parallel_loop3A_1138 = arith.select %parallel_loop3A_1134, %parallel_loop3A_1137, %parallel_loop3A_646 : vector<16xi1>, vector<16xi32>
        %parallel_loop3A_1139 = vector.shape_cast %parallel_loop3A_1138 : vector<16xi32> to vector<16x1xi32>
        %parallel_loop3A_1140 = vector.shape_cast %parallel_loop3A_1139 : vector<16x1xi32> to vector<16xi32>
        %parallel_loop3A_1141 = tpu.dynamic_gather %or3A_413[%parallel_loop3A_1140] in [0] : vector<16xi32>, vector<16xi32> -> vector<16xi32>
        %parallel_loop3A_1142 = arith.constant -65536 : i32
        %parallel_loop3A_1143 = vector.broadcast %parallel_loop3A_1142 : i32 to vector<16xi32>
        %parallel_loop3A_1144 = arith.andi %parallel_loop3A_1141, %parallel_loop3A_1143 : vector<16xi32>
        %parallel_loop3A_1145 = tpu.bitcast %parallel_loop3A_1144 : vector<16xi32> -> vector<16xf32>
        %parallel_loop3A_1146 = arith.constant 16 : i32
        %parallel_loop3A_1147 = vector.broadcast %parallel_loop3A_1146 : i32 to vector<16xi32>
        %parallel_loop3A_1148 = arith.shli %parallel_loop3A_1141, %parallel_loop3A_1147 : vector<16xi32>
        %parallel_loop3A_1149 = tpu.bitcast %parallel_loop3A_1148 : vector<16xi32> -> vector<16xf32>
        %parallel_loop3A_1150 = arith.mulf %parallel_loop3A_1145, %parallel_loop3A_726 : vector<16xf32>
        %parallel_loop3A_1151 = arith.mulf %parallel_loop3A_1149, %parallel_loop3A_713 : vector<16xf32>
        %parallel_loop3A_1152 = arith.addf %parallel_loop3A_713, %parallel_loop3A_1151 : vector<16xf32>
        %parallel_loop3A_1153 = math.exp %parallel_loop3A_1152 : vector<16xf32>
        %parallel_loop3A_1154 = arith.mulf %parallel_loop3A_1150, %parallel_loop3A_1153 : vector<16xf32>
        %parallel_loop3A_1155 = arith.constant 15 : i32
        %parallel_loop3A_1156 = arith.index_cast %parallel_loop3A_1155 : i32 to index
        %parallel_loop3A_1157 = arith.index_cast %parallel_loop3A_644 : i32 to index
        %parallel_loop3A_1158 = tpu.vector_load %arg19[%parallel_loop3A_1156, %parallel_loop3A_1157] {strides = array<i32>} : memref<19x1792xf32, #tpu.memory_space<vmem>>, vector<16xf32>,
        tpu.vector_store %arg19[%parallel_loop3A_1156, %parallel_loop3A_1157], %parallel_loop3A_1154 {strides = array<i32>} : memref<19x1792xf32, #tpu.memory_space<vmem>>, vector<16xf32>,
        %parallel_loop3A_1159 = arith.constant 0 : i32
        %parallel_loop3A_1160 = vector.broadcast %parallel_loop3A_1159 : i32 to vector<16xi32>
        %parallel_loop3A_1161 = arith.cmpi slt, %parallel_loop3A_646, %parallel_loop3A_1160 : vector<16xi32>
        %parallel_loop3A_1162 = arith.constant 16 : i32
        %parallel_loop3A_1163 = vector.broadcast %parallel_loop3A_1162 : i32 to vector<16xi32>
        %parallel_loop3A_1164 = arith.addi %parallel_loop3A_646, %parallel_loop3A_1163 : vector<16xi32>
        %parallel_loop3A_1165 = arith.select %parallel_loop3A_1161, %parallel_loop3A_1164, %parallel_loop3A_646 : vector<16xi1>, vector<16xi32>
        %parallel_loop3A_1166 = vector.shape_cast %parallel_loop3A_1165 : vector<16xi32> to vector<16x1xi32>
        %parallel_loop3A_1167 = vector.shape_cast %parallel_loop3A_1166 : vector<16x1xi32> to vector<16xi32>
        %parallel_loop3A_1168 = tpu.dynamic_gather %or3A_436[%parallel_loop3A_1167] in [0] : vector<16xi32>, vector<16xi32> -> vector<16xi32>
        %parallel_loop3A_1169 = arith.constant -65536 : i32
        %parallel_loop3A_1170 = vector.broadcast %parallel_loop3A_1169 : i32 to vector<16xi32>
        %parallel_loop3A_1171 = arith.andi %parallel_loop3A_1168, %parallel_loop3A_1170 : vector<16xi32>
        %parallel_loop3A_1172 = tpu.bitcast %parallel_loop3A_1171 : vector<16xi32> -> vector<16xf32>
        %parallel_loop3A_1173 = arith.constant 16 : i32
        %parallel_loop3A_1174 = vector.broadcast %parallel_loop3A_1173 : i32 to vector<16xi32>
        %parallel_loop3A_1175 = arith.shli %parallel_loop3A_1168, %parallel_loop3A_1174 : vector<16xi32>
        %parallel_loop3A_1176 = tpu.bitcast %parallel_loop3A_1175 : vector<16xi32> -> vector<16xf32>
        %parallel_loop3A_1177 = arith.mulf %parallel_loop3A_1172, %parallel_loop3A_726 : vector<16xf32>
        %parallel_loop3A_1178 = arith.mulf %parallel_loop3A_1176, %parallel_loop3A_713 : vector<16xf32>
        %parallel_loop3A_1179 = arith.addf %parallel_loop3A_713, %parallel_loop3A_1178 : vector<16xf32>
        %parallel_loop3A_1180 = math.exp %parallel_loop3A_1179 : vector<16xf32>
        %parallel_loop3A_1181 = arith.mulf %parallel_loop3A_1177, %parallel_loop3A_1180 : vector<16xf32>
        %parallel_loop3A_1182 = arith.constant 16 : i32
        %parallel_loop3A_1183 = arith.index_cast %parallel_loop3A_1182 : i32 to index
        %parallel_loop3A_1184 = arith.index_cast %parallel_loop3A_644 : i32 to index
        %parallel_loop3A_1185 = tpu.vector_load %arg19[%parallel_loop3A_1183, %parallel_loop3A_1184] {strides = array<i32>} : memref<19x1792xf32, #tpu.memory_space<vmem>>, vector<16xf32>,
        tpu.vector_store %arg19[%parallel_loop3A_1183, %parallel_loop3A_1184], %parallel_loop3A_1181 {strides = array<i32>} : memref<19x1792xf32, #tpu.memory_space<vmem>>, vector<16xf32>,
        %parallel_loop3A_1186 = arith.constant 0 : i32
        %parallel_loop3A_1187 = vector.broadcast %parallel_loop3A_1186 : i32 to vector<16xi32>
        %parallel_loop3A_1188 = arith.cmpi slt, %parallel_loop3A_646, %parallel_loop3A_1187 : vector<16xi32>
        %parallel_loop3A_1189 = arith.constant 16 : i32
        %parallel_loop3A_1190 = vector.broadcast %parallel_loop3A_1189 : i32 to vector<16xi32>
        %parallel_loop3A_1191 = arith.addi %parallel_loop3A_646, %parallel_loop3A_1190 : vector<16xi32>
        %parallel_loop3A_1192 = arith.select %parallel_loop3A_1188, %parallel_loop3A_1191, %parallel_loop3A_646 : vector<16xi1>, vector<16xi32>
        %parallel_loop3A_1193 = vector.shape_cast %parallel_loop3A_1192 : vector<16xi32> to vector<16x1xi32>
        %parallel_loop3A_1194 = vector.shape_cast %parallel_loop3A_1193 : vector<16x1xi32> to vector<16xi32>
        %parallel_loop3A_1195 = tpu.dynamic_gather %or3A_459[%parallel_loop3A_1194] in [0] : vector<16xi32>, vector<16xi32> -> vector<16xi32>
        %parallel_loop3A_1196 = arith.constant -65536 : i32
        %parallel_loop3A_1197 = vector.broadcast %parallel_loop3A_1196 : i32 to vector<16xi32>
        %parallel_loop3A_1198 = arith.andi %parallel_loop3A_1195, %parallel_loop3A_1197 : vector<16xi32>
        %parallel_loop3A_1199 = tpu.bitcast %parallel_loop3A_1198 : vector<16xi32> -> vector<16xf32>
        %parallel_loop3A_1200 = arith.constant 16 : i32
        %parallel_loop3A_1201 = vector.broadcast %parallel_loop3A_1200 : i32 to vector<16xi32>
        %parallel_loop3A_1202 = arith.shli %parallel_loop3A_1195, %parallel_loop3A_1201 : vector<16xi32>
        %parallel_loop3A_1203 = tpu.bitcast %parallel_loop3A_1202 : vector<16xi32> -> vector<16xf32>
        %parallel_loop3A_1204 = arith.mulf %parallel_loop3A_1199, %parallel_loop3A_726 : vector<16xf32>
        %parallel_loop3A_1205 = arith.mulf %parallel_loop3A_1203, %parallel_loop3A_713 : vector<16xf32>
        %parallel_loop3A_1206 = arith.addf %parallel_loop3A_713, %parallel_loop3A_1205 : vector<16xf32>
        %parallel_loop3A_1207 = math.exp %parallel_loop3A_1206 : vector<16xf32>
        %parallel_loop3A_1208 = arith.mulf %parallel_loop3A_1204, %parallel_loop3A_1207 : vector<16xf32>
        %parallel_loop3A_1209 = arith.constant 17 : i32
        %parallel_loop3A_1210 = arith.index_cast %parallel_loop3A_1209 : i32 to index
        %parallel_loop3A_1211 = arith.index_cast %parallel_loop3A_644 : i32 to index
        %parallel_loop3A_1212 = tpu.vector_load %arg19[%parallel_loop3A_1210, %parallel_loop3A_1211] {strides = array<i32>} : memref<19x1792xf32, #tpu.memory_space<vmem>>, vector<16xf32>,
        tpu.vector_store %arg19[%parallel_loop3A_1210, %parallel_loop3A_1211], %parallel_loop3A_1208 {strides = array<i32>} : memref<19x1792xf32, #tpu.memory_space<vmem>>, vector<16xf32>,
        %parallel_loop3A_1213 = arith.constant 0 : i32
        %parallel_loop3A_1214 = vector.broadcast %parallel_loop3A_1213 : i32 to vector<16xi32>
        %parallel_loop3A_1215 = arith.cmpi slt, %parallel_loop3A_646, %parallel_loop3A_1214 : vector<16xi32>
        %parallel_loop3A_1216 = arith.constant 16 : i32
        %parallel_loop3A_1217 = vector.broadcast %parallel_loop3A_1216 : i32 to vector<16xi32>
        %parallel_loop3A_1218 = arith.addi %parallel_loop3A_646, %parallel_loop3A_1217 : vector<16xi32>
        %parallel_loop3A_1219 = arith.select %parallel_loop3A_1215, %parallel_loop3A_1218, %parallel_loop3A_646 : vector<16xi1>, vector<16xi32>
        %parallel_loop3A_1220 = vector.shape_cast %parallel_loop3A_1219 : vector<16xi32> to vector<16x1xi32>
        %parallel_loop3A_1221 = vector.shape_cast %parallel_loop3A_1220 : vector<16x1xi32> to vector<16xi32>
        %parallel_loop3A_1222 = tpu.dynamic_gather %or3A_482[%parallel_loop3A_1221] in [0] : vector<16xi32>, vector<16xi32> -> vector<16xi32>
        %parallel_loop3A_1223 = arith.constant -65536 : i32
        %parallel_loop3A_1224 = vector.broadcast %parallel_loop3A_1223 : i32 to vector<16xi32>
        %parallel_loop3A_1225 = arith.andi %parallel_loop3A_1222, %parallel_loop3A_1224 : vector<16xi32>
        %parallel_loop3A_1226 = tpu.bitcast %parallel_loop3A_1225 : vector<16xi32> -> vector<16xf32>
        %parallel_loop3A_1227 = arith.constant 16 : i32
        %parallel_loop3A_1228 = vector.broadcast %parallel_loop3A_1227 : i32 to vector<16xi32>
        %parallel_loop3A_1229 = arith.shli %parallel_loop3A_1222, %parallel_loop3A_1228 : vector<16xi32>
        %parallel_loop3A_1230 = tpu.bitcast %parallel_loop3A_1229 : vector<16xi32> -> vector<16xf32>
        %parallel_loop3A_1231 = arith.mulf %parallel_loop3A_1226, %parallel_loop3A_726 : vector<16xf32>
        %parallel_loop3A_1232 = arith.mulf %parallel_loop3A_1230, %parallel_loop3A_713 : vector<16xf32>
        %parallel_loop3A_1233 = arith.addf %parallel_loop3A_713, %parallel_loop3A_1232 : vector<16xf32>
        %parallel_loop3A_1234 = math.exp %parallel_loop3A_1233 : vector<16xf32>
        %parallel_loop3A_1235 = arith.mulf %parallel_loop3A_1231, %parallel_loop3A_1234 : vector<16xf32>
        %parallel_loop3A_1236 = arith.constant 18 : i32
        %parallel_loop3A_1237 = arith.index_cast %parallel_loop3A_1236 : i32 to index
        %parallel_loop3A_1238 = arith.index_cast %parallel_loop3A_644 : i32 to index
        %parallel_loop3A_1239 = tpu.vector_load %arg19[%parallel_loop3A_1237, %parallel_loop3A_1238] {strides = array<i32>} : memref<19x1792xf32, #tpu.memory_space<vmem>>, vector<16xf32>,
        tpu.vector_store %arg19[%parallel_loop3A_1237, %parallel_loop3A_1238], %parallel_loop3A_1235 {strides = array<i32>} : memref<19x1792xf32, #tpu.memory_space<vmem>>, vector<16xf32>,
      } {sc.loop_unroll_factor = 4 : i64, sc.parallel_access}
      %mul3A_629 = arith.constant 14 : i32
      %mul3A_630 = arith.muli %add3A_532, %mul3A_629 : i32
      %add3A_631 = arith.addi %shift_right_arithmetic3A_486, %mul3A_630 : i32
      %sub3A_632 = arith.constant 14 : i32
      %sub3A_633 = arith.subi %shift_right_arithmetic3A_492, %sub3A_632 : i32
      %min3A_634 = arith.minsi %add3A_631, %sub3A_633 : i32
      %mul3A_635 = arith.constant 128 : i32
      %mul3A_636 = arith.muli %min3A_634, %mul3A_635 : i32
      %dma_start3A_637 = arith.constant 0 : i32
      %dma_start3A_638 = tpu.memref_slice %arg7[%dma_start3A_637, %mul3A_636] : memref<19x1600000xf32, #tpu.memory_space<hbm>> -> memref<19x1792xf32, #tpu.memory_space<hbm>>
      %dma_start3A_639 = arith.constant 0 : i32
      %dma_start3A_640 = tpu.memref_slice %arg7[%dma_start3A_639, %mul3A_636] : memref<19x1600000xf32, #tpu.memory_space<hbm>> -> memref<19x1792xf32, #tpu.memory_space<hbm>>
      tpu.enqueue_dma source(%arg19 : memref<19x1792xf32, #tpu.memory_space<vmem>>) target(%dma_start3A_640 : memref<19x1792xf32, #tpu.memory_space<hbm>>) target_semaphore(%arg23 : memref<!tpu.dma_semaphore, #tpu.memory_space<semaphore_mem>>)
    }
    %scan3A_516 = arith.constant 14 : i32
    %dma_wait3A = arith.constant 0 : i32
    %dma_wait3A_517 = arith.constant 0 : i32
    %dma_wait3A_518 = tpu.memref_slice %arg7[%dma_wait3A, %dma_wait3A_517] : memref<19x1600000xf32, #tpu.memory_space<hbm>> -> memref<19x1792xf32, #tpu.memory_space<hbm>>
    %dma_wait3A_519 = arith.constant 0 : i32
    %dma_wait3A_520 = arith.constant 0 : i32
    %dma_wait3A_521 = tpu.memref_slice %arg7[%dma_wait3A_519, %dma_wait3A_520] : memref<19x1600000xf32, #tpu.memory_space<hbm>> -> memref<19x1792xf32, #tpu.memory_space<hbm>>
    tpu.wait_dma2 semaphore(%arg22 : memref<!tpu.dma_semaphore, #tpu.memory_space<semaphore_mem>>) src(%arg14 : memref<19x1792xf32, #tpu.memory_space<vmem>>) dst(%dma_wait3A_521 : memref<19x1792xf32, #tpu.memory_space<hbm>>)
    %dma_wait3A_522 = arith.constant 0 : i32
    %dma_wait3A_523 = arith.constant 0 : i32
    %dma_wait3A_524 = tpu.memref_slice %arg7[%dma_wait3A_522, %dma_wait3A_523] : memref<19x1600000xf32, #tpu.memory_space<hbm>> -> memref<19x1792xf32, #tpu.memory_space<hbm>>
    %dma_wait3A_525 = arith.constant 0 : i32
    %dma_wait3A_526 = arith.constant 0 : i32
    %dma_wait3A_527 = tpu.memref_slice %arg7[%dma_wait3A_525, %dma_wait3A_526] : memref<19x1600000xf32, #tpu.memory_space<hbm>> -> memref<19x1792xf32, #tpu.memory_space<hbm>>
    tpu.wait_dma2 semaphore(%arg23 : memref<!tpu.dma_semaphore, #tpu.memory_space<semaphore_mem>>) src(%arg19 : memref<19x1792xf32, #tpu.memory_space<vmem>>) dst(%dma_wait3A_527 : memref<19x1792xf32, #tpu.memory_space<hbm>>)
    return
  }
}

</mosaic_0001>

<sc_bundles>
// kernel: kernel.3.cloned.1.call-start
scs
__scs_entry_jumppad:
0x0: {  	(pc) =	sbr.rel $0x88, $3  }
0x1: {  	(tag) =	ssettag $0x0;
	lr =	simm.s32 $0x1  }
0x2: {  	[smem:$0x3F9C] =	sst lr;
	_ =	strace $0xD0000000  }
0x3: {  	_ = 	snop  }
0x4: {  	_ = 	snop  }
0x5: {  	_ = 	snop  }
0x6: {  	_ = 	snop  }
0x7: {  	_ = 	snop  }
__scs_overlays_trampoline_lowered:
0x8: {  	[smem:$0x3FAB] =	sst s0  }
0x9: {  	[smem:$0x3FAC] =	sst s1  }
0xa: {  	[smem:$0x3FAD] =	sst s2  }
0xb: {  	[smem:$0x3FAE] =	sst s3  }
0xc: {  	[smem:$0x3FAF] =	sst s4  }
0xd: {  	[smem:$0x3FB0] =	sst s5  }
0xe: {  	[smem:$0x3FB1] =	sst s6  }
0xf: {  	[smem:$0x3FB2] =	sst s7  }
0x10: {  	[smem:$0x3FB3] =	sst s8  }
0x11: {  	[smem:$0x3FB4] =	sst s9;
	s0 =	simm.s32 @!p0 $0x0  }
0x12: {  	s1 =	sld [smem:$0x3F9A];
	s0 =	simm.s32 @p0 $0x1  }
0x13: {  	[smem:$0x3FB5] =	sst s0;
	s0 =	simm.s32 @!p1 $0x0  }
0x14: {  	s2 =	sld [smem:$0x3F99];
	s0 =	simm.s32 @p1 $0x1  }
0x15: {  	[smem:$0x3FB6] =	sst s0;
	s0 =	simm.s32 @!p2 $0x0  }
0x16: {  	s3 =	sld [smem:$0x3FDB];
	s0 =	simm.s32 @p2 $0x1  }
0x17: {  	s4 =	simm.s32 $0x1BF5;
	[smem:$0x3FB8] =	sst s0  }
0x18: {  	s0 =	sld [smem:$0x3F9B];
	_ =	swait.ge [sflag:s4], $0x0  }
0x19: {  	s7 =	sld [smem:$0x3F9C]  }
0x1a: {  	s8 =	sadd.s32 $0xFFFFE003, lr  }
0x1b: {  	s9 =	sadd.s32 $0xFFFFFEF7, lr;
	s5 =	simm.s32 $0xFFFFFFFF;
	p2 =	slt.u32 s8, $0xFFFFF086  }
0x1c: {  	p1 =	slt.u32 s9, $0xF7A;
	s5 =	simm.s32 @!p2 $0x0  }
0x1d: {  	s5 =	simm.s32 @p1 $0x1;
	p0 =	seq.s32 s7, s2  }
0x1e: {  	s7 =	smul.u32 @!p0 $0xF7A, s2;
	p2 =	seq.s32 @!p0 s5, $0x0  }
0x1f: {  	s9 =	smul.u32 $0xF7A, s1;
	s8 =	simm.s32 @!p0 $0x1BF5;
	p2 =	por !p2, p0  }
0x20: {  	[sflag:s8] =	ssyncset.s32 @!p0 $0xFFFFF086;
	s6 =	sadd.s32 @!p0 s3, s7;
	s7 =	simm.s32 @!p0 $0x108  }
0x21: {  	s3 =	sadd.s32 s3, s9;
	s6 =	sadd.s32 @!p0 $0x88, s6;
	s7 =	simm.s32 @p2 $0x1082  }
0x22: {  	[simem:s7], [sflag:s8] =	dma.local @!p0 [hbm:s6], $0xF7A  }
0x23: {  	s9 =	sor.u32 $0xD0000000, s2;
	s6 =	simm.s32 $0x108;
	_ =	swait.ge @!p0 [sflag:s8], $0x0  }
0x24: {  	s3 =	sadd.s32 $0x88, s3;
	s6 =	simm.s32 @!p1 $0x1082;
	[sflag:s4] =	ssyncset.s32 $0xFFFFF086  }
0x25: {  	[simem:s6], [sflag:s4] =	dma.local [hbm:s3], $0xF7A  }
0x26: {  	[smem:$0x3F9C] =	sst s1;
	(tag) =	ssettag s2;
	_ =	strace s9  }
0x27: {  	s1 =	sld [smem:$0x3FAC]  }
0x28: {  	s2 =	sld [smem:$0x3FAD]  }
0x29: {  	s4 =	sld [smem:$0x3FAF]  }
0x2a: {  	p0 =	seq.s32 s5, $0x0;
	s5 =	sld [smem:$0x3FB0]  }
0x2b: {  	s6 =	sld [smem:$0x3FB1]  }
0x2c: {  	s7 =	sld [smem:$0x3FB2]  }
0x2d: {  	s3 =	simm.s32 $0x108;
	s8 =	sld [smem:$0x3FB3]  }
0x2e: {  	s3 =	simm.s32 @!p0 $0x1082;
	s9 =	sld [smem:$0x3FB4]  }
0x2f: {  	lr =	sadd.s32 s0, s3;
	s0 =	sld [smem:$0x3FAB]  }
0x30: {  	s3 =	sld [smem:$0x3FAE]  }
0x31: {  	[smem:$0x3FB7] =	sst s10  }
0x32: {  	s10 =	sld [smem:$0x3FB5];
	_ =	sdelay $0x3  }
0x33: {  	p0 =	seq.s32 s10, $0x1;
	s10 =	sld [smem:$0x3FB7];
	_ =	sdelay $0x3  }
0x34: {  	[smem:$0x3FB7] =	sst s10  }
0x35: {  	s10 =	sld [smem:$0x3FB6];
	_ =	sdelay $0x3  }
0x36: {  	p1 =	seq.s32 s10, $0x1;
	s10 =	sld [smem:$0x3FB7];
	_ =	sdelay $0x3  }
0x37: {  	[smem:$0x3FB7] =	sst s10  }
0x38: {  	s10 =	sld [smem:$0x3FB8]  }
0x39: {  	_ = 	snop;
	(pc) =	sbr.ind lr, $3  }
0x3a: {  	_ = 	snop  }
0x3b: {  	_ = 	snop  }
0x3c: {  	p2 =	seq.s32 s10, $0x1;
	s10 =	sld [smem:$0x3FB7]  }
0x3d: {  	_ =	shalt  }
0x3e: {  	_ =	shalt  }
0x3f: {  	_ =	shalt  }
0x40: {  	_ =	shalt  }
0x41: {  	_ =	shalt  }
0x42: {  	_ =	shalt  }
0x43: {  	_ =	shalt  }
0x44: {  	_ =	shalt  }
0x45: {  	_ =	shalt  }
0x46: {  	_ =	shalt  }
0x47: {  	_ =	shalt  }
0x48: {  	_ =	shalt  }
0x49: {  	_ =	shalt  }
0x4a: {  	_ =	shalt  }
0x4b: {  	_ =	shalt  }
0x4c: {  	_ =	shalt  }
0x4d: {  	_ =	shalt  }
0x4e: {  	_ =	shalt  }
0x4f: {  	_ =	shalt  }
0x50: {  	_ =	shalt  }
0x51: {  	_ =	shalt  }
0x52: {  	_ =	shalt  }
0x53: {  	_ =	shalt  }
0x54: {  	_ =	shalt  }
0x55: {  	_ =	shalt  }
0x56: {  	_ =	shalt  }
0x57: {  	_ =	shalt  }
0x58: {  	_ =	shalt  }
0x59: {  	_ =	shalt  }
0x5a: {  	_ =	shalt  }
0x5b: {  	_ =	shalt  }
0x5c: {  	_ =	shalt  }
0x5d: {  	_ =	shalt  }
0x5e: {  	_ =	shalt  }
0x5f: {  	_ =	shalt  }
0x60: {  	_ =	shalt  }
0x61: {  	_ =	shalt  }
0x62: {  	_ =	shalt  }
0x63: {  	_ =	shalt  }
0x64: {  	_ =	shalt  }
0x65: {  	_ =	shalt  }
0x66: {  	_ =	shalt  }
0x67: {  	_ =	shalt  }
0x68: {  	_ =	shalt  }
0x69: {  	_ =	shalt  }
0x6a: {  	_ =	shalt  }
0x6b: {  	_ =	shalt  }
0x6c: {  	_ =	shalt  }
0x6d: {  	_ =	shalt  }
0x6e: {  	_ =	shalt  }
0x6f: {  	_ =	shalt  }
0x70: {  	_ =	shalt  }
0x71: {  	_ =	shalt  }
0x72: {  	_ =	shalt  }
0x73: {  	_ =	shalt  }
0x74: {  	_ =	shalt  }
0x75: {  	_ =	shalt  }
0x76: {  	_ =	shalt  }
0x77: {  	_ =	shalt  }
0x78: {  	_ =	shalt  }
0x79: {  	_ =	shalt  }
0x7a: {  	_ =	shalt  }
0x7b: {  	_ =	shalt  }
0x7c: {  	_ =	shalt  }
0x7d: {  	_ =	shalt  }
0x7e: {  	_ =	shalt  }
0x7f: {  	_ =	shalt  }
0x80: {  	_ =	shalt  }
0x81: {  	_ =	shalt  }
0x82: {  	_ =	shalt  }
0x83: {  	_ =	shalt  }
0x84: {  	_ =	shalt  }
0x85: {  	_ =	shalt  }
0x86: {  	_ =	shalt  }
0x87: {  	_ =	shalt  }
.Lfunc_end0:
.L_simem_size_0:
called_computation_lowered:
.L_overlay_start_0:
0x88: {  	s2 =	sld [smem:$0x3FD9]  }
0x89: {  	s3 =	sld [smem:$0x3FFE];
	_ =	sdelay $0x1  }
0x8a: {  	s1 =	srdreg.scid  }
0x8b: {  	s0 =	sand.u32 $0x1, s1  }
0x8c: {  	s17 =	sshll.u32 s0, $0xA;
	s2 =	sadd.s32 s3, s2  }
0x8d: {  	s2 =	sadd.s32 s2, s17  }
0x8e: {  	[smem:$0x3FC3] =	sst s2  }
0x8f: {  	_ = 	snop  }
0x90: {  	s2 =	sld [smem:$0x3FC9]  }
0x91: {  	s18 =	sld [smem:$0x3FC8]  }
0x92: {  	s4 =	sld [smem:$0x3FC7]  }
0x93: {  	s5 =	sld [smem:$0x3FD0];
	(tm) =	ssettm $0x1  }
0x94: {  	s6 =	sld [smem:$0x3FFB];
	_ =	sdelay $0x3  }
0x95: {  	_ =	strace s6  }
0x96: {  	s6 =	sld [smem:$0x3FFC];
	_ =	sdelay $0x3  }
0x97: {  	_ =	strace s6  }
0x98: {  	s6 =	sld [smem:$0x3FFD];
	_ =	sdelay $0x3  }
0x99: {  	_ =	strace s6  }
0x9a: {  	_ =	strace $0x8FFFFFFF  }
0x9b: {  	s19 =	sld [smem:$0x3FDB];
	_ =	sdelay $0x1  }
0x9c: {  	s7 =	simm.s32 $_scs_section_size  }
0x9d: {  	s8 =	simm.s32 $_size__tile_overlayer_lowered;
	s9 =	simm.s32 $_tile_overlayer_lowered  }
0x9e: {  	s22 =	simm.s32 $0x1BFF;
	s21 =	sshll.u32 s9, $0x1;
	s6 =	sadd.s32 s7, s19  }
0x9f: {  	s10 =	simm.s32 $0x0;
	s20 =	sshll.u32 s8, $0x1;
	s8 =	sadd.s32 s21, s6  }
0xa0: {  	[timem:s10], [sflag:s22] =	dma.local [hbm:s8], s20  }
0xa1: {  	_ =	swait.ge [sflag:s22], s20  }
0xa2: {  	s7 =	ssub.s32 $0x0, s20;
	[sflag:s22] =	ssyncset.done $0x0  }
0xa3: {  	[sflag:s22] =	ssyncadd.s32 s7;
	_ =	sdelay $0x1  }
0xa4: {  	s23 =	simm.s32 $0x1B8B  }
0xa5: {  	_ =	swait.ge [sflag:s23], $0x1  }
0xa6: {  	[sflag:s23] =	ssyncset.done $0x0  }
0xa7: {  	s25 =	simm.s32 $0x1B8E;
	s24 =	sld [smem:$0x3FFE];
	[sflag:s23] =	ssyncadd.s32 $0xFFFFFFFF  }
0xa8: {  	s26 =	simm.s32 $execute0_lowered;
	[smem:$0x3FD2] =	sst s25  }
0xa9: {  	s8 =	sshll.u32 s26, $0x1;
	_ =	strace $0x80000046;
	[dreg:$0x1] =	wrdreg $0xFFFFFFFF  }
0xaa: {  	s28 =	simm.s32 $_size_execute0_lowered;
	s6 =	sadd.s32 s6, s8;
	[dreg:$0x0] =	wrdreg $0x0  }
0xab: {  	s8 =	sshll.u32 s28, $0x1;
	[dreg:$0x2] =	wrdreg s6  }
0xac: {  	[dreg:$0x3] =	wrdreg s8  }
0xad: {  	[dreg:$0x4] =	wrdreg $0xC0  }
0xae: {  	_ =	task [dreg:s10], $0x5FFFF  }
0xaf: {  	[dreg:$0x1] =	wrdreg $0xFFFFFFFF  }
0xb0: {  	[dreg:$0x0] =	wrdreg $0x60  }
0xb1: {  	[dreg:$0x2] =	wrdreg s2  }
0xb2: {  	[dreg:$0x3] =	wrdreg s18  }
0xb3: {  	[dreg:$0x4] =	wrdreg s4  }
0xb4: {  	[dreg:$0x5] =	wrdreg s24  }
0xb5: {  	[dreg:$0x6] =	wrdreg s5  }
0xb6: {  	[dreg:$0x7] =	wrdreg $0x9  }
0xb7: {  	_ =	task.clear_ibuf [dreg:s10], $0x8FFFF;
	_ =	strace $0x90000046  }
0xb8: {  	s29 =	simm.s32 $0x9;
	_ =	strace $0x80000048  }
0xb9: {  	_ =	swait.ge [sflag:s29], $0x1  }
0xba: {  	[sflag:s29] =	ssyncadd.s32 $0xFFFFFFFF  }
0xbb: {  	_ =	strace $0x90000048  }
0xbc: {  	_ =	sfence  }
0xbd: {  	s30 =	sld [smem:$0x0];
	_ =	sdelay $0x2  }
0xbe: {  	s31 =	sshll.u32 s1, $0xD;
	s1 =	sshrl.u32 s1, $0x2  }
0xbf: {  	s3 =	sand.u32 $0x4000, s31;
	s1 =	sadd.s32 s1, s30  }
0xc0: {  	s0 =	sor.u32 s3, s0;
	s1 =	sshll.u32 s1, $0x11  }
0xc1: {  	s0 =	sor.u32 s1, s0  }
0xc2: {  	s0 =	sadd.s32 $0x8F2B, s0  }
0xc3: {  	[sflag:s0] =	ssyncadd.remote.s32 $0x1  }
0xc4: {  	_ =	sfence.sel $0xFFFF  }
0xc5: {  	[dreg:$0x0] =	wrdreg $0xFFFFFFFF;
	(pc) =	sbr.abs _section_cstart, $3  }
0xc6: {  	[dreg:$0x1] =	wrdreg $0xFFFFFFFF  }
0xc7: {  	_ =	task.clear_ibuf [dreg:s10], $0x2FFFF;
	_ =	strace $0x9FFFFFFF  }
0xc8: {  	(tm) =	ssettm $0x7FFFFFFF  }
0xc9: {  	_ =	shalt  }
tec
execute0_lowered:
.L_overlay_start_1:
0x0: {  	(tag) =	ssettag $0x1  }
0x1: {  	s31 =	rddreg [dreg:$0x0]  }
0x2: {  	s5 =	rddreg [dreg:$0x1]  }
0x3: {  	s0 =	srdreg.scid;
	s6 =	rddreg [dreg:$0x2]  }
0x4: {  	s1 =	stileid.u32;
	s2 =	rddreg [dreg:$0x3];
	s4 =	simm.s32 $0x0  }
0x5: {  	s0 =	sand.u32 $0x1, s0;
	s1 =	sshll.u32 s1, $0x1;
	[smem:$0x7FF] =	sst s4  }
0x6: {  	s19 =	sadd.s32 $0x600, s2;
	s2 =	sadd.s32 $0x400, s2;
	s24 =	sadd.s32 $0x10, s5  }
0x7: {  	s1 =	sor.u32 s0, s1;
	_ =	strace $0x80000047;
	[dreg:$0x8] =	wrdreg s19  }
0x8: {  	s0 =	ssub.s32 $0x2, s0;
	[dreg:$0x9] =	wrdreg s2;
	s1 =	smul.u32 $0xC35, s1  }
0x9: {  	[dreg:$0xb] =	wrdreg s24;
	s20 =	sshrl.u32 s0, $0x1  }
0xa: {  	s0 =	ssub.s32 s0, s20;
	s3 =	sadd.s32 $0xC35, s1;
	s7 =	sshrl.u32 s1, $0x3  }
0xb: {  	s0 =	smax.u32 s0, $0x1;
	s3 =	sshrl.u32 s3, $0x3;
	[dreg:$0x6] =	wrdreg s7  }
0xc: {  	s29 =	sadd.s32 $0xE, s7;
	[dreg:$0x11] =	wrdreg s0;
	s18 =	sadd.s32 $0xFFFFFFF2, s3  }
0xd: {  	s30 =	sadd.s32 $0x1C, s7;
	[dreg:$0xf] =	wrdreg s29;
	s1 =	smin.u32 s7, s18  }
0xe: {  	[dreg:$0x10] =	wrdreg s30;
	s21 =	sshll.u32 s1, $0x4;
	s1 =	sshll.u32 s1, $0x5  }
0xf: {  	[dreg:$0x7] =	wrdreg s18;
	s25 =	sadd.s32 s5, s1  }
0x10: {  	s22 =	sand.u32 $0x1FFFFFF0, s21;
	s1 =	sadd.s32 s1, s24;
	[dreg:$0xc] =	wrdreg s25  }
0x11: {  	s28 =	simm.s32 $0x1;
	s23 =	sadd.s32 s31, s22;
	[dreg:$0xd] =	wrdreg s1  }
0x12: {  	s2 =	simm.s32 $0x0;
	s26 =	sadd.s32 s6, s22;
	[dreg:$0xa] =	wrdreg s23  }
0x13: {  	v58 =	vimm.f32 $0.0e+00;
	s20 =	simm.s32 $0x280;
	s25 =	simm.s32 $0x2;
	[dreg:$0xe] =	wrdreg s26  }
.LBB2_1:
0x14: {  	[dreg:$0x12] =	wrdreg s2  }
0x15: {  	s0 =	simm.s32 $0x0;
	s1 =	rddreg [dreg:$0x8];
	s17 =	simm.s32 $0x5  }
0x16: {  	[tilespmem:s0], [sflag:$0x5] =	stream.linear.gather [hbm4b:s1+s0], $0x280, $0x38;
	[tilespmem:$0x18B00] =	vst v63  }
0x17: {  	_ =	swait.ge [sflag:s17], $0x280  }
0x18: {  	[sflag:s17] =	ssyncset.done $0x0  }
0x19: {  	s18 =	rddreg [dreg:$0x9];
	[sflag:s17] =	ssyncadd.s32 $0xFFFFFD80  }
0x1a: {  	[tilespmem:s20], [sflag:$0x5] =	stream.linear.gather [hbm4b:s18+s0], $0x80, $0x38;
	[tilespmem:$0x18B00] =	vst v63  }
0x1b: {  	_ =	swait.ge [sflag:s17], $0x80  }
0x1c: {  	[sflag:s17] =	ssyncset.done $0x0  }
0x1d: {  	[sflag:s17] =	ssyncadd.s32 $0xFFFFFF80  }
0x1e: {  	v0 =	vld [tilespmem:$0x280];
	_ =	sdelay $0x4  }
0x1f: {  	v1 =	vand.u32 $0x7FFFFF, v0  }
0x20: {  	v1 =	vor.u32 $0x3F800000, v1  }
0x21: {  	v2 =	vmul.f32 $5.000000000e-01, v1  }
0x22: {  	vm0 =	vgt.f32 v1, $1.414213540e+00  }
0x23: {  	v1 =	vsel vm0, v2, v1  }
0x24: {  	v2 =	vadd.f32 $1.000000000e+00, v1;
	_ =	sdelay $0x1  }
0x25: {  	v4 =	vld [tilespmem:$0x0];
	(erf) = vrcp.f32 v2  }
0x26: {  	v5 =	vld [tilespmem:$0x10]  }
0x27: {  	v6 =	vld [tilespmem:$0x20]  }
0x28: {  	v8 =	vld [tilespmem:$0x40]  }
0x29: {  	v21 =	vld [tilespmem:$0x50]  }
0x2a: {  	v9 =	vld [tilespmem:$0x60]  }
0x2b: {  	v10 =	vld [tilespmem:$0x80]  }
0x2c: {  	v11 =	vld [tilespmem:$0xA0]  }
0x2d: {  	v29 =	vld [tilespmem:$0xC0];
	v1 =	vadd.f32 $-1.000000000e+00, v1  }
0x2e: {  	v32 =	vld [tilespmem:$0xD0];
	v2 =	vpop (erf)  }
0x2f: {  	v33 =	vld [tilespmem:$0xE0];
	v1 =	vmul.f32 v2, v1  }
0x30: {  	v44 =	vld [tilespmem:$0x100]  }
0x31: {  	v48 =	vld [tilespmem:$0x120];
	v2 =	vmul.f32 v1, v1  }
0x32: {  	v52 =	vld [tilespmem:$0x140];
	v0 =	vshra.s32 v0, $0x17;
	v5 =	vand.u32 $0x7FFFFFFF, v5  }
0x33: {  	v12 =	vld [tilespmem:$0x180];
	v23 =	vadd.s32 $0x8000, v4;
	v26 =	vadd.s32 $0x8000, v6;
	v3 =	vmul.f32 $2.857142980e-01, v2  }
0x34: {  	v25 =	vld [tilespmem:$0x90];
	v28 =	vand.u32 $0x7FFFFFFF, v21;
	v30 =	vadd.s32 $0x8000, v8;
	v34 =	vadd.s32 $0x8000, v9  }
0x35: {  	v56 =	vld [tilespmem:$0x150];
	v45 =	vadd.s32 $0x8000, v10;
	v49 =	vadd.s32 $0x8000, v11;
	v3 =	vadd.f32 $4.000000060e-01, v3  }
0x36: {  	v57 =	vld [tilespmem:$0x160];
	v6 =	vand.u32 $0x7FFFFFFF, v32;
	v53 =	vadd.s32 $0x8000, v29;
	v59 =	vadd.s32 $0x8000, v33  }
0x37: {  	v20 =	vld [tilespmem:$0x30];
	v13 =	vadd.s32 $0x8000, v44;
	v17 =	vadd.s32 $0x8000, v48;
	v3 =	vmul.f32 v3, v2  }
0x38: {  	v47 =	vld [tilespmem:$0x110];
	v21 =	vadd.s32 $0x8000, v52;
	v29 =	vadd.s32 $0x8000, v12;
	v0 =	vadd.s32 $0xFFFFFF81, v0  }
0x39: {  	v15 =	vld [tilespmem:$0x190];
	v24 =	vadd.s32 $0x8000, v5;
	v31 =	vadd.s32 $0x8000, v28;
	v3 =	vadd.f32 $6.666666860e-01, v3  }
0x3a: {  	v5 =	vand.u32 $0x7FFFFFFF, v25;
	v54 =	vadd.s32 $0x8000, v6;
	v6 =	vand.u32 $0x7FFFFFFF, v56  }
0x3b: {  	v22 =	vld [tilespmem:$0x70];
	v25 =	vadd.s32 $0x8000, v57;
	v0 =	vcvt.s32.f32 v0;
	v2 =	vmul.f32 v3, v2  }
0x3c: {  	v4 =	vshrl.u32 v24, $0x10;
	v46 =	vadd.s32 $0x8000, v5;
	v7 =	vsel vm0, $0x3F800000, v58  }
0x3d: {  	v27 =	vld [tilespmem:$0xB0];
	v5 =	vand.u32 $0x7FFFFFFF, v47;
	v0 =	vadd.f32 v0, v7;
	v2 =	vadd.f32 $2.000000000e+00, v2  }
0x3e: {  	v35 =	vld [tilespmem:$0xF0];
	v14 =	vadd.s32 $0x8000, v5;
	v5 =	vand.u32 $0x7FFFFFFF, v15;
	v3 =	vand.u32 $0x7FFFFFFF, v20  }
0x3f: {  	v51 =	vld [tilespmem:$0x130];
	v0 =	vmul.f32 $6.931471820e-01, v0;
	v3 =	vadd.s32 $0x8000, v3;
	v1 =	vmul.f32 v2, v1  }
0x40: {  	v63 =	vld [tilespmem:$0x170];
	v3 =	vshrl.u32 v3, $0x10;
	v2 =	vand.u32 $0x7FFFFFFF, v22;
	v22 =	vadd.s32 $0x8000, v6  }
0x41: {  	v19 =	vld [tilespmem:$0x1B0];
	v2 =	vadd.s32 $0x8000, v2;
	v0 =	vadd.f32 v1, v0;
	v1 =	vand.u32 $0xFFFF0000, v23  }
0x42: {  	v16 =	vld [tilespmem:$0x1A0];
	v2 =	vshrl.u32 v2, $0x10;
	v60 =	vor.u32 v1, v4;
	v1 =	vand.u32 $0xFFFF0000, v26  }
0x43: {  	v32 =	vld [tilespmem:$0x220];
	v4 =	vand.u32 $0x7FFFFFFF, v27;
	v55 =	vor.u32 v1, v3;
	v1 =	vand.u32 $0xFFFF0000, v30  }
0x44: {  	v48 =	vld [tilespmem:$0x230];
	v3 =	vshrl.u32 v31, $0x10;
	v50 =	vadd.s32 $0x8000, v4;
	v4 =	vand.u32 $0x7FFFFFFF, v51  }
0x45: {  	v20 =	vld [tilespmem:$0x1C0];
	v30 =	vadd.s32 $0x8000, v5;
	v61 =	vor.u32 v1, v3;
	v1 =	vand.u32 $0xFFFF0000, v34  }
0x46: {  	v23 =	vld [tilespmem:$0x1D0];
	v3 =	vand.u32 $0x7FFFFFFF, v35;
	v18 =	vadd.s32 $0x8000, v4;
	v4 =	vand.u32 $0x7FFFFFFF, v19  }
0x47: {  	v28 =	vld [tilespmem:$0x200];
	v41 =	vor.u32 v1, v2;
	v1 =	vand.u32 $0xFFFF0000, v45;
	v2 =	vshrl.u32 v46, $0x10  }
0x48: {  	v24 =	vld [tilespmem:$0x1E0];
	[tilespmem:$0x280] =	vst v0;
	v62 =	vadd.s32 $0x8000, v3;
	v3 =	vand.u32 $0x7FFFFFFF, v63;
	v46 =	vadd.s32 $0x8000, v16  }
0x49: {  	v27 =	vld [tilespmem:$0x1F0];
	[tilespmem:$0x1FED0] =	vst v60;
	v47 =	vadd.s32 $0x8000, v4;
	v4 =	vand.u32 $0x7FFFFFFF, v48;
	v39 =	vor.u32 v1, v2  }
0x4a: {  	v31 =	vld [tilespmem:$0x210];
	[tilespmem:$0x1FEE0] =	vst v55;
	v1 =	vand.u32 $0xFFFF0000, v49;
	v2 =	vshrl.u32 v50, $0x10;
	v26 =	vadd.s32 $0x8000, v3  }
0x4b: {  	s21 =	simm.s32 $0x300;
	s19 =	rddreg [dreg:$0xa];
	[tilespmem:$0x1FEF0] =	vst v61;
	v49 =	vadd.s32 $0x8000, v20;
	v50 =	vld [tilespmem:$0x240];
	v52 =	vand.u32 $0x7FFFFFFF, v23;
	v4 =	vadd.s32 $0x8000, v4  }
0x4c: {  	[tilespmem:$0x1FF00] =	vst v41;
	v36 =	vor.u32 v1, v2;
	v1 =	vand.u32 $0xFFFF0000, v53;
	v53 =	vld [tilespmem:$0x250];
	[tilespmem:s21], [sflag:$0x1] =	stream.linear.gather [hbm4b:s19+s0], $0x700, $0x38  }
0x4d: {  	s23 =	simm.s32 $0x80;
	v2 =	vshrl.u32 v54, $0x10;
	v51 =	vand.u32 $0xFFFF0000, v49;
	v54 =	vadd.s32 $0x8000, v24;
	[tilespmem:$0x1FF10] =	vst v39  }
0x4e: {  	s3 =	simm.s32 $0x100;
	s4 =	simm.s32 $0xA00;
	s22 =	rddreg [dreg:$0xc];
	v3 =	vand.u32 $0x7FFFFFFF, v27;
	v4 =	vshrl.u32 v4, $0x10;
	v38 =	vor.u32 v1, v2;
	[tilespmem:$0x1FF20] =	vst v36  }
0x4f: {  	v1 =	vand.u32 $0xFFFF0000, v59;
	v2 =	vshrl.u32 v62, $0x10;
	v6 =	vand.u32 $0xFFFF0000, v54;
	[tilespmem:s4], [sflag:$0x1] =	stream.strided.gather [hbm4b:s22+s23], $0x700, s3, s23, $0x38;
	[tilespmem:$0x18B00] =	vst v63  }
0x50: {  	v3 =	vadd.s32 $0x8000, v3;
	v57 =	vand.u32 $0x7FFFFFFF, v31;
	v34 =	vor.u32 v1, v2;
	[tilespmem:$0x1FF30] =	vst v38  }
0x51: {  	s26 =	simm.s32 $0x1100;
	s24 =	rddreg [dreg:$0xd];
	v59 =	vadd.s32 $0x8000, v28;
	v1 =	vand.u32 $0xFFFF0000, v13;
	v2 =	vshrl.u32 v14, $0x10;
	[tilespmem:$0x1FF40] =	vst v34  }
0x52: {  	v62 =	vadd.s32 $0x8000, v32;
	v56 =	vshrl.u32 v3, $0x10;
	v35 =	vor.u32 v1, v2;
	[tilespmem:s26], [sflag:$0x1] =	stream.strided.gather [hbm4b:s24+s23], $0x700, s3, s23, $0x38;
	[tilespmem:$0x18B00] =	vst v63  }
0x53: {  	v1 =	vand.u32 $0xFFFF0000, v17;
	v2 =	vshrl.u32 v18, $0x10;
	v45 =	vor.u32 v6, v56;
	[tilespmem:$0x1FF50] =	vst v35  }
0x54: {  	v33 =	vor.u32 v1, v2;
	v1 =	vand.u32 $0xFFFF0000, v21;
	v2 =	vshrl.u32 v22, $0x10;
	[tilespmem:$0x1FFC0] =	vst v45  }
0x55: {  	s30 =	simm.s32 $0x1800;
	s29 =	rddreg [dreg:$0xe];
	v37 =	vor.u32 v1, v2;
	v1 =	vand.u32 $0xFFFF0000, v25;
	v2 =	vshrl.u32 v26, $0x10;
	[tilespmem:$0x1FF60] =	vst v33  }
0x56: {  	v40 =	vor.u32 v1, v2;
	v1 =	vand.u32 $0xFFFF0000, v29;
	v2 =	vshrl.u32 v30, $0x10;
	[tilespmem:s30], [sflag:$0x1] =	stream.linear.gather [hbm4b:s29+s0], $0x700, $0x38;
	[tilespmem:$0x18B00] =	vst v63  }
0x57: {  	v3 =	vand.u32 $0xFFFF0000, v62;
	v63 =	vadd.s32 $0x8000, v50;
	[tilespmem:$0x1FF70] =	vst v37;
	v42 =	vor.u32 v1, v2  }
0x58: {  	v1 =	vand.u32 $0xFFFF0000, v46;
	v2 =	vshrl.u32 v47, $0x10;
	v47 =	vor.u32 v3, v4;
	[tilespmem:$0x1FF80] =	vst v40  }
0x59: {  	v43 =	vor.u32 v1, v2;
	v1 =	vadd.s32 $0x8000, v52;
	v2 =	vand.u32 $0x7FFFFFFF, v53;
	[tilespmem:$0x1FF90] =	vst v42  }
0x5a: {  	v5 =	vand.u32 $0xFFFF0000, v63;
	[tilespmem:$0x1FFE0] =	vst v47;
	v1 =	vshrl.u32 v1, $0x10;
	v2 =	vadd.s32 $0x8000, v2  }
0x5b: {  	[tilespmem:$0x1FFA0] =	vst v43;
	v44 =	vor.u32 v51, v1;
	v1 =	vadd.s32 $0x8000, v57;
	v2 =	vshrl.u32 v2, $0x10  }
0x5c: {  	v0 =	vand.u32 $0xFFFF0000, v59;
	v1 =	vshrl.u32 v1, $0x10;
	v48 =	vor.u32 v5, v2;
	[tilespmem:$0x1FFB0] =	vst v44  }
0x5d: {  	v46 =	vor.u32 v0, v1;
	[tilespmem:$0x1FFF0] =	vst v48  }
0x5e: {  	s13 =	simm.s32 $0x0;
	[tilespmem:$0x1FFD0] =	vst v46  }
.LBB2_2:
0x5f: {  	_ =	swait.ge [sflag:s28], $0x700  }
0x60: {  	[sflag:s28] =	ssyncset.done $0x0  }
0x61: {  	[sflag:s28] =	ssyncadd.s32 $0xFFFFF900  }
0x62: {  	_ =	swait.ge [sflag:s28], $0x700  }
0x63: {  	[sflag:s28] =	ssyncset.done $0x0  }
0x64: {  	[sflag:s28] =	ssyncadd.s32 $0xFFFFF900  }
0x65: {  	s15 =	smul.u32 $0x1C, s13;
	_ =	swait.ge [sflag:s28], $0x700  }
0x66: {  	s0 =	rddreg [dreg:$0xf]  }
0x67: {  	s8 =	rddreg [dreg:$0x7];
	s0 =	sadd.s32 s15, s0  }
0x68: {  	[sflag:s28] =	ssyncset.done $0x0;
	p0 =	slt.s32 s0, s8  }
0x69: {  	s3 =	simm.s32 $0x0;
	[sflag:s28] =	ssyncadd.s32 $0xFFFFF900;
	s8 =	smov.u32 @p0 s0  }
0x6a: {  	s2 =	simm.s32 $0xC700;
	_ =	swait.ge [sflag:s28], $0x700;
	s0 =	sshll.u32 s8, $0x4  }
0x6b: {  	s4 =	simm.s32 $0x80;
	[sflag:s28] =	ssyncset.done $0x0;
	s0 =	sand.u32 $0x1FFFFFF0, s0  }
0x6c: {  	[sflag:s28] =	ssyncadd.s32 $0xFFFFF900;
	s19 =	sshll.u32 s8, $0x5;
	s1 =	sadd.s32 s31, s0  }
0x6d: {  	[tilespmem:s2], [sflag:$0x2] =	stream.linear.gather [hbm4b:s1+s3], $0x700, $0x38;
	[tilespmem:$0x18B00] =	vst v63  }
0x6e: {  	s5 =	simm.s32 $0x100;
	s21 =	rddreg [dreg:$0x1];
	s1 =	sand.u32 $0x1FFFFFE0, s19  }
0x6f: {  	s6 =	simm.s32 $0xCE00;
	s22 =	rddreg [dreg:$0xb];
	s2 =	sadd.s32 s21, s1  }
0x70: {  	[tilespmem:s6], [sflag:$0x2] =	stream.strided.gather [hbm4b:s2+s4], $0x700, s5, s4, $0x38;
	[tilespmem:$0x18B00] =	vst v63  }
0x71: {  	s23 =	simm.s32 $0xD500;
	s24 =	rddreg [dreg:$0x2];
	s1 =	sadd.s32 s1, s22  }
0x72: {  	[tilespmem:s23], [sflag:$0x2] =	stream.strided.gather [hbm4b:s1+s4], $0x700, s5, s4, $0x38;
	[tilespmem:$0x18B00] =	vst v63  }
0x73: {  	s26 =	simm.s32 $0xDC00;
	p0 =	seq.s32 s13, $0x0;
	s0 =	sadd.s32 s24, s0  }
0x74: {  	[tilespmem:s26], [sflag:$0x2] =	stream.linear.gather [hbm4b:s0+s3], $0x700, $0x38;
	[tilespmem:$0x18B00] =	vst v63  }
0x75: {  	s18 =	simm.s32 $0xFFFFFFFC;
	s9 =	simm.s32 $0x0;
	s0 =	simm.s32 @!p0 $0x3  }
0x76: {  	s11 =	simm.s32 $0xA00;
	s29 =	simm.s32 $0x1100;
	_ =	swait.ge @!p0 [sflag:s0], $0xA800  }
0x77: {  	s30 =	simm.s32 $0x1800;
	s31 =	simm.s32 $0x0;
	[sflag:s0] =	ssyncset.done @!p0 $0x0  }
0x78: {  	s19 =	simm.s32 $0x300;
	[sflag:s0] =	ssyncadd.s32 @!p0 $0xFFFF5800;
	p0 =	por $0x0, $0x0  }
.LBB2_3:
0x79: {  	v0 =	vld [tilespmem:s30+$0x0];
	_ =	sdelay $0x4  }
0x7a: {  	v1 =	vand.u32 $0x7FFFFF, v0  }
0x7b: {  	v1 =	vor.u32 $0x3F800000, v1  }
0x7c: {  	v2 =	vmul.f32 $5.000000000e-01, v1  }
0x7d: {  	vm0 =	vgt.f32 v1, $1.414213540e+00  }
0x7e: {  	v1 =	vsel vm0, v2, v1  }
0x7f: {  	v2 =	vadd.f32 $1.000000000e+00, v1;
	_ =	sdelay $0x1  }
0x80: {  	(erf) = vrcp.f32 v2;
	_ =	sdelay $0x7  }
0x81: {  	v1 =	vadd.f32 $-1.000000000e+00, v1  }
0x82: {  	v2 =	vpop (erf)  }
0x83: {  	v1 =	vmul.f32 v2, v1;
	_ =	sdelay $0x1  }
0x84: {  	v2 =	vmul.f32 v1, v1;
	_ =	sdelay $0x1  }
0x85: {  	v4 =	vmul.f32 $2.857142980e-01, v2;
	_ =	sdelay $0x1  }
0x86: {  	v3 =	vld [tilespmem:s11+$0x0];
	v4 =	vadd.f32 $4.000000060e-01, v4  }
0x87: {  	v5 =	vld [tilespmem:s29+$0x0]  }
0x88: {  	v4 =	vmul.f32 v4, v2;
	_ =	sdelay $0x1  }
0x89: {  	v6 =	vadd.f32 $-6.000000000e+00, v0;
	v0 =	vshra.s32 v0, $0x17;
	v4 =	vadd.f32 $6.666666860e-01, v4  }
0x8a: {  	v26 =	vld [tilespmem:s19+$0x0];
	v3 =	vshll.u32 v3, $0x2;
	v0 =	vadd.s32 $0xFFFFFF81, v0  }
0x8b: {  	v3 =	vadd.s32 v5, v3;
	v0 =	vcvt.s32.f32 v0;
	v2 =	vmul.f32 v4, v2  }
0x8c: {  	v6 =	vmul.f32 $5.000000000e+00, v6;
	v27 =	vsel vm0, $0x3F800000, v58  }
0x8d: {  	v0 =	vadd.f32 v0, v27;
	v2 =	vadd.f32 $2.000000000e+00, v2  }
0x8e: {  	v6 =	vmul.f32 $1.442695020e+00, v6  }
0x8f: {  	v28 =	vshrl.u32 v26, $0x1B;
	v0 =	vmul.f32 $6.931471820e-01, v0;
	v1 =	vmul.f32 v2, v1  }
0x90: {  	v3 =	vld.idx.msk [tilespmem:v3+s20+$0x0], $0xffff;
	(erf) = vpow2.f32 v6;
	v2 =	vand.u32 $0x10, v28  }
0x91: {  	v0 =	vadd.f32 v1, v0;
	v1 =	vadd.s32 v26, v2  }
0x92: {  	v9 =	vperm.xlane v60, v1  }
0x93: {  	v8 =	vperm.xlane v55, v1;
	v24 =	vperm.xlane v61, v1  }
0x94: {  	v22 =	vperm.xlane v41, v1;
	v26 =	vperm.xlane v39, v1  }
0x95: {  	v23 =	vperm.xlane v36, v1;
	v25 =	vperm.xlane v38, v1;
	v2 =	vsub.f32 v3, v0  }
0x96: {  	v7 =	vperm.xlane v34, v1;
	v28 =	vperm.xlane v35, v1;
	v29 =	vshll.u32 v9, $0x10  }
0x97: {  	v6 =	vperm.xlane v33, v1;
	v0 =	vmul.f32 v29, v2  }
0x98: {  	v34 =	vperm.xlane v40, v1;
	v33 =	vperm.xlane v42, v1  }
0x99: {  	v30 =	vpop (erf);
	v35 =	vperm.xlane v44, v1;
	v31 =	vshll.u32 v8, $0x10;
	v0 =	vadd.f32 v0, v2  }
0x9a: {  	v39 =	vperm.xlane v45, v1;
	v3 =	vadd.f32 $1.000000000e+00, v30;
	v4 =	vmul.f32 v31, v2  }
0x9b: {  	v49 =	vshll.u32 v24, $0x10;
	v50 =	vshll.u32 v22, $0x10;
	v0 =	vmul.f32 $1.442695020e+00, v0  }
0x9c: {  	(erf) = vrcp.f32 v3;
	v32 =	vadd.f32 v4, v2;
	v4 =	vmul.f32 v50, v2  }
0x9d: {  	v53 =	vshll.u32 v23, $0x10;
	(erf) = vpow2.f32 v0;
	v0 =	vmul.f32 v49, v2  }
0x9e: {  	v36 =	vperm.xlane v46, v1;
	v52 =	vshll.u32 v26, $0x10;
	v56 =	vmul.f32 v53, v2  }
0x9f: {  	v51 =	vadd.f32 v4, v2;
	v4 =	vmul.f32 v52, v2;
	v0 =	vadd.f32 v0, v2  }
0xa0: {  	v38 =	vperm.xlane v48, v1;
	v57 =	vshll.u32 v25, $0x10;
	v3 =	vmul.f32 $1.442695020e+00, v32  }
0xa1: {  	v54 =	vadd.f32 v4, v2;
	v4 =	vadd.f32 v56, v2;
	v0 =	vmul.f32 $1.442695020e+00, v0  }
0xa2: {  	v62 =	vshll.u32 v7, $0x10;
	(erf) = vpow2.f32 v3;
	v3 =	vmul.f32 $1.442695020e+00, v51  }
0xa3: {  	v63 =	vshll.u32 v28, $0x10;
	v59 =	vmul.f32 $1.442695020e+00, v4;
	(erf) = vpow2.f32 v0  }
0xa4: {  	v13 =	vshll.u32 v6, $0x10;
	(erf) = vpow2.f32 v3;
	v3 =	vmul.f32 v57, v2  }
0xa5: {  	v17 =	vshll.u32 v34, $0x10;
	v4 =	vmul.f32 v62, v2;
	v0 =	vmul.f32 $1.442695020e+00, v54  }
0xa6: {  	v5 =	vmul.f32 v63, v2;
	v14 =	vmul.f32 v13, v2;
	v3 =	vadd.f32 v3, v2  }
0xa7: {  	v18 =	vmul.f32 v17, v2;
	v11 =	vadd.f32 v4, v2;
	(erf) = vpow2.f32 v0  }
0xa8: {  	v12 =	vadd.f32 v5, v2;
	v0 =	vperm.xlane v37, v1;
	v10 =	vmul.f32 $1.442695020e+00, v3  }
0xa9: {  	s24 =	sand.u32 $0x40, s9;
	v19 =	vshll.u32 v33, $0x10;
	(erf) = vpow2.f32 v59;
	v3 =	vmul.f32 $1.442695020e+00, v11  }
0xaa: {  	s2 =	sand.u32 $0x780, s9;
	s3 =	sor.u32 $0x10, s24;
	v15 =	vadd.f32 v14, v2;
	v4 =	vmul.f32 $1.442695020e+00, v12;
	(erf) = vpow2.f32 v10  }
0xab: {  	s0 =	sor.u32 s2, s3;
	v5 =	vmul.f32 v19, v2;
	v16 =	vshll.u32 v0, $0x10;
	(erf) = vpow2.f32 v3  }
0xac: {  	v44 =	vshll.u32 v36, $0x10;
	v13 =	vld [tilespmem:s0+$0x1800];
	(erf) = vpow2.f32 v4;
	v4 =	vmul.f32 v16, v2  }
0xad: {  	v27 =	vshll.u32 v35, $0x10;
	v45 =	vmul.f32 v44, v2;
	v3 =	vmul.f32 $1.442695020e+00, v15  }
0xae: {  	v32 =	vperm.xlane v43, v1;
	v20 =	vadd.f32 v5, v2;
	v4 =	vadd.f32 v4, v2  }
0xaf: {  	v43 =	vshll.u32 v39, $0x10;
	(erf) = vpow2.f32 v3;
	v3 =	vadd.f32 v18, v2  }
0xb0: {  	v37 =	vperm.xlane v47, v1;
	v10 =	vshll.u32 v32, $0x10;
	v4 =	vmul.f32 $1.442695020e+00, v4  }
0xb1: {  	v48 =	vand.u32 $0x7FFFFF, v13;
	v10 =	vmul.f32 v10, v2;
	v3 =	vmul.f32 $1.442695020e+00, v3  }
0xb2: {  	v47 =	vshll.u32 v38, $0x10;
	(erf) = vpow2.f32 v4;
	v4 =	vmul.f32 $1.442695020e+00, v20  }
0xb3: {  	v31 =	vpop (erf);
	v21 =	vadd.f32 v10, v2;
	v10 =	vmul.f32 v27, v2;
	(erf) = vpow2.f32 v3  }
0xb4: {  	v1 =	vadd.f32 v45, v2;
	v11 =	vpop (erf);
	(erf) = vpow2.f32 v4;
	v4 =	vmul.f32 v43, v2  }
0xb5: {  	v5 =	vmul.f32 v47, v2;
	v46 =	vshll.u32 v37, $0x10;
	v12 =	vpop (erf);
	v30 =	vadd.f32 v10, v2  }
0xb6: {  	v14 =	vpop (erf);
	v29 =	vmul.f32 $1.442695020e+00, v21;
	v3 =	vmul.f32 v46, v2;
	v4 =	vadd.f32 v4, v2  }
0xb7: {  	v1 =	vmul.f32 $1.442695020e+00, v1;
	v15 =	vpop (erf);
	v10 =	vor.u32 $0x3F800000, v48;
	v42 =	vmul.f32 $1.442695020e+00, v30  }
0xb8: {  	v16 =	vpop (erf);
	(erf) = vpow2.f32 v29;
	v3 =	vadd.f32 v3, v2;
	v4 =	vmul.f32 $1.442695020e+00, v4  }
0xb9: {  	v17 =	vpop (erf);
	v49 =	vmul.f32 $5.000000000e-01, v10;
	(erf) = vpow2.f32 v42;
	v2 =	vadd.f32 v5, v2  }
0xba: {  	vm13 =	vgt.f32 v10, $1.414213540e+00;
	v18 =	vpop (erf);
	v3 =	vmul.f32 $1.442695020e+00, v3;
	(erf) = vpow2.f32 v4  }
0xbb: {  	v20 =	vsel vm13, v49, v10;
	v19 =	vpop (erf);
	v50 =	vmul.f32 $1.442695020e+00, v2;
	(erf) = vpow2.f32 v1  }
0xbc: {  	v51 =	vadd.f32 $1.000000000e+00, v20;
	v29 =	vpop (erf);
	(erf) = vpow2.f32 v3  }
0xbd: {  	v30 =	vpop (erf);
	(erf) = vpow2.f32 v50  }
0xbe: {  	v10 =	vpop (erf);
	(erf) = vrcp.f32 v51  }
0xbf: {  	v42 =	vpop (erf)  }
0xc0: {  	v41 =	vpop (erf)  }
0xc1: {  	v40 =	vpop (erf)  }
0xc2: {  	v47 =	vpop (erf)  }
0xc3: {  	v49 =	vpop (erf)  }
0xc4: {  	v52 =	vpop (erf)  }
0xc5: {  	v53 =	vpop (erf)  }
0xc6: {  	v20 =	vadd.f32 $-1.000000000e+00, v20;
	v54 =	vpop (erf)  }
0xc7: {  	v21 =	vpop (erf)  }
0xc8: {  	v9 =	vand.u32 $0xFFFF0000, v9;
	v27 =	vmul.f32 v21, v20  }
0xc9: {  	v8 =	vand.u32 $0xFFFF0000, v8;
	v24 =	vand.u32 $0xFFFF0000, v24;
	v21 =	vadd.f32 $-6.000000000e+00, v13  }
0xca: {  	v22 =	vand.u32 $0xFFFF0000, v22;
	v7 =	vand.u32 $0xFFFF0000, v7;
	v56 =	vmul.f32 v27, v27  }
0xcb: {  	v6 =	vand.u32 $0xFFFF0000, v6;
	v9 =	vmul.f32 v9, v31;
	v50 =	vmul.f32 $5.000000000e+00, v21  }
0xcc: {  	v8 =	vmul.f32 v8, v31;
	v13 =	vshra.s32 v13, $0x17;
	v59 =	vmul.f32 $2.857142980e-01, v56  }
0xcd: {  	v24 =	vmul.f32 v24, v31;
	v57 =	vld [tilespmem:s0+$0xA00];
	v48 =	vadd.s32 $0xFFFFFF81, v13;
	v13 =	vmul.f32 $1.442695020e+00, v50  }
0xce: {  	v62 =	vld [tilespmem:s0+$0x1100];
	v22 =	vmul.f32 v22, v31;
	v7 =	vmul.f32 v7, v31;
	v63 =	vadd.f32 $4.000000060e-01, v59  }
0xcf: {  	v6 =	vmul.f32 v6, v31;
	v0 =	vand.u32 $0xFFFF0000, v0;
	(erf) = vpow2.f32 v13  }
0xd0: {  	v0 =	vmul.f32 v0, v31;
	v5 =	vmul.f32 v63, v56  }
0xd1: {  	v44 =	vmul.f32 v12, v8;
	v19 =	vmul.f32 v19, v7  }
0xd2: {  	v4 =	vmul.f32 v11, v9;
	v20 =	vshll.u32 v57, $0x2;
	v9 =	vadd.f32 $6.666666860e-01, v5  }
0xd3: {  	v46 =	vld [tilespmem:s0+$0x300];
	v0 =	vmul.f32 v10, v0;
	v11 =	vadd.s32 v62, v20;
	v12 =	vcvt.s32.f32 v48  }
0xd4: {  	v51 =	vsel vm13, $0x3F800000, v58;
	[tilespmem:$0x1FDF0] =	vst v52;
	v52 =	vand.u32 $0xFFFF0000, v26;
	v9 =	vmul.f32 v9, v56  }
0xd5: {  	[tilespmem:$0x1FE10] =	vst v54;
	v54 =	vmul.f32 v14, v24;
	v57 =	vmul.f32 v15, v22;
	v12 =	vadd.f32 v12, v51  }
0xd6: {  	v59 =	vand.u32 $0xFFFF0000, v23;
	v56 =	vmul.f32 v52, v31;
	v9 =	vadd.f32 $2.000000000e+00, v9  }
0xd7: {  	v24 =	vld [tilespmem:$0x1FF00];
	v12 =	vmul.f32 $6.931471820e-01, v12;
	v62 =	vmul.f32 v59, v31  }
0xd8: {  	[tilespmem:$0x1FE00] =	vst v53;
	v53 =	vshrl.u32 v46, $0x1B;
	v11 =	vld.idx.msk [tilespmem:v11+s20+$0x0], $0xffff;
	v58 =	vmul.f32 v16, v56;
	v16 =	vpop (erf);
	v9 =	vmul.f32 v9, v27  }
0xd9: {  	[tilespmem:$0x1FE30] =	vst v44;
	v22 =	vand.u32 $0xFFFF0000, v28;
	v28 =	vld [tilespmem:$0x1FF10];
	v13 =	vand.u32 $0x10, v53;
	v20 =	vadd.f32 $1.000000000e+00, v16  }
0xda: {  	[tilespmem:$0x1FE40] =	vst v54;
	v54 =	vld [tilespmem:$0x1FF80];
	v14 =	vmul.f32 v17, v62;
	v9 =	vadd.f32 v9, v12;
	v12 =	vadd.s32 v46, v13  }
0xdb: {  	[tilespmem:$0x1FE60] =	vst v58;
	v58 =	vld [tilespmem:$0x1FF20];
	(erf) = vrcp.f32 v20;
	v44 =	vperm.xlane v60, v12  }
0xdc: {  	v60 =	vand.u32 $0xFFFF0000, v25;
	v46 =	vperm.xlane v55, v12;
	v48 =	vperm.xlane v61, v12  }
0xdd: {  	v50 =	vperm.xlane v24, v12;
	v25 =	vmul.f32 v22, v31;
	v8 =	vsub.f32 v11, v9  }
0xde: {  	v51 =	vperm.xlane v28, v12;
	v28 =	vmul.f32 v30, v6;
	v3 =	vshll.u32 v44, $0x10  }
0xdf: {  	v22 =	vld [tilespmem:$0x1FF50];
	v63 =	vmul.f32 v60, v31;
	v13 =	vmul.f32 v3, v8  }
0xe0: {  	v61 =	vperm.xlane v54, v12;
	v26 =	vshll.u32 v48, $0x10;
	v56 =	vperm.xlane v58, v12  }
0xe1: {  	v16 =	vld [tilespmem:$0x1FF30];
	v15 =	vmul.f32 v18, v63;
	v18 =	vshll.u32 v46, $0x10;
	v17 =	vadd.f32 v13, v8  }
0xe2: {  	v27 =	vshll.u32 v50, $0x10;
	v43 =	vmul.f32 v29, v25;
	v21 =	vmul.f32 v18, v8  }
0xe3: {  	v59 =	vshll.u32 v56, $0x10;
	v13 =	vmul.f32 v27, v8;
	v11 =	vmul.f32 $1.442695020e+00, v17  }
0xe4: {  	v53 =	vshll.u32 v51, $0x10;
	v18 =	vmul.f32 v59, v8;
	v59 =	vperm.xlane v22, v12  }
0xe5: {  	v27 =	vld [tilespmem:$0x1FF60];
	v23 =	vadd.f32 v21, v8;
	(erf) = vpow2.f32 v11;
	v11 =	vmul.f32 v26, v8  }
0xe6: {  	[tilespmem:$0x1FE50] =	vst v57;
	v57 =	vshll.u32 v61, $0x10;
	v63 =	vperm.xlane v16, v12;
	v24 =	vshll.u32 v59, $0x10  }
0xe7: {  	[tilespmem:$0x1FE70] =	vst v14;
	v21 =	vld [tilespmem:$0x1FF40];
	v7 =	vmul.f32 $1.442695020e+00, v23;
	v14 =	vmul.f32 v24, v8;
	v45 =	vadd.f32 v11, v8  }
0xe8: {  	v3 =	vmul.f32 v57, v8;
	v52 =	vadd.f32 v13, v8;
	v11 =	vmul.f32 v53, v8  }
0xe9: {  	(erf) = vpow2.f32 v7;
	v26 =	vadd.f32 v14, v8;
	v7 =	vmul.f32 $1.442695020e+00, v45  }
0xea: {  	v9 =	vmul.f32 $1.442695020e+00, v52;
	v62 =	vperm.xlane v27, v12;
	v17 =	vadd.f32 v11, v8  }
0xeb: {  	[tilespmem:$0x1FE90] =	vst v19;
	v19 =	vshll.u32 v63, $0x10;
	v30 =	vmul.f32 $1.442695020e+00, v26;
	(erf) = vpow2.f32 v7  }
0xec: {  	v11 =	vadd.f32 v18, v8;
	v45 =	vld [tilespmem:$0x1FF70];
	v20 =	vmul.f32 $1.442695020e+00, v17;
	v7 =	vperm.xlane v21, v12  }
0xed: {  	(erf) = vpow2.f32 v9;
	v9 =	vmul.f32 v19, v8;
	v19 =	vld [tilespmem:$0x1FFB0]  }
0xee: {  	[tilespmem:$0x1FEA0] =	vst v43;
	v43 =	vshll.u32 v62, $0x10;
	v11 =	vmul.f32 $1.442695020e+00, v11;
	v23 =	vshll.u32 v7, $0x10  }
0xef: {  	v55 =	vld [tilespmem:$0x1FF90];
	(erf) = vpow2.f32 v20;
	v9 =	vadd.f32 v9, v8;
	v13 =	vmul.f32 v23, v8  }
0xf0: {  	v58 =	vld [tilespmem:$0x1FFA0];
	v18 =	vadd.f32 v3, v8;
	(erf) = vpow2.f32 v11;
	v11 =	vmul.f32 v43, v8  }
0xf1: {  	v60 =	vperm.xlane v45, v12;
	v43 =	vld [tilespmem:$0x1FFD0];
	v9 =	vmul.f32 $1.442695020e+00, v9;
	v25 =	vadd.f32 v13, v8  }
0xf2: {  	v22 =	vmul.f32 $1.442695020e+00, v18;
	v52 =	vadd.f32 v11, v8;
	v21 =	vperm.xlane v19, v12  }
0xf3: {  	v53 =	vshll.u32 v60, $0x10;
	(erf) = vpow2.f32 v9;
	v29 =	vmul.f32 $1.442695020e+00, v25  }
0xf4: {  	v9 =	vmul.f32 v53, v8;
	v6 =	vmul.f32 $1.442695020e+00, v52  }
0xf5: {  	v5 =	vld [tilespmem:$0x1FFF0];
	v53 =	vperm.xlane v55, v12;
	v52 =	vperm.xlane v58, v12  }
0xf6: {  	v58 =	vld [tilespmem:$0x1FFE0];
	v55 =	vperm.xlane v43, v12;
	(erf) = vpow2.f32 v29;
	v9 =	vadd.f32 v9, v8  }
0xf7: {  	v16 =	vshll.u32 v53, $0x10;
	v17 =	vshll.u32 v52, $0x10;
	(erf) = vpow2.f32 v30  }
0xf8: {  	v24 =	vshll.u32 v21, $0x10;
	v11 =	vmul.f32 v16, v8;
	v13 =	vmul.f32 v17, v8  }
0xf9: {  	[tilespmem:$0x1FE20] =	vst v4;
	v30 =	vld [tilespmem:$0x1FFC0];
	v4 =	vshll.u32 v55, $0x10;
	(erf) = vpow2.f32 v6;
	v9 =	vmul.f32 $1.442695020e+00, v9  }
0xfa: {  	v6 =	vmul.f32 v4, v8;
	v20 =	vadd.f32 v11, v8;
	v11 =	vmul.f32 v24, v8  }
0xfb: {  	s26 =	sor.u32 $0x20, s24;
	[tilespmem:$0x1FEC0] =	vst v0;
	v23 =	vadd.f32 v13, v8;
	v57 =	vperm.xlane v58, v12;
	v58 =	vperm.xlane v5, v12  }
0xfc: {  	s5 =	sor.u32 s2, s26;
	[tilespmem:$0x1FEB0] =	vst v28;
	v28 =	vand.u32 $0xFFFF0000, v34;
	(erf) = vpow2.f32 v9;
	v0 =	vmul.f32 $1.442695020e+00, v20  }
0xfd: {  	v54 =	vpop (erf);
	v9 =	vld [tilespmem:s5+$0x1800];
	(erf) = vpow2.f32 v22;
	v25 =	vmul.f32 $1.442695020e+00, v23;
	v26 =	vadd.f32 v11, v8  }
0xfe: {  	v20 =	vshll.u32 v57, $0x10;
	v22 =	vshll.u32 v58, $0x10;
	v29 =	vperm.xlane v30, v12  }
0xff: {  	v34 =	vand.u32 $0xFFFF0000, v33;
	[tilespmem:$0x1FE80] =	vst v15;
	v12 =	vmul.f32 v20, v8;
	v15 =	vmul.f32 v22, v8  }
0x100: {  	v13 =	vpop (erf);
	(erf) = vpow2.f32 v0;
	v0 =	vmul.f32 $1.442695020e+00, v26;
	v45 =	vshll.u32 v29, $0x10  }
0x101: {  	v10 =	vpop (erf);
	(erf) = vpow2.f32 v25;
	v12 =	vadd.f32 v12, v8;
	v11 =	vmul.f32 v45, v8  }
0x102: {  	v14 =	vpop (erf);
	(erf) = vpow2.f32 v0;
	v0 =	vadd.f32 v6, v8;
	v23 =	vand.u32 $0x7FFFFF, v9  }
0x103: {  	v43 =	vmul.f32 v34, v31;
	v17 =	vor.u32 $0x3F800000, v23;
	v11 =	vadd.f32 v11, v8  }
0x104: {  	v16 =	vpop (erf);
	v26 =	vmul.f32 $1.442695020e+00, v12;
	v0 =	vmul.f32 $1.442695020e+00, v0;
	v8 =	vadd.f32 v15, v8  }
0x105: {  	v18 =	vpop (erf);
	v45 =	vand.u32 $0xFFFF0000, v32;
	v24 =	vmul.f32 $5.000000000e-01, v17;
	v11 =	vmul.f32 $1.442695020e+00, v11  }
0x106: {  	v19 =	vpop (erf);
	vm14 =	vgt.f32 v17, $1.414213540e+00;
	v27 =	vmul.f32 $1.442695020e+00, v8;
	v8 =	vmul.f32 v28, v31  }
0x107: {  	v1 =	vpop (erf);
	v15 =	vsel vm14, v24, v17;
	v24 =	vmul.f32 v45, v31;
	(erf) = vpow2.f32 v11  }
0x108: {  	v12 =	vpop (erf);
	v28 =	vmul.f32 v41, v43;
	v30 =	vadd.f32 $1.000000000e+00, v15;
	(erf) = vpow2.f32 v0  }
0x109: {  	v17 =	vpop (erf);
	v32 =	vmul.f32 v42, v8;
	(erf) = vpow2.f32 v26;
	v26 =	vand.u32 $0xFFFF0000, v35  }
0x10a: {  	v48 =	vand.u32 $0xFFFF0000, v48;
	v2 =	vpop (erf);
	(erf) = vpow2.f32 v27;
	v33 =	vmul.f32 v26, v31  }
0x10b: {  	v34 =	vand.u32 $0xFFFF0000, v39;
	v4 =	vpop (erf);
	v45 =	vmul.f32 v40, v24;
	v40 =	vld [tilespmem:$0x1FE10];
	(erf) = vrcp.f32 v30  }
0x10c: {  	v11 =	vmul.f32 v34, v31;
	v42 =	vand.u32 $0xFFFF0000, v46;
	v3 =	vpop (erf);
	v43 =	vmul.f32 v47, v33;
	v33 =	vld [tilespmem:$0x1FDF0]  }
0x10d: {  	v0 =	vmul.f32 v42, v54;
	v5 =	vpop (erf);
	v35 =	vand.u32 $0xFFFF0000, v36;
	v47 =	vand.u32 $0xFFFF0000, v37;
	v37 =	vld [tilespmem:$0x1FE00]  }
0x10e: {  	v41 =	vmul.f32 v49, v11;
	v6 =	vpop (erf);
	v36 =	vmul.f32 v35, v31;
	v35 =	vand.u32 $0xFFFF0000, v44  }
0x10f: {  	v11 =	vmul.f32 v48, v54;
	v23 =	vpop (erf);
	v30 =	vand.u32 $0xFFFF0000, v38;
	v38 =	vmul.f32 v35, v54  }
0x110: {  	v22 =	vand.u32 $0xFFFF0000, v50;
	v34 =	vmul.f32 v30, v31;
	v49 =	vmul.f32 v47, v31;
	v24 =	vpop (erf)  }
0x111: {  	v30 =	vmul.f32 v22, v54;
	v31 =	vand.u32 $0xFFFF0000, v51;
	v51 =	vld [tilespmem:s5+$0xA00];
	v39 =	vmul.f32 v33, v36;
	v27 =	vpop (erf)  }
0x112: {  	v36 =	vmul.f32 v37, v49;
	v33 =	vmul.f32 v40, v34;
	v26 =	vpop (erf)  }
0x113: {  	v15 =	vadd.f32 $-1.000000000e+00, v15;
	v49 =	vmul.f32 v13, v38;
	v38 =	vmul.f32 v10, v0;
	v47 =	vpop (erf)  }
0x114: {  	v48 =	vand.u32 $0xFFFF0000, v56;
	v37 =	vmul.f32 v14, v11;
	v40 =	vmul.f32 v31, v54;
	v20 =	vpop (erf)  }
0x115: {  	v50 =	vand.u32 $0xFFFF0000, v63;
	v10 =	vmul.f32 v48, v54;
	v13 =	vmul.f32 v20, v15  }
0x116: {  	v14 =	vmul.f32 v50, v54;
	v50 =	vshll.u32 v51, $0x2;
	v51 =	vadd.f32 $-6.000000000e+00, v9  }
0x117: {  	v42 =	vmul.f32 v18, v40;
	v11 =	vmul.f32 v13, v13  }
0x118: {  	v40 =	vmul.f32 v19, v10;
	v10 =	vmul.f32 $5.000000000e+00, v51  }
0x119: {  	v56 =	vmul.f32 $2.857142980e-01, v11  }
0x11a: {  	v7 =	vand.u32 $0xFFFF0000, v7;
	v63 =	vld [tilespmem:s5+$0x1100];
	v34 =	vmul.f32 v16, v30;
	v10 =	vmul.f32 $1.442695020e+00, v10  }
0x11b: {  	v48 =	vand.u32 $0xFFFF0000, v59;
	v59 =	vand.u32 $0xFFFF0000, v62;
	v22 =	vadd.f32 $4.000000060e-01, v56  }
0x11c: {  	v25 =	vimm.f32 $0.0e+00;
	v62 =	vmul.f32 v59, v54;
	(erf) = vpow2.f32 v10  }
0x11d: {  	v9 =	vshra.s32 v9, $0x17;
	v35 =	vmul.f32 v1, v14;
	v46 =	vmul.f32 v22, v11  }
0x11e: {  	v1 =	vmul.f32 v48, v54;
	v9 =	vadd.s32 $0xFFFFFF81, v9;
	v19 =	vand.u32 $0xFFFF0000, v53;
	v56 =	vld [tilespmem:s5+$0x300]  }
0x11f: {  	v20 =	vmul.f32 v7, v54;
	v7 =	vadd.s32 v63, v50;
	v0 =	vadd.f32 $6.666666860e-01, v46  }
0x120: {  	v9 =	vcvt.s32.f32 v9;
	v44 =	vmul.f32 v2, v62;
	v15 =	vand.u32 $0xFFFF0000, v60  }
0x121: {  	v18 =	vld [tilespmem:$0x1FED0];
	v63 =	vsel vm14, $0x3F800000, v25;
	v2 =	vmul.f32 v15, v54;
	v0 =	vmul.f32 v0, v11  }
0x122: {  	v25 =	vld [tilespmem:$0x1FEE0];
	v14 =	vadd.f32 v9, v63;
	v31 =	vmul.f32 v12, v20;
	v46 =	vmul.f32 v17, v1  }
0x123: {  	v50 =	vld [tilespmem:$0x1FEF0];
	v17 =	vand.u32 $0xFFFF0000, v61;
	v16 =	vshrl.u32 v56, $0x1B;
	v0 =	vadd.f32 $2.000000000e+00, v0  }
0x124: {  	v20 =	vmul.f32 v19, v54;
	v7 =	vld.idx.msk [tilespmem:v7+s20+$0x0], $0xffff;
	v10 =	vmul.f32 v17, v54;
	v9 =	vand.u32 $0x10, v16  }
0x125: {  	v1 =	vmul.f32 $6.931471820e-01, v14;
	v63 =	vpop (erf);
	v56 =	vadd.s32 v56, v9;
	v9 =	vld [tilespmem:$0x1FF00];
	v0 =	vmul.f32 v0, v13  }
0x126: {  	v51 =	vmul.f32 v4, v2;
	v48 =	vmul.f32 v3, v10;
	v4 =	vadd.f32 $1.000000000e+00, v63  }
0x127: {  	v11 =	vld [tilespmem:$0x1FF10];
	v30 =	vperm.xlane v18, v56;
	v61 =	vperm.xlane v25, v56;
	v0 =	vadd.f32 v0, v1  }
0x128: {  	v53 =	vand.u32 $0xFFFF0000, v52;
	v15 =	vld [tilespmem:$0x1FF20];
	v60 =	vperm.xlane v50, v56;
	v50 =	vmul.f32 v5, v20  }
0x129: {  	(erf) = vrcp.f32 v4;
	v22 =	vshll.u32 v30, $0x10;
	v59 =	vsub.f32 v7, v0  }
0x12a: {  	v62 =	vshll.u32 v61, $0x10;
	v63 =	vperm.xlane v9, v56;
	v0 =	vmul.f32 v53, v54  }
0x12b: {  	v20 =	vld [tilespmem:$0x1FF30];
	v8 =	vshll.u32 v60, $0x10;
	v2 =	vmul.f32 v22, v59;
	v3 =	vmul.f32 v62, v59  }
0x12c: {  	v5 =	vmul.f32 v8, v59;
	v62 =	vperm.xlane v11, v56;
	v22 =	vld [tilespmem:$0x1FF40]  }
0x12d: {  	v11 =	vperm.xlane v15, v56;
	v52 =	vmul.f32 v6, v0;
	v6 =	vld [tilespmem:$0x1FF50];
	v2 =	vadd.f32 v2, v59  }
0x12e: {  	v3 =	vadd.f32 v3, v59;
	v10 =	vadd.f32 v5, v59;
	v14 =	vshll.u32 v62, $0x10  }
0x12f: {  	v19 =	vand.u32 $0xFFFF0000, v21;
	v5 =	vmul.f32 v14, v59;
	v2 =	vmul.f32 $1.442695020e+00, v2  }
0x130: {  	v13 =	vshll.u32 v63, $0x10;
	v12 =	vmul.f32 $1.442695020e+00, v3;
	v4 =	vmul.f32 $1.442695020e+00, v10  }
0x131: {  	v18 =	vshll.u32 v11, $0x10;
	v3 =	vmul.f32 v13, v59;
	v13 =	vperm.xlane v20, v56  }
0x132: {  	v10 =	vld [tilespmem:$0x1FF60];
	v17 =	vadd.f32 v5, v59;
	v14 =	vperm.xlane v22, v56;
	v15 =	vperm.xlane v6, v56  }
0x133: {  	(erf) = vpow2.f32 v2;
	v16 =	vadd.f32 v3, v59;
	v3 =	vmul.f32 v18, v59  }
0x134: {  	(erf) = vpow2.f32 v12;
	v2 =	vmul.f32 $1.442695020e+00, v17;
	v1 =	vshll.u32 v14, $0x10  }
0x135: {  	v9 =	vshll.u32 v15, $0x10;
	(erf) = vpow2.f32 v4;
	v0 =	vmul.f32 $1.442695020e+00, v16  }
0x136: {  	v21 =	vadd.f32 v3, v59;
	v4 =	vmul.f32 v1, v59;
	v3 =	vmul.f32 v9, v59  }
0x137: {  	v53 =	vshll.u32 v13, $0x10;
	v17 =	vperm.xlane v10, v56;
	(erf) = vpow2.f32 v0  }
0x138: {  	v9 =	vld [tilespmem:$0x1FF90];
	(erf) = vpow2.f32 v2;
	v2 =	vmul.f32 v53, v59  }
0x139: {  	v25 =	vmul.f32 v19, v54;
	v0 =	vmul.f32 $1.442695020e+00, v21  }
0x13a: {  	v8 =	vadd.f32 v4, v59;
	v21 =	vld [tilespmem:$0x1FF70];
	v12 =	vshll.u32 v17, $0x10;
	v7 =	vadd.f32 v2, v59  }
0x13b: {  	(erf) = vpow2.f32 v0;
	v22 =	vmul.f32 v12, v59  }
0x13c: {  	v3 =	vadd.f32 v3, v59;
	v2 =	vmul.f32 $1.442695020e+00, v8;
	v8 =	vld [tilespmem:$0x1FF80];
	v0 =	vmul.f32 $1.442695020e+00, v7  }
0x13d: {  	v53 =	vmul.f32 v23, v25;
	v18 =	vperm.xlane v9, v56;
	v4 =	vadd.f32 v22, v59;
	v22 =	vld [tilespmem:$0x1FFA0]  }
0x13e: {  	v23 =	vmul.f32 $1.442695020e+00, v3;
	(erf) = vpow2.f32 v0  }
0x13f: {  	v19 =	vperm.xlane v21, v56;
	v21 =	vshll.u32 v18, $0x10;
	(erf) = vpow2.f32 v2  }
0x140: {  	(erf) = vpow2.f32 v23;
	v23 =	vmul.f32 v21, v59  }
0x141: {  	v10 =	vperm.xlane v8, v56;
	v8 =	vld [tilespmem:$0x1FFB0]  }
0x142: {  	v25 =	vshll.u32 v19, $0x10;
	v16 =	vperm.xlane v22, v56;
	v2 =	vadd.f32 v23, v59;
	v23 =	vld [tilespmem:$0x1FFC0]  }
0x143: {  	v3 =	vmul.f32 v25, v59;
	v20 =	vshll.u32 v10, $0x10  }
0x144: {  	v12 =	vmul.f32 $1.442695020e+00, v4;
	v4 =	vmul.f32 v20, v59;
	v25 =	vshll.u32 v16, $0x10  }
0x145: {  	v3 =	vadd.f32 v3, v59;
	v5 =	vmul.f32 v25, v59  }
0x146: {  	(erf) = vpow2.f32 v12;
	v4 =	vadd.f32 v4, v59;
	v20 =	vperm.xlane v8, v56  }
0x147: {  	v3 =	vmul.f32 $1.442695020e+00, v3;
	v21 =	vadd.f32 v5, v59;
	v12 =	vperm.xlane v23, v56;
	v23 =	vld [tilespmem:$0x1FFD0]  }
0x148: {  	v2 =	vmul.f32 $1.442695020e+00, v2;
	v9 =	vmul.f32 $1.442695020e+00, v4;
	v22 =	vshll.u32 v20, $0x10  }
0x149: {  	v7 =	vld [tilespmem:$0x1FFE0];
	(erf) = vpow2.f32 v3;
	v5 =	vmul.f32 v22, v59  }
0x14a: {  	v6 =	vpop (erf);
	v3 =	vmul.f32 $1.442695020e+00, v21;
	(erf) = vpow2.f32 v9  }
0x14b: {  	v21 =	vpop (erf);
	(erf) = vpow2.f32 v2;
	v25 =	vadd.f32 v5, v59;
	v1 =	vshll.u32 v12, $0x10  }
0x14c: {  	v8 =	vmul.f32 v1, v59;
	v22 =	vperm.xlane v23, v56  }
0x14d: {  	v9 =	vpop (erf);
	(erf) = vpow2.f32 v3;
	v2 =	vmul.f32 $1.442695020e+00, v25;
	v25 =	vand.u32 $0xFFFF0000, v29  }
0x14e: {  	s1 =	sor.u32 $0x30, s24;
	v29 =	vperm.xlane v7, v56;
	v3 =	vadd.f32 v8, v59;
	v8 =	vshll.u32 v22, $0x10  }
0x14f: {  	s6 =	sor.u32 s2, s1;
	v5 =	vmul.f32 v8, v59;
	v8 =	vld [tilespmem:$0x1FFF0]  }
0x150: {  	v7 =	vld [tilespmem:s6+$0x1800];
	v4 =	vmul.f32 v25, v54;
	v25 =	vshll.u32 v29, $0x10  }
0x151: {  	v0 =	vmul.f32 v25, v59  }
0x152: {  	v3 =	vmul.f32 $1.442695020e+00, v3  }
0x153: {  	v23 =	vpop (erf);
	(erf) = vpow2.f32 v2;
	v0 =	vadd.f32 v0, v59  }
0x154: {  	v25 =	vperm.xlane v8, v56;
	v8 =	vpop (erf);
	(erf) = vpow2.f32 v3;
	v3 =	vadd.f32 v5, v59  }
0x155: {  	v1 =	vmul.f32 $1.442695020e+00, v0;
	v56 =	vmul.f32 v24, v4;
	v24 =	vand.u32 $0x7FFFFF, v7  }
0x156: {  	v5 =	vor.u32 $0x3F800000, v24;
	v4 =	vshll.u32 v25, $0x10;
	v3 =	vmul.f32 $1.442695020e+00, v3  }
0x157: {  	v0 =	vmul.f32 $5.000000000e-01, v5;
	v4 =	vmul.f32 v4, v59  }
0x158: {  	vm15 =	vgt.f32 v5, $1.414213540e+00;
	v24 =	vpop (erf);
	(erf) = vpow2.f32 v3  }
0x159: {  	v0 =	vsel vm15, v0, v5;
	v5 =	vand.u32 $0xFFFF0000, v55;
	v59 =	vadd.f32 v4, v59  }
0x15a: {  	v2 =	vpop (erf);
	(erf) = vpow2.f32 v1;
	v1 =	vmul.f32 v5, v54  }
0x15b: {  	v55 =	vpop (erf);
	v4 =	vand.u32 $0xFFFF0000, v57;
	v5 =	vand.u32 $0xFFFF0000, v58;
	v3 =	vmul.f32 $1.442695020e+00, v59  }
0x15c: {  	v57 =	vpop (erf);
	v4 =	vmul.f32 v4, v54  }
0x15d: {  	v54 =	vmul.f32 v5, v54;
	v58 =	vpop (erf);
	v59 =	vadd.f32 $1.000000000e+00, v0;
	v1 =	vmul.f32 v27, v1  }
0x15e: {  	v30 =	vand.u32 $0xFFFF0000, v30;
	v5 =	vpop (erf);
	v4 =	vmul.f32 v26, v4;
	(erf) = vpow2.f32 v3  }
0x15f: {  	v61 =	vand.u32 $0xFFFF0000, v61;
	(erf) = vrcp.f32 v59;
	v59 =	vmul.f32 v30, v6;
	v3 =	vpop (erf)  }
0x160: {  	v30 =	vmul.f32 v47, v54;
	v47 =	vand.u32 $0xFFFF0000, v60;
	v54 =	vand.u32 $0xFFFF0000, v63;
	v26 =	vpop (erf)  }
0x161: {  	v59 =	vmul.f32 v21, v59;
	v21 =	vmul.f32 v61, v6;
	v61 =	vand.u32 $0xFFFF0000, v62;
	v27 =	vpop (erf)  }
0x162: {  	v47 =	vmul.f32 v47, v6;
	v54 =	vmul.f32 v54, v6;
	v60 =	vpop (erf)  }
0x163: {  	v9 =	vmul.f32 v9, v21;
	v21 =	vmul.f32 v61, v6;
	v63 =	vpop (erf)  }
0x164: {  	v11 =	vand.u32 $0xFFFF0000, v11;
	v47 =	vmul.f32 v23, v47;
	v61 =	vpop (erf)  }
0x165: {  	v62 =	vmul.f32 v8, v54;
	v8 =	vmul.f32 v24, v21;
	v24 =	vand.u32 $0xFFFF0000, v14;
	v23 =	vpop (erf)  }
0x166: {  	v13 =	vand.u32 $0xFFFF0000, v13;
	v21 =	vmul.f32 v11, v6;
	v54 =	vpop (erf)  }
0x167: {  	v13 =	vmul.f32 v13, v6;
	v0 =	vadd.f32 $-1.000000000e+00, v0;
	v11 =	vpop (erf)  }
0x168: {  	v10 =	vand.u32 $0xFFFF0000, v10;
	v14 =	vmul.f32 v2, v21;
	v2 =	vmul.f32 v24, v6;
	v24 =	vpop (erf)  }
0x169: {  	v10 =	vmul.f32 v10, v6;
	v24 =	vmul.f32 v24, v0  }
0x16a: {  	v13 =	vmul.f32 v55, v13;
	v55 =	vand.u32 $0xFFFF0000, v17;
	v21 =	vand.u32 $0xFFFF0000, v15  }
0x16b: {  	v0 =	vmul.f32 v21, v6;
	v21 =	vand.u32 $0xFFFF0000, v19;
	v19 =	vmul.f32 v24, v24  }
0x16c: {  	v57 =	vmul.f32 v57, v2;
	v2 =	vmul.f32 v55, v6  }
0x16d: {  	v10 =	vmul.f32 v26, v10;
	v55 =	vmul.f32 $2.857142980e-01, v19  }
0x16e: {  	v26 =	vand.u32 $0xFFFF0000, v18;
	v15 =	vmul.f32 v21, v6;
	v5 =	vmul.f32 v5, v2  }
0x16f: {  	v2 =	vadd.f32 $4.000000060e-01, v55;
	v55 =	vadd.f32 $-6.000000000e+00, v7;
	v7 =	vshra.s32 v7, $0x17  }
0x170: {  	v15 =	vmul.f32 v3, v15;
	v3 =	vmul.f32 v26, v6;
	v7 =	vadd.s32 $0xFFFFFF81, v7  }
0x171: {  	v0 =	vmul.f32 v58, v0;
	v58 =	vimm.f32 $0.0e+00;
	v26 =	vld [tilespmem:$0x1FE20];
	v7 =	vcvt.s32.f32 v7  }
0x172: {  	v3 =	vmul.f32 v27, v3;
	v27 =	vsel vm15, $0x3F800000, v58  }
0x173: {  	s12 =	sand.u32 $0x3C00, s31;
	v7 =	vadd.f32 v7, v27;
	v27 =	vld [tilespmem:$0x1FE40]  }
0x174: {  	s2 =	sadd.s32 $0x1F00, s12  }
0x175: {  	s5 =	sor.u32 s24, s2;
	v17 =	vld [tilespmem:s6+$0xA00]  }
0x176: {  	[tilespmem:s5+$0x0] =	vst v26;
	v26 =	vld [tilespmem:$0x1FE30]  }
0x177: {  	v21 =	vld [tilespmem:s6+$0x1100]  }
0x178: {  	[tilespmem:s5+$0x100] =	vst v27;
	v27 =	vld [tilespmem:$0x1FE50]  }
0x179: {  	v16 =	vand.u32 $0xFFFF0000, v16  }
0x17a: {  	v16 =	vmul.f32 v16, v6  }
0x17b: {  	v17 =	vshll.u32 v17, $0x2;
	[tilespmem:s5+$0x80] =	vst v26;
	v26 =	vand.u32 $0xFFFF0000, v20  }
0x17c: {  	s4 =	simm.s32 $0x1;
	v17 =	vadd.s32 v21, v17;
	v21 =	vmul.f32 v60, v16;
	v16 =	vmul.f32 v26, v6;
	v26 =	vld [tilespmem:$0x1FE60]  }
0x17d: {  	s4 =	simm.s32 @!p0 $0x0;
	[tilespmem:s5+$0x180] =	vst v27;
	v27 =	vld [tilespmem:$0x1FE70]  }
0x17e: {  	s7 =	sshll.u32 s4, $0x6  }
0x17f: {  	s23 =	sadd.s32 s7, s31  }
0x180: {  	s0 =	sor.u32 $0x200, s23  }
0x181: {  	s10 =	sor.u32 $0x280, s23;
	[tilespmem:s0+$0x1F00] =	vst v26  }
0x182: {  	v2 =	vmul.f32 v2, v19;
	[tilespmem:s10+$0x1F00] =	vst v27;
	v27 =	vmul.f32 v63, v16;
	v63 =	vld [tilespmem:$0x1FE80]  }
0x183: {  	v20 =	vld [tilespmem:$0x1FE90]  }
0x184: {  	v18 =	vmul.f32 $5.000000000e+00, v55;
	v55 =	vld [tilespmem:s6+$0x300];
	v2 =	vadd.f32 $6.666666860e-01, v2;
	_ =	sdelay $0x1  }
0x185: {  	s14 =	sor.u32 $0x300, s23;
	v60 =	vld [tilespmem:$0x1FED0];
	v18 =	vmul.f32 $1.442695020e+00, v18;
	v2 =	vmul.f32 v2, v19  }
0x186: {  	s16 =	sor.u32 $0x380, s23;
	v19 =	vand.u32 $0xFFFF0000, v22;
	v22 =	vld [tilespmem:$0x1FEA0];
	[tilespmem:s14+$0x1F00] =	vst v63  }
0x187: {  	(erf) = vpow2.f32 v18;
	v2 =	vadd.f32 $2.000000000e+00, v2;
	[tilespmem:s16+$0x1F00] =	vst v20;
	v20 =	vld [tilespmem:$0x1FEB0]  }
0x188: {  	v18 =	vshrl.u32 v55, $0x1B;
	v63 =	vand.u32 $0xFFFF0000, v29;
	v29 =	vld [tilespmem:$0x1FEC0]  }
0x189: {  	v12 =	vand.u32 $0xFFFF0000, v12;
	v17 =	vld.idx.msk [tilespmem:v17+s20+$0x0], $0xffff;
	v2 =	vmul.f32 v2, v24;
	v24 =	vand.u32 $0x10, v18;
	s0 =	sadd.s32 $0x5700, s12  }
0x18a: {  	s7 =	sadd.s32 $0x5780, s12;
	v12 =	vmul.f32 v12, v6;
	v24 =	vadd.s32 v55, v24;
	v55 =	vld [tilespmem:$0x1FEE0];
	s17 =	sor.u32 s24, s0  }
0x18b: {  	s4 =	sadd.s32 $0x5800, s12;
	s21 =	sor.u32 s24, s7;
	v7 =	vmul.f32 $6.931471820e-01, v7;
	[tilespmem:s17+$0x0] =	vst v22  }
0x18c: {  	s6 =	sor.u32 s24, s4;
	s5 =	sadd.s32 $0x5880, s12;
	v26 =	vmul.f32 v61, v12;
	v61 =	vld [tilespmem:$0x1FEF0];
	[tilespmem:s21+$0x0] =	vst v20  }
0x18d: {  	v2 =	vadd.f32 v2, v7;
	s22 =	sor.u32 s24, s5;
	s10 =	sadd.s32 $0x5900, s12;
	[tilespmem:s6+$0x0] =	vst v29  }
0x18e: {  	v7 =	vmul.f32 v19, v6;
	s14 =	sor.u32 s24, s10;
	s16 =	sadd.s32 $0x5980, s12;
	[tilespmem:s22+$0x0] =	vst v32  }
0x18f: {  	v12 =	vperm.xlane v60, v24;
	v22 =	vsub.f32 v17, v2;
	v17 =	vperm.xlane v55, v24;
	s17 =	sor.u32 s24, s16;
	s21 =	sadd.s32 $0x5A00, s12;
	[tilespmem:s14+$0x0] =	vst v28  }
0x190: {  	v2 =	vmul.f32 v23, v7;
	v7 =	vmul.f32 v63, v6;
	v63 =	vand.u32 $0xFFFF0000, v25;
	v25 =	vpop (erf);
	s22 =	sor.u32 s24, s21;
	[tilespmem:s17+$0x0] =	vst v45;
	s17 =	sadd.s32 $0x5A80, s12  }
0x191: {  	v23 =	vshll.u32 v12, $0x10;
	v19 =	vadd.f32 $1.000000000e+00, v25;
	v25 =	vperm.xlane v61, v24;
	[tilespmem:s22+$0x0] =	vst v43;
	s14 =	sor.u32 s24, s17;
	s22 =	sadd.s32 $0x8F00, s12  }
0x192: {  	v16 =	vmul.f32 v23, v22;
	s6 =	sadd.s32 $0x8F80, s12;
	[tilespmem:s14+$0x0] =	vst v41;
	s14 =	sor.u32 s24, s22  }
0x193: {  	v23 =	vshll.u32 v25, $0x10;
	v29 =	vshll.u32 v17, $0x10;
	s12 =	sadd.s32 $0x9000, s12;
	[tilespmem:s14+$0x0] =	vst v39;
	s14 =	sor.u32 s24, s6  }
0x194: {  	v20 =	vmul.f32 v29, v22;
	v28 =	vmul.f32 v54, v7;
	v54 =	vadd.f32 v16, v22;
	v41 =	vld [tilespmem:$0x1FF00];
	s24 =	sor.u32 s24, s12;
	[tilespmem:s14+$0x0] =	vst v36  }
0x195: {  	v18 =	vmul.f32 v23, v22;
	v39 =	vld [tilespmem:$0x1FF10];
	s14 =	sor.u32 s3, s2;
	[tilespmem:s24+$0x0] =	vst v33  }
0x196: {  	v6 =	vmul.f32 v63, v6;
	v63 =	vadd.f32 v20, v22;
	v7 =	vmul.f32 $1.442695020e+00, v54;
	[tilespmem:s14+$0x0] =	vst v49  }
0x197: {  	(erf) = vrcp.f32 v19;
	v29 =	vadd.f32 v18, v22;
	v36 =	vld [tilespmem:$0x1FF20];
	[tilespmem:s14+$0x80] =	vst v38  }
0x198: {  	v16 =	vmul.f32 $1.442695020e+00, v63;
	(erf) = vpow2.f32 v7;
	v38 =	vld [tilespmem:$0x1FF30];
	[tilespmem:s14+$0x100] =	vst v37;
	s24 =	sadd.s32 $0x10, s23  }
0x199: {  	v7 =	vmul.f32 $1.442695020e+00, v29;
	[tilespmem:s14+$0x180] =	vst v34;
	v34 =	vld [tilespmem:$0x1FF40];
	s14 =	sor.u32 $0x200, s24;
	v19 =	vperm.xlane v41, v24  }
0x19a: {  	(erf) = vpow2.f32 v16;
	[tilespmem:s14+$0x1F00] =	vst v42;
	s14 =	sor.u32 $0x280, s24;
	v18 =	vperm.xlane v39, v24  }
0x19b: {  	v6 =	vmul.f32 v11, v6;
	(erf) = vpow2.f32 v7;
	[tilespmem:s14+$0x1F00] =	vst v40;
	s14 =	sor.u32 $0x300, s24;
	v32 =	vshll.u32 v19, $0x10  }
0x19c: {  	s24 =	sor.u32 $0x380, s24;
	v20 =	vperm.xlane v36, v24;
	[tilespmem:s14+$0x1F00] =	vst v35;
	v35 =	vld [tilespmem:$0x1FF50];
	v11 =	vmul.f32 v32, v22;
	v33 =	vshll.u32 v18, $0x10  }
0x19d: {  	v29 =	vperm.xlane v38, v24;
	[tilespmem:s24+$0x1F00] =	vst v31;
	s24 =	sor.u32 s3, s0;
	v16 =	vmul.f32 v33, v22  }
0x19e: {  	v32 =	vperm.xlane v34, v24;
	v54 =	vshll.u32 v20, $0x10;
	[tilespmem:s24+$0x0] =	vst v46;
	s24 =	sor.u32 s3, s7;
	v7 =	vadd.f32 v11, v22  }
0x19f: {  	v63 =	vshll.u32 v29, $0x10;
	[tilespmem:s24+$0x0] =	vst v44;
	s24 =	sor.u32 s3, s4;
	v49 =	vadd.f32 v16, v22;
	v16 =	vmul.f32 v54, v22  }
0x1a0: {  	v12 =	vand.u32 $0xFFFF0000, v12;
	v23 =	vmul.f32 v63, v22;
	[tilespmem:s24+$0x0] =	vst v51;
	s24 =	sor.u32 s3, s5;
	v7 =	vmul.f32 $1.442695020e+00, v7  }
0x1a1: {  	v31 =	vperm.xlane v35, v24;
	[tilespmem:s24+$0x0] =	vst v48;
	s24 =	sor.u32 s3, s10;
	v11 =	vmul.f32 $1.442695020e+00, v49;
	v16 =	vadd.f32 v16, v22  }
0x1a2: {  	v49 =	vshll.u32 v32, $0x10;
	v54 =	vadd.f32 v23, v22;
	[tilespmem:s24+$0x0] =	vst v50;
	s24 =	sor.u32 s3, s16;
	(erf) = vpow2.f32 v7  }
0x1a3: {  	v17 =	vand.u32 $0xFFFF0000, v17;
	v33 =	vmul.f32 v49, v22;
	[tilespmem:s24+$0x0] =	vst v52;
	s24 =	sor.u32 s3, s21;
	v63 =	vmul.f32 $1.442695020e+00, v16  }
0x1a4: {  	v19 =	vand.u32 $0xFFFF0000, v19;
	(erf) = vpow2.f32 v11;
	v23 =	vpop (erf);
	v7 =	vmul.f32 $1.442695020e+00, v54;
	[tilespmem:s24+$0x0] =	vst v53;
	s24 =	sor.u32 s3, s17  }
0x1a5: {  	v49 =	vadd.f32 v33, v22;
	v11 =	vmul.f32 v12, v23;
	[tilespmem:s24+$0x0] =	vst v56;
	s24 =	sor.u32 s3, s22;
	(erf) = vpow2.f32 v63  }
0x1a6: {  	v43 =	vld [tilespmem:$0x1FFA0];
	v18 =	vand.u32 $0xFFFF0000, v18;
	v19 =	vmul.f32 v19, v23;
	v54 =	vpop (erf);
	[tilespmem:s24+$0x0] =	vst v1;
	s24 =	sor.u32 s3, s6;
	(erf) = vpow2.f32 v7  }
0x1a7: {  	v33 =	vld [tilespmem:$0x1FF60];
	v63 =	vshll.u32 v31, $0x10;
	v16 =	vmul.f32 $1.442695020e+00, v49;
	v7 =	vmul.f32 v54, v11;
	[tilespmem:s24+$0x0] =	vst v4;
	s24 =	sor.u32 s26, s2  }
0x1a8: {  	v56 =	vand.u32 $0xFFFF0000, v20;
	v49 =	vmul.f32 v63, v22;
	v11 =	vmul.f32 v17, v23;
	[tilespmem:s24+$0x0] =	vst v59  }
0x1a9: {  	v46 =	vld [tilespmem:$0x1FFD0];
	v50 =	vand.u32 $0xFFFF0000, v25;
	v54 =	vmul.f32 v18, v23;
	v18 =	vmul.f32 v56, v23;
	[tilespmem:s24+$0x80] =	vst v9  }
0x1aa: {  	s14 =	sadd.s32 $0x20, s23;
	v32 =	vand.u32 $0xFFFF0000, v32;
	v51 =	vpop (erf);
	[tilespmem:s24+$0x100] =	vst v47;
	(erf) = vpow2.f32 v16;
	v16 =	vmul.f32 v50, v23  }
0x1ab: {  	v37 =	vld [tilespmem:$0x1FF70];
	[tilespmem:s24+$0x180] =	vst v62;
	s24 =	sor.u32 $0x200, s14;
	v12 =	vadd.f32 v49, v22;
	v11 =	vmul.f32 v51, v11;
	v49 =	vmul.f32 v32, v23  }
0x1ac: {  	v40 =	vld [tilespmem:$0x1FF80];
	v52 =	vpop (erf);
	[tilespmem:s24+$0x1F00] =	vst v8;
	s24 =	sor.u32 $0x280, s14;
	v32 =	vperm.xlane v43, v24;
	v20 =	vperm.xlane v33, v24  }
0x1ad: {  	[tilespmem:s24+$0x1F00] =	vst v14;
	s24 =	sor.u32 $0x300, s14;
	v16 =	vmul.f32 v52, v16;
	v12 =	vmul.f32 $1.442695020e+00, v12;
	v53 =	vpop (erf)  }
0x1ae: {  	v25 =	vand.u32 $0xFFFF0000, v29;
	[tilespmem:s24+$0x1F00] =	vst v13;
	v13 =	vperm.xlane v46, v24;
	v1 =	vmul.f32 v53, v19;
	v63 =	vpop (erf)  }
0x1af: {  	v45 =	vld [tilespmem:$0x1FFC0];
	(erf) = vpow2.f32 v12;
	v19 =	vmul.f32 v25, v23;
	v29 =	vpop (erf)  }
0x1b0: {  	s3 =	sor.u32 s3, s12;
	v47 =	vld [tilespmem:$0x1FFE0];
	v50 =	vshll.u32 v20, $0x10;
	v25 =	vperm.xlane v37, v24;
	v12 =	vmul.f32 v29, v18  }
0x1b1: {  	v42 =	vld [tilespmem:$0x1FF90];
	[tilespmem:s3+$0x0] =	vst v30;
	s14 =	sor.u32 $0x380, s14;
	v52 =	vand.u32 $0xFFFF0000, v31;
	v18 =	vmul.f32 v50, v22;
	v29 =	vperm.xlane v40, v24  }
0x1b2: {  	s24 =	sor.u32 s26, s0;
	v56 =	vmul.f32 v52, v23;
	[tilespmem:s14+$0x1F00] =	vst v57;
	v4 =	vmul.f32 v63, v54;
	v54 =	vshll.u32 v25, $0x10  }
0x1b3: {  	s14 =	sor.u32 s26, s7;
	[tilespmem:s24+$0x0] =	vst v0;
	v53 =	vadd.f32 v18, v22;
	v18 =	vmul.f32 v54, v22;
	v59 =	vshll.u32 v29, $0x10  }
0x1b4: {  	s24 =	sor.u32 s26, s4;
	[tilespmem:s14+$0x0] =	vst v5;
	v5 =	vperm.xlane v45, v24;
	v30 =	vpop (erf);
	v62 =	vmul.f32 v59, v22  }
0x1b5: {  	v44 =	vld [tilespmem:$0x1FFB0];
	[tilespmem:s24+$0x0] =	vst v15;
	v15 =	vperm.xlane v47, v24;
	v9 =	vmul.f32 v30, v19;
	v18 =	vadd.f32 v18, v22  }
0x1b6: {  	v30 =	vperm.xlane v42, v24;
	v51 =	vpop (erf);
	v8 =	vmul.f32 $1.442695020e+00, v53;
	v50 =	vadd.f32 v62, v22  }
0x1b7: {  	v48 =	vld [tilespmem:$0x1FFF0];
	v17 =	vmul.f32 v51, v49;
	v51 =	vmul.f32 $1.442695020e+00, v18  }
0x1b8: {  	s2 =	sor.u32 s1, s2;
	v63 =	vshll.u32 v30, $0x10;
	(erf) = vpow2.f32 v8;
	v8 =	vmul.f32 $1.442695020e+00, v50  }
0x1b9: {  	[tilespmem:s2+$0x0] =	vst v7;
	v59 =	vshll.u32 v5, $0x10;
	v19 =	vmul.f32 v63, v22;
	(erf) = vpow2.f32 v51  }
0x1ba: {  	[tilespmem:s2+$0x80] =	vst v11;
	s14 =	sor.u32 s26, s5;
	v53 =	vshll.u32 v32, $0x10;
	(erf) = vpow2.f32 v8;
	v8 =	vperm.xlane v44, v24  }
0x1bb: {  	s24 =	sor.u32 s26, s10;
	[tilespmem:s14+$0x0] =	vst v10;
	v63 =	vshll.u32 v13, $0x10;
	v14 =	vmul.f32 v53, v22;
	v62 =	vmul.f32 v59, v22  }
0x1bc: {  	s14 =	sor.u32 s26, s16;
	[tilespmem:s24+$0x0] =	vst v3;
	v49 =	vpop (erf);
	v52 =	vadd.f32 v19, v22;
	v18 =	vperm.xlane v48, v24;
	v57 =	vshll.u32 v8, $0x10  }
0x1bd: {  	s24 =	sor.u32 s26, s21;
	[tilespmem:s14+$0x0] =	vst v21;
	v0 =	vmul.f32 v49, v56;
	v56 =	vadd.f32 v14, v22;
	v10 =	vmul.f32 v57, v22  }
0x1be: {  	s14 =	sor.u32 s26, s17;
	v21 =	vshll.u32 v15, $0x10;
	[tilespmem:s24+$0x0] =	vst v27;
	v14 =	vmul.f32 v63, v22;
	v54 =	vmul.f32 $1.442695020e+00, v52  }
0x1bf: {  	s24 =	sor.u32 s26, s22;
	[tilespmem:s14+$0x0] =	vst v26;
	v26 =	vshll.u32 v18, $0x10;
	v3 =	vmul.f32 $1.442695020e+00, v56;
	v10 =	vadd.f32 v10, v22  }
0x1c0: {  	s14 =	sor.u32 s26, s6;
	[tilespmem:s24+$0x0] =	vst v2;
	v2 =	vadd.f32 v62, v22;
	v24 =	vmul.f32 v21, v22;
	v31 =	vmul.f32 v26, v22  }
0x1c1: {  	[tilespmem:s14+$0x0] =	vst v28;
	v28 =	vadd.f32 v14, v22;
	(erf) = vpow2.f32 v54;
	v27 =	vmul.f32 $1.442695020e+00, v10  }
0x1c2: {  	[tilespmem:s2+$0x100] =	vst v16;
	v2 =	vmul.f32 $1.442695020e+00, v2;
	(erf) = vpow2.f32 v3;
	v49 =	vadd.f32 v24, v22  }
0x1c3: {  	[tilespmem:s2+$0x180] =	vst v1;
	s24 =	sor.u32 s26, s12;
	s26 =	sadd.s32 $0x30, s23;
	v50 =	vadd.f32 v31, v22;
	v51 =	vmul.f32 $1.442695020e+00, v28;
	(erf) = vpow2.f32 v27  }
0x1c4: {  	s14 =	sor.u32 $0x200, s26;
	[tilespmem:s24+$0x0] =	vst v6;
	v52 =	vmul.f32 $1.442695020e+00, v49;
	(erf) = vpow2.f32 v2  }
0x1c5: {  	v53 =	vand.u32 $0xFFFF0000, v20;
	s23 =	sor.u32 $0x280, s26;
	[tilespmem:s14+$0x1F00] =	vst v4;
	v54 =	vmul.f32 $1.442695020e+00, v50;
	(erf) = vpow2.f32 v51  }
0x1c6: {  	s24 =	sor.u32 $0x300, s26;
	[tilespmem:s23+$0x1F00] =	vst v12;
	v56 =	vmul.f32 v53, v23;
	v57 =	vand.u32 $0xFFFF0000, v25;
	(erf) = vpow2.f32 v52  }
0x1c7: {  	s26 =	sor.u32 $0x380, s26;
	v62 =	vand.u32 $0xFFFF0000, v29;
	[tilespmem:s24+$0x1F00] =	vst v9;
	v59 =	vpop (erf);
	v2 =	vmul.f32 v57, v23;
	(erf) = vpow2.f32 v54  }
0x1c8: {  	s0 =	sor.u32 s1, s0;
	v9 =	vmul.f32 v62, v23;
	[tilespmem:s26+$0x1F00] =	vst v17;
	v1 =	vmul.f32 v59, v56;
	v10 =	vand.u32 $0xFFFF0000, v30;
	v63 =	vpop (erf)  }
0x1c9: {  	s3 =	sor.u32 s1, s7;
	v16 =	vand.u32 $0xFFFF0000, v32;
	[tilespmem:s0+$0x0] =	vst v0;
	v14 =	vmul.f32 v10, v23;
	v11 =	vpop (erf);
	v12 =	vmul.f32 v63, v2  }
0x1ca: {  	s4 =	sor.u32 s1, s4;
	v3 =	vmul.f32 v16, v23;
	v20 =	vand.u32 $0xFFFF0000, v8;
	[tilespmem:s3+$0x0] =	vst v1;
	v17 =	vpop (erf);
	v19 =	vmul.f32 v11, v9  }
0x1cb: {  	s7 =	sor.u32 s1, s5;
	v24 =	vmul.f32 v20, v23;
	v25 =	vand.u32 $0xFFFF0000, v5;
	v21 =	vpop (erf);
	v22 =	vmul.f32 v17, v14;
	[tilespmem:s4+$0x0] =	vst v12  }
0x1cc: {  	s14 =	sor.u32 s1, s10;
	v29 =	vand.u32 $0xFFFF0000, v13;
	v28 =	vmul.f32 v25, v23;
	v27 =	vmul.f32 v21, v3;
	[tilespmem:s7+$0x0] =	vst v19;
	v26 =	vpop (erf)  }
0x1cd: {  	s18 =	sadd.s32 $0x4, s18;
	s16 =	sor.u32 s1, s16;
	v32 =	vmul.f32 v29, v23;
	v49 =	vand.u32 $0xFFFF0000, v15;
	[tilespmem:s14+$0x0] =	vst v22;
	v30 =	vpop (erf);
	v31 =	vmul.f32 v26, v24  }
0x1ce: {  	p1 =	slt.u32 s18, $0x6C;
	s21 =	sor.u32 s1, s21;
	v53 =	vand.u32 $0xFFFF0000, v18;
	v52 =	vmul.f32 v49, v23;
	[tilespmem:s16+$0x0] =	vst v27;
	v50 =	vpop (erf);
	v51 =	vmul.f32 v30, v28  }
.Ltmp0:
0x1cf: {  	s23 =	sor.u32 s1, s17;
	v57 =	vmul.f32 v53, v23;
	v54 =	vpop (erf);
	[tilespmem:s21+$0x0] =	vst v31;
	v56 =	vmul.f32 v50, v32;
	(pc) =	sbr.rel @p1 .LBB2_3-.Ltmp0, $4  }
0x1d0: {  	s24 =	sor.u32 s1, s22;
	[tilespmem:s23+$0x0] =	vst v51;
	v59 =	vmul.f32 v54, v52;
	v62 =	vpop (erf)  }
0x1d1: {  	s9 =	sadd.s32 $0x40, s9;
	s19 =	sadd.s32 $0x40, s19;
	s26 =	sor.u32 s1, s6;
	[tilespmem:s24+$0x0] =	vst v56;
	v63 =	vmul.f32 v62, v57  }
0x1d2: {  	s11 =	sadd.s32 $0x40, s11;
	s29 =	sadd.s32 $0x40, s29;
	s1 =	sor.u32 s1, s12;
	[tilespmem:s26+$0x0] =	vst v59  }
0x1d3: {  	s30 =	sadd.s32 $0x40, s30;
	p0 =	por !p0, !p0;
	s31 =	sadd.s32 $0x200, s31;
	[tilespmem:s1+$0x0] =	vst v63  }
0x1d4: {  	s0 =	rddreg [dreg:$0x6]  }
0x1d5: {  	s2 =	rddreg [dreg:$0x7];
	s0 =	sadd.s32 s0, s15  }
0x1d6: {  	s1 =	smov.u32 s2;
	p0 =	slt.s32 s0, s2  }
0x1d7: {  	s1 =	smov.u32 @p0 s0  }
0x1d8: {  	s0 =	sshll.u32 s1, $0x7  }
0x1d9: {  	s24 =	rddreg [dreg:$0x4];
	s26 =	simm.s32 $0x3800;
	s0 =	sand.u32 $0x1FFFFF80, s0  }
0x1da: {  	s3 =	simm.s32 $0xC35000;
	s4 =	simm.s32 $0x1F00;
	s0 =	sadd.s32 s24, s0  }
0x1db: {  	[hbm4b:s0+s26] =	stream.strided.scatter [tilespmem:s4], [sflag:$0x3], $0xA800, s3, s26, $0x38;
	[tilespmem:$0x18B00] =	vst v63  }
0x1dc: {  	_ =	swait.ge [sflag:s25], $0x700  }
0x1dd: {  	[sflag:s25] =	ssyncset.done $0x0  }
0x1de: {  	[sflag:s25] =	ssyncadd.s32 $0xFFFFF900  }
0x1df: {  	_ =	swait.ge [sflag:s25], $0x700  }
0x1e0: {  	[sflag:s25] =	ssyncset.done $0x0  }
0x1e1: {  	[sflag:s25] =	ssyncadd.s32 $0xFFFFF900  }
0x1e2: {  	_ =	swait.ge [sflag:s25], $0x700  }
0x1e3: {  	p0 =	seq.s32 s13, $0xD;
	s0 =	rddreg [dreg:$0x10]  }
0x1e4: {  	[sflag:s25] =	ssyncset.done $0x0;
	s0 =	sadd.s32 @!p0 s15, s0  }
0x1e5: {  	[sflag:s25] =	ssyncadd.s32 $0xFFFFF900;
	p1 =	slt.s32 @!p0 s0, s2  }
0x1e6: {  	_ =	swait.ge [sflag:s25], $0x700;
	p1 =	por !p1, p0  }
0x1e7: {  	[sflag:s25] =	ssyncset.done $0x0;
	s0 =	smov.u32 @p1 s2  }
0x1e8: {  	[sflag:s25] =	ssyncadd.s32 $0xFFFFF900;
	s1 =	sshll.u32 @!p0 s0, $0x4  }
0x1e9: {  	s3 =	simm.s32 @!p0 $0x0;
	s31 =	rddreg [dreg:$0x0];
	s1 =	sand.u32 @!p0 $0x1FFFFFF0, s1  }
0x1ea: {  	s4 =	simm.s32 @!p0 $0x300;
	s0 =	sshll.u32 @!p0 s0, $0x5;
	s2 =	sadd.s32 @!p0 s31, s1  }
0x1eb: {  	[tilespmem:s4], [sflag:$0x1] =	stream.linear.gather @!p0 [hbm4b:s2+s3], $0x700, $0x38;
	[tilespmem:$0x18B00] =	vst v63  }
0x1ec: {  	s5 =	simm.s32 @!p0 $0x100;
	s0 =	sand.u32 @!p0 $0x1FFFFFE0, s0;
	s2 =	rddreg [dreg:$0x1]  }
0x1ed: {  	s6 =	simm.s32 @!p0 $0xA00;
	s4 =	simm.s32 @!p0 $0x80;
	s2 =	sadd.s32 @!p0 s2, s0  }
0x1ee: {  	[tilespmem:s6], [sflag:$0x1] =	stream.strided.gather @!p0 [hbm4b:s2+s4], $0x700, s5, s4, $0x38;
	[tilespmem:$0x18B00] =	vst v63  }
0x1ef: {  	s2 =	rddreg [dreg:$0xb]  }
0x1f0: {  	s0 =	sadd.s32 @!p0 s0, s2;
	s2 =	simm.s32 @!p0 $0x1100  }
0x1f1: {  	[tilespmem:s2], [sflag:$0x1] =	stream.strided.gather @!p0 [hbm4b:s0+s4], $0x700, s5, s4, $0x38;
	[tilespmem:$0x18B00] =	vst v63  }
0x1f2: {  	s0 =	rddreg [dreg:$0x2]  }
0x1f3: {  	p1 =	seq.s32 @!p0 s13, $0x0;
	s0 =	sadd.s32 @!p0 s0, s1;
	s1 =	simm.s32 @!p0 $0x1800  }
0x1f4: {  	[tilespmem:s1], [sflag:$0x1] =	stream.linear.gather @!p0 [hbm4b:s0+s3], $0x700, $0x38;
	[tilespmem:$0x18B00] =	vst v63  }
0x1f5: {  	p0 =	por p0, !p1  }
0x1f6: {  	s9 =	simm.s32 $0x0;
	s18 =	simm.s32 $0xC700;
	s0 =	simm.s32 @p0 $0x4  }
0x1f7: {  	s11 =	simm.s32 $0xCE00;
	s19 =	simm.s32 $0xD500;
	_ =	swait.ge @p0 [sflag:s0], $0xA800  }
0x1f8: {  	s29 =	simm.s32 $0xDC00;
	s30 =	simm.s32 $0x0;
	[sflag:s0] =	ssyncset.done @p0 $0x0  }
0x1f9: {  	s15 =	simm.s32 $0xFFFFFFFC;
	[sflag:s0] =	ssyncadd.s32 @p0 $0xFFFF5800;
	p0 =	por $0x0, $0x0  }
.LBB2_5:
0x1fa: {  	v0 =	vld [tilespmem:s29+$0x0];
	_ =	sdelay $0x4  }
0x1fb: {  	v1 =	vand.u32 $0x7FFFFF, v0  }
0x1fc: {  	v1 =	vor.u32 $0x3F800000, v1  }
0x1fd: {  	v2 =	vmul.f32 $5.000000000e-01, v1  }
0x1fe: {  	vm0 =	vgt.f32 v1, $1.414213540e+00  }
0x1ff: {  	v1 =	vsel vm0, v2, v1  }
0x200: {  	v2 =	vadd.f32 $1.000000000e+00, v1;
	_ =	sdelay $0x1  }
0x201: {  	(erf) = vrcp.f32 v2;
	_ =	sdelay $0x7  }
0x202: {  	v1 =	vadd.f32 $-1.000000000e+00, v1  }
0x203: {  	v2 =	vpop (erf)  }
0x204: {  	v1 =	vmul.f32 v2, v1;
	_ =	sdelay $0x1  }
0x205: {  	v2 =	vmul.f32 v1, v1;
	_ =	sdelay $0x1  }
0x206: {  	v4 =	vmul.f32 $2.857142980e-01, v2  }
0x207: {  	v3 =	vld [tilespmem:s11+$0x0]  }
0x208: {  	v5 =	vld [tilespmem:s19+$0x0];
	v4 =	vadd.f32 $4.000000060e-01, v4;
	_ =	sdelay $0x1  }
0x209: {  	v4 =	vmul.f32 v4, v2  }
0x20a: {  	v6 =	vadd.f32 $-6.000000000e+00, v0  }
0x20b: {  	v51 =	vld [tilespmem:s18+$0x0];
	v3 =	vshll.u32 v3, $0x2;
	v4 =	vadd.f32 $6.666666860e-01, v4  }
0x20c: {  	v0 =	vshra.s32 v0, $0x17;
	v3 =	vadd.s32 v5, v3;
	v6 =	vmul.f32 $5.000000000e+00, v6  }
0x20d: {  	v0 =	vadd.s32 $0xFFFFFF81, v0;
	v2 =	vmul.f32 v4, v2  }
0x20e: {  	v0 =	vcvt.s32.f32 v0;
	v6 =	vmul.f32 $1.442695020e+00, v6  }
0x20f: {  	v52 =	vsel vm0, $0x3F800000, v58;
	v2 =	vadd.f32 $2.000000000e+00, v2  }
0x210: {  	v53 =	vshrl.u32 v51, $0x1B;
	v0 =	vadd.f32 v0, v52;
	(erf) = vpow2.f32 v6  }
0x211: {  	v3 =	vld.idx.msk [tilespmem:v3+s20+$0x0], $0xffff;
	v1 =	vmul.f32 v2, v1;
	v2 =	vand.u32 $0x10, v53  }
0x212: {  	v0 =	vmul.f32 $6.931471820e-01, v0;
	v54 =	vadd.s32 v51, v2  }
0x213: {  	v20 =	vperm.xlane v60, v54  }
0x214: {  	v0 =	vadd.f32 v1, v0;
	v9 =	vperm.xlane v55, v54;
	v8 =	vperm.xlane v61, v54  }
0x215: {  	v7 =	vperm.xlane v41, v54;
	v22 =	vperm.xlane v39, v54  }
0x216: {  	v23 =	vperm.xlane v36, v54;
	v25 =	vperm.xlane v38, v54;
	v56 =	vsub.f32 v3, v0  }
0x217: {  	v27 =	vperm.xlane v34, v54;
	v28 =	vperm.xlane v35, v54;
	v57 =	vshll.u32 v20, $0x10  }
0x218: {  	v34 =	vperm.xlane v40, v54;
	v0 =	vmul.f32 v57, v56  }
0x219: {  	v59 =	vpop (erf);
	v32 =	vperm.xlane v43, v54;
	v35 =	vperm.xlane v44, v54;
	v62 =	vshll.u32 v9, $0x10  }
0x21a: {  	v3 =	vadd.f32 $1.000000000e+00, v59;
	v6 =	vshll.u32 v8, $0x10;
	v0 =	vadd.f32 v0, v56  }
0x21b: {  	v10 =	vshll.u32 v7, $0x10;
	v12 =	vshll.u32 v22, $0x10;
	v4 =	vmul.f32 v62, v56  }
0x21c: {  	v13 =	vshll.u32 v23, $0x10;
	(erf) = vrcp.f32 v3;
	v0 =	vmul.f32 $1.442695020e+00, v0  }
0x21d: {  	v15 =	vmul.f32 v13, v56;
	v63 =	vadd.f32 v4, v56;
	v4 =	vmul.f32 v10, v56  }
0x21e: {  	v19 =	vshll.u32 v28, $0x10;
	(erf) = vpow2.f32 v0;
	v0 =	vmul.f32 v6, v56  }
0x21f: {  	v10 =	vshll.u32 v32, $0x10;
	v11 =	vadd.f32 v4, v56;
	v4 =	vmul.f32 v12, v56  }
0x220: {  	v5 =	vmul.f32 v19, v56;
	v10 =	vmul.f32 v10, v56;
	v0 =	vadd.f32 v0, v56  }
0x221: {  	v3 =	vmul.f32 $1.442695020e+00, v63;
	v14 =	vadd.f32 v4, v56;
	v6 =	vperm.xlane v33, v54  }
0x222: {  	v4 =	vadd.f32 v15, v56;
	v33 =	vperm.xlane v42, v54;
	v0 =	vmul.f32 $1.442695020e+00, v0  }
0x223: {  	s24 =	sand.u32 $0x40, s9;
	v16 =	vshll.u32 v25, $0x10;
	(erf) = vpow2.f32 v3;
	v3 =	vmul.f32 $1.442695020e+00, v11  }
0x224: {  	s2 =	sand.u32 $0x780, s9;
	s3 =	sor.u32 $0x10, s24;
	v18 =	vshll.u32 v27, $0x10;
	v17 =	vmul.f32 $1.442695020e+00, v4;
	(erf) = vpow2.f32 v0  }
0x225: {  	s0 =	sor.u32 s2, s3;
	v41 =	vadd.f32 v10, v56;
	(erf) = vpow2.f32 v3;
	v3 =	vmul.f32 v16, v56  }
0x226: {  	v13 =	vld [tilespmem:s0+$0xDC00];
	v42 =	vshll.u32 v35, $0x10;
	v4 =	vmul.f32 v18, v56;
	v0 =	vmul.f32 $1.442695020e+00, v14  }
0x227: {  	v10 =	vmul.f32 v42, v56;
	v29 =	vshll.u32 v6, $0x10;
	v3 =	vadd.f32 v3, v56  }
0x228: {  	v30 =	vmul.f32 v29, v56;
	v24 =	vadd.f32 v4, v56;
	(erf) = vpow2.f32 v0  }
0x229: {  	v26 =	vadd.f32 v5, v56;
	v0 =	vperm.xlane v37, v54;
	v21 =	vmul.f32 $1.442695020e+00, v3  }
0x22a: {  	(erf) = vpow2.f32 v17;
	v3 =	vmul.f32 $1.442695020e+00, v24  }
0x22b: {  	v51 =	vand.u32 $0x7FFFFF, v13;
	v4 =	vmul.f32 $1.442695020e+00, v26;
	(erf) = vpow2.f32 v21  }
0x22c: {  	v31 =	vadd.f32 v30, v56;
	v36 =	vshll.u32 v0, $0x10;
	(erf) = vpow2.f32 v3  }
0x22d: {  	v37 =	vshll.u32 v34, $0x10;
	(erf) = vpow2.f32 v4;
	v4 =	vmul.f32 v36, v56  }
0x22e: {  	v39 =	vshll.u32 v33, $0x10;
	v38 =	vmul.f32 v37, v56;
	v3 =	vmul.f32 $1.442695020e+00, v31  }
0x22f: {  	v43 =	vmul.f32 $1.442695020e+00, v41;
	v5 =	vmul.f32 v39, v56;
	v4 =	vadd.f32 v4, v56  }
0x230: {  	v39 =	vperm.xlane v45, v54;
	(erf) = vpow2.f32 v3;
	v3 =	vadd.f32 v38, v56  }
0x231: {  	v40 =	vadd.f32 v5, v56;
	v37 =	vperm.xlane v47, v54;
	v4 =	vmul.f32 $1.442695020e+00, v4  }
0x232: {  	v44 =	vadd.f32 v10, v56;
	v36 =	vperm.xlane v46, v54;
	v3 =	vmul.f32 $1.442695020e+00, v3  }
0x233: {  	v10 =	vor.u32 $0x3F800000, v51;
	(erf) = vpow2.f32 v4;
	v4 =	vmul.f32 $1.442695020e+00, v40  }
0x234: {  	v31 =	vpop (erf);
	v46 =	vshll.u32 v39, $0x10;
	v38 =	vperm.xlane v48, v54;
	(erf) = vpow2.f32 v3  }
0x235: {  	v11 =	vpop (erf);
	v47 =	vshll.u32 v36, $0x10;
	(erf) = vpow2.f32 v4;
	v4 =	vmul.f32 v46, v56  }
0x236: {  	v52 =	vmul.f32 $5.000000000e-01, v10;
	v49 =	vshll.u32 v37, $0x10;
	v12 =	vpop (erf);
	v48 =	vmul.f32 v47, v56  }
0x237: {  	v14 =	vpop (erf);
	v50 =	vshll.u32 v38, $0x10;
	v3 =	vmul.f32 v49, v56;
	v4 =	vadd.f32 v4, v56  }
0x238: {  	v45 =	vmul.f32 $1.442695020e+00, v44;
	v15 =	vpop (erf);
	v5 =	vmul.f32 v50, v56;
	v1 =	vadd.f32 v48, v56  }
0x239: {  	v16 =	vpop (erf);
	(erf) = vpow2.f32 v43;
	v3 =	vadd.f32 v3, v56;
	v4 =	vmul.f32 $1.442695020e+00, v4  }
0x23a: {  	v17 =	vpop (erf);
	v2 =	vadd.f32 v5, v56;
	v1 =	vmul.f32 $1.442695020e+00, v1;
	(erf) = vpow2.f32 v45  }
0x23b: {  	vm13 =	vgt.f32 v10, $1.414213540e+00;
	v18 =	vpop (erf);
	v3 =	vmul.f32 $1.442695020e+00, v3;
	(erf) = vpow2.f32 v4  }
0x23c: {  	v21 =	vsel vm13, v52, v10;
	v19 =	vpop (erf);
	v53 =	vmul.f32 $1.442695020e+00, v2;
	(erf) = vpow2.f32 v1  }
0x23d: {  	v54 =	vadd.f32 $1.000000000e+00, v21;
	v29 =	vpop (erf);
	(erf) = vpow2.f32 v3  }
0x23e: {  	v30 =	vpop (erf);
	(erf) = vpow2.f32 v53  }
0x23f: {  	v10 =	vpop (erf);
	(erf) = vrcp.f32 v54  }
0x240: {  	v42 =	vpop (erf)  }
0x241: {  	v41 =	vpop (erf)  }
0x242: {  	v40 =	vpop (erf)  }
0x243: {  	v45 =	vpop (erf)  }
0x244: {  	v47 =	vpop (erf)  }
0x245: {  	v49 =	vpop (erf)  }
0x246: {  	v48 =	vadd.f32 $-6.000000000e+00, v13;
	v56 =	vpop (erf)  }
0x247: {  	v21 =	vadd.f32 $-1.000000000e+00, v21;
	v57 =	vpop (erf)  }
0x248: {  	v53 =	vmul.f32 $5.000000000e+00, v48;
	v24 =	vpop (erf)  }
0x249: {  	v13 =	vshra.s32 v13, $0x17;
	v24 =	vmul.f32 v24, v21  }
0x24a: {  	v52 =	vadd.s32 $0xFFFFFF81, v13;
	v13 =	vmul.f32 $1.442695020e+00, v53  }
0x24b: {  	v20 =	vand.u32 $0xFFFF0000, v20;
	v26 =	vmul.f32 v24, v24  }
0x24c: {  	v9 =	vand.u32 $0xFFFF0000, v9;
	v8 =	vand.u32 $0xFFFF0000, v8;
	(erf) = vpow2.f32 v13  }
0x24d: {  	v59 =	vld [tilespmem:s0+$0xCE00];
	v7 =	vand.u32 $0xFFFF0000, v7;
	v6 =	vand.u32 $0xFFFF0000, v6;
	v62 =	vmul.f32 $2.857142980e-01, v26  }
0x24e: {  	v63 =	vld [tilespmem:s0+$0xD500];
	v0 =	vand.u32 $0xFFFF0000, v0;
	v20 =	vmul.f32 v20, v31;
	v9 =	vmul.f32 v9, v31  }
0x24f: {  	v8 =	vmul.f32 v8, v31;
	v7 =	vmul.f32 v7, v31;
	v43 =	vadd.f32 $4.000000060e-01, v62  }
0x250: {  	v51 =	vld [tilespmem:s0+$0xC700];
	v6 =	vmul.f32 v6, v31;
	v0 =	vmul.f32 v0, v31  }
0x251: {  	v22 =	vand.u32 $0xFFFF0000, v22;
	v50 =	vmul.f32 v12, v9;
	v5 =	vmul.f32 v43, v26  }
0x252: {  	v12 =	vcvt.s32.f32 v52;
	v4 =	vmul.f32 v11, v20;
	v21 =	vshll.u32 v59, $0x2  }
0x253: {  	v54 =	vsel vm13, $0x3F800000, v58;
	v44 =	vadd.s32 v63, v21;
	v11 =	vadd.f32 $6.666666860e-01, v5  }
0x254: {  	[tilespmem:$0x1FD30] =	vst v50;
	v0 =	vmul.f32 v10, v0;
	v58 =	vmul.f32 v14, v8;
	v12 =	vadd.f32 v12, v54  }
0x255: {  	[tilespmem:$0x1FD10] =	vst v57;
	v57 =	vshrl.u32 v51, $0x1B;
	v59 =	vmul.f32 v22, v31;
	v50 =	vpop (erf);
	v11 =	vmul.f32 v11, v26  }
0x256: {  	v12 =	vmul.f32 $6.931471820e-01, v12;
	v13 =	vand.u32 $0x10, v57;
	v53 =	vadd.f32 $1.000000000e+00, v50  }
0x257: {  	v21 =	vand.u32 $0xFFFF0000, v23;
	v20 =	vmul.f32 v16, v59;
	v11 =	vadd.f32 $2.000000000e+00, v11  }
0x258: {  	[tilespmem:$0x1FD00] =	vst v56;
	v22 =	vand.u32 $0xFFFF0000, v25;
	v23 =	vmul.f32 v21, v31;
	(erf) = vrcp.f32 v53;
	v56 =	vld.idx.msk [tilespmem:v44+s20+$0x0], $0xffff  }
0x259: {  	v57 =	vld [tilespmem:$0x1FF00];
	v26 =	vand.u32 $0xFFFF0000, v27;
	v11 =	vmul.f32 v11, v24;
	v24 =	vmul.f32 v22, v31  }
0x25a: {  	v62 =	vmul.f32 v15, v7;
	v43 =	vmul.f32 v26, v31  }
0x25b: {  	v63 =	vadd.f32 v11, v12;
	v11 =	vadd.s32 v51, v13;
	v48 =	vmul.f32 v18, v24  }
0x25c: {  	v44 =	vperm.xlane v60, v11;
	v46 =	vperm.xlane v55, v11  }
0x25d: {  	v55 =	vand.u32 $0xFFFF0000, v28;
	v9 =	vsub.f32 v56, v63;
	[tilespmem:$0x1FD80] =	vst v48;
	v48 =	vperm.xlane v61, v11;
	v61 =	vld [tilespmem:$0x1FF10]  }
0x25e: {  	[tilespmem:$0x1FD40] =	vst v58;
	v50 =	vperm.xlane v57, v11;
	v58 =	vmul.f32 v55, v31;
	v55 =	vld [tilespmem:$0x1FF60];
	v25 =	vshll.u32 v44, $0x10  }
0x25f: {  	v27 =	vmul.f32 v17, v23;
	v18 =	vld [tilespmem:$0x1FF20];
	v51 =	vshll.u32 v46, $0x10;
	v12 =	vmul.f32 v25, v9  }
0x260: {  	v52 =	vmul.f32 v19, v43;
	v60 =	vshll.u32 v50, $0x10;
	v54 =	vmul.f32 v51, v9  }
0x261: {  	[tilespmem:$0x1FD50] =	vst v62;
	v26 =	vld [tilespmem:$0x1FF50];
	v13 =	vmul.f32 v60, v9;
	v62 =	vmul.f32 v29, v58;
	v12 =	vadd.f32 v12, v9  }
0x262: {  	v21 =	vld [tilespmem:$0x1FF30];
	v57 =	vmul.f32 v30, v6;
	v56 =	vadd.f32 v54, v9;
	v51 =	vperm.xlane v61, v11  }
0x263: {  	[tilespmem:$0x1FDA0] =	vst v62;
	v16 =	vadd.f32 v13, v9;
	v62 =	vperm.xlane v55, v11;
	v12 =	vmul.f32 $1.442695020e+00, v12  }
0x264: {  	v7 =	vmul.f32 $1.442695020e+00, v56;
	v56 =	vperm.xlane v18, v11  }
0x265: {  	v59 =	vshll.u32 v48, $0x10;
	v8 =	vmul.f32 $1.442695020e+00, v16;
	v16 =	vld [tilespmem:$0x1FF70];
	(erf) = vpow2.f32 v12  }
0x266: {  	v17 =	vshll.u32 v51, $0x10;
	v12 =	vmul.f32 v59, v9;
	v59 =	vperm.xlane v26, v11  }
0x267: {  	[tilespmem:$0x1FD60] =	vst v20;
	v20 =	vshll.u32 v56, $0x10;
	(erf) = vpow2.f32 v7;
	v7 =	vperm.xlane v21, v11  }
0x268: {  	v5 =	vshll.u32 v62, $0x10;
	v22 =	vmul.f32 v20, v9;
	v63 =	vadd.f32 v12, v9  }
0x269: {  	v25 =	vld [tilespmem:$0x1FF40];
	v12 =	vmul.f32 v17, v9;
	v43 =	vshll.u32 v59, $0x10;
	v23 =	vshll.u32 v7, $0x10  }
0x26a: {  	v13 =	vadd.f32 v22, v9;
	v15 =	vmul.f32 v43, v9;
	v60 =	vperm.xlane v16, v11  }
0x26b: {  	v19 =	vmul.f32 $1.442695020e+00, v63;
	v12 =	vadd.f32 v12, v9;
	v24 =	vmul.f32 v23, v9  }
0x26c: {  	[tilespmem:$0x1FD70] =	vst v27;
	v7 =	vand.u32 $0xFFFF0000, v7;
	v27 =	vmul.f32 $1.442695020e+00, v13;
	v13 =	vmul.f32 v5, v9  }
0x26d: {  	v22 =	vld [tilespmem:$0x1FFA0];
	v54 =	vadd.f32 v15, v9;
	(erf) = vpow2.f32 v19;
	v12 =	vmul.f32 $1.442695020e+00, v12  }
0x26e: {  	v28 =	vadd.f32 v24, v9;
	v19 =	vld [tilespmem:$0x1FF80];
	(erf) = vpow2.f32 v8;
	v8 =	vperm.xlane v25, v11  }
0x26f: {  	[tilespmem:$0x1FD20] =	vst v4;
	v18 =	vshll.u32 v60, $0x10;
	v4 =	vmul.f32 $1.442695020e+00, v54;
	(erf) = vpow2.f32 v12  }
0x270: {  	[tilespmem:$0x1FD90] =	vst v52;
	v20 =	vld [tilespmem:$0x1FF90];
	v52 =	vmul.f32 $1.442695020e+00, v28;
	v12 =	vmul.f32 v18, v9;
	v29 =	vshll.u32 v8, $0x10  }
0x271: {  	v17 =	vadd.f32 v13, v9;
	(erf) = vpow2.f32 v27;
	v14 =	vmul.f32 v29, v9  }
0x272: {  	v27 =	vld [tilespmem:$0x1FFB0];
	(erf) = vpow2.f32 v52;
	v12 =	vadd.f32 v12, v9;
	v52 =	vperm.xlane v22, v11  }
0x273: {  	v6 =	vmul.f32 $1.442695020e+00, v17;
	v54 =	vpop (erf);
	v61 =	vperm.xlane v19, v11;
	v53 =	vadd.f32 v14, v9  }
0x274: {  	s26 =	sor.u32 $0x20, s24;
	v7 =	vmul.f32 v7, v54;
	v12 =	vmul.f32 $1.442695020e+00, v12;
	v25 =	vshll.u32 v52, $0x10  }
0x275: {  	s5 =	sor.u32 s2, s26;
	v21 =	vshll.u32 v61, $0x10;
	v58 =	vmul.f32 $1.442695020e+00, v53;
	v53 =	vperm.xlane v20, v11  }
0x276: {  	v10 =	vld [tilespmem:s5+$0xDC00];
	v14 =	vmul.f32 v25, v9;
	v23 =	vmul.f32 v21, v9  }
0x277: {  	v19 =	vld [tilespmem:$0x1FFF0];
	v21 =	vperm.xlane v27, v11;
	(erf) = vpow2.f32 v58;
	v24 =	vshll.u32 v53, $0x10  }
0x278: {  	v26 =	vadd.f32 v23, v9;
	v58 =	vld [tilespmem:$0x1FFC0];
	(erf) = vpow2.f32 v4;
	v13 =	vmul.f32 v24, v9  }
0x279: {  	v30 =	vadd.f32 v14, v9;
	v43 =	vshll.u32 v21, $0x10;
	(erf) = vpow2.f32 v6  }
0x27a: {  	v63 =	vld [tilespmem:$0x1FFD0];
	v29 =	vmul.f32 $1.442695020e+00, v26;
	v28 =	vadd.f32 v13, v9;
	v13 =	vmul.f32 v43, v9  }
0x27b: {  	[tilespmem:$0x1FDC0] =	vst v0;
	v5 =	vld [tilespmem:$0x1FFE0];
	v55 =	vmul.f32 $1.442695020e+00, v30;
	(erf) = vpow2.f32 v12  }
0x27c: {  	[tilespmem:$0x1FDB0] =	vst v57;
	(erf) = vpow2.f32 v29;
	v0 =	vmul.f32 $1.442695020e+00, v28;
	v57 =	vadd.f32 v13, v9  }
0x27d: {  	v24 =	vand.u32 $0x7FFFFF, v10;
	v29 =	vperm.xlane v58, v11;
	v58 =	vperm.xlane v19, v11  }
0x27e: {  	v14 =	vpop (erf);
	v28 =	vand.u32 $0xFFFF0000, v34;
	(erf) = vpow2.f32 v0;
	v0 =	vmul.f32 $1.442695020e+00, v57  }
0x27f: {  	v12 =	vpop (erf);
	v4 =	vshll.u32 v29, $0x10;
	(erf) = vpow2.f32 v55;
	v55 =	vperm.xlane v63, v11  }
0x280: {  	v34 =	vand.u32 $0xFFFF0000, v33;
	v57 =	vperm.xlane v5, v11;
	v13 =	vmul.f32 v4, v9  }
0x281: {  	v43 =	vmul.f32 v34, v31;
	v23 =	vshll.u32 v58, $0x10;
	v6 =	vshll.u32 v55, $0x10  }
0x282: {  	v22 =	vshll.u32 v57, $0x10;
	v13 =	vadd.f32 v13, v9;
	v20 =	vmul.f32 v6, v9  }
0x283: {  	v18 =	vor.u32 $0x3F800000, v24;
	v15 =	vpop (erf);
	v16 =	vmul.f32 v23, v9;
	v11 =	vmul.f32 v22, v9  }
0x284: {  	v17 =	vpop (erf);
	(erf) = vpow2.f32 v0;
	v13 =	vmul.f32 $1.442695020e+00, v13;
	v0 =	vadd.f32 v20, v9  }
0x285: {  	v24 =	vand.u32 $0xFFFF0000, v32;
	v26 =	vmul.f32 $5.000000000e-01, v18;
	v19 =	vpop (erf);
	v11 =	vadd.f32 v11, v9  }
0x286: {  	v63 =	vpop (erf);
	v32 =	vmul.f32 v41, v43;
	v9 =	vadd.f32 v16, v9;
	v0 =	vmul.f32 $1.442695020e+00, v0  }
0x287: {  	vm14 =	vgt.f32 v18, $1.414213540e+00;
	v1 =	vpop (erf);
	(erf) = vpow2.f32 v13;
	v11 =	vmul.f32 $1.442695020e+00, v11  }
0x288: {  	v16 =	vsel vm14, v26, v18;
	v27 =	vmul.f32 $1.442695020e+00, v9;
	v13 =	vpop (erf);
	(erf) = vpow2.f32 v0  }
0x289: {  	v26 =	vmul.f32 v24, v31;
	v30 =	vadd.f32 $1.000000000e+00, v16;
	v18 =	vpop (erf);
	(erf) = vpow2.f32 v11  }
0x28a: {  	v9 =	vmul.f32 v28, v31;
	v2 =	vpop (erf);
	(erf) = vpow2.f32 v27  }
0x28b: {  	v34 =	vmul.f32 v40, v26;
	v4 =	vpop (erf);
	v27 =	vand.u32 $0xFFFF0000, v35;
	(erf) = vrcp.f32 v30  }
0x28c: {  	v37 =	vand.u32 $0xFFFF0000, v37;
	v33 =	vmul.f32 v42, v9;
	v3 =	vpop (erf);
	v28 =	vmul.f32 v27, v31  }
0x28d: {  	v42 =	vand.u32 $0xFFFF0000, v46;
	v46 =	vand.u32 $0xFFFF0000, v48;
	v48 =	vand.u32 $0xFFFF0000, v50;
	v5 =	vpop (erf)  }
0x28e: {  	v30 =	vand.u32 $0xFFFF0000, v39;
	v6 =	vpop (erf);
	v43 =	vmul.f32 v45, v28;
	v45 =	vmul.f32 v37, v31;
	v37 =	vld [tilespmem:$0x1FD00]  }
0x28f: {  	v0 =	vmul.f32 v42, v54;
	v35 =	vand.u32 $0xFFFF0000, v36;
	v11 =	vmul.f32 v30, v31;
	v9 =	vpop (erf)  }
0x290: {  	v50 =	vmul.f32 v48, v54;
	v48 =	vand.u32 $0xFFFF0000, v59;
	v36 =	vmul.f32 v35, v31;
	v24 =	vpop (erf)  }
0x291: {  	v59 =	vand.u32 $0xFFFF0000, v62;
	v41 =	vmul.f32 v47, v11;
	v47 =	vand.u32 $0xFFFF0000, v38;
	v28 =	vpop (erf)  }
0x292: {  	v62 =	vmul.f32 v59, v54;
	v35 =	vand.u32 $0xFFFF0000, v44;
	v39 =	vmul.f32 v49, v36;
	v27 =	vpop (erf)  }
0x293: {  	v16 =	vadd.f32 $-1.000000000e+00, v16;
	v38 =	vmul.f32 v35, v54;
	v36 =	vmul.f32 v37, v45;
	v45 =	vpop (erf)  }
0x294: {  	v35 =	vmul.f32 v1, v7;
	v49 =	vmul.f32 v47, v31;
	v47 =	vpop (erf)  }
0x295: {  	v40 =	vld [tilespmem:$0x1FD10];
	v11 =	vmul.f32 v14, v38;
	v14 =	vmul.f32 v47, v16  }
0x296: {  	v1 =	vmul.f32 v48, v54;
	v16 =	vand.u32 $0xFFFF0000, v51;
	v51 =	vadd.f32 $-6.000000000e+00, v10  }
0x297: {  	v8 =	vand.u32 $0xFFFF0000, v8;
	v38 =	vmul.f32 v12, v0;
	v12 =	vmul.f32 v14, v14  }
0x298: {  	v31 =	vmul.f32 v8, v54;
	v8 =	vmul.f32 $5.000000000e+00, v51  }
0x299: {  	v25 =	vimm.f32 $0.0e+00;
	v23 =	vld [tilespmem:s5+$0xCE00];
	[tilespmem:$0x1FDD0] =	vst v11;
	v11 =	vmul.f32 v46, v54;
	v26 =	vmul.f32 $2.857142980e-01, v12  }
0x29a: {  	v22 =	vand.u32 $0xFFFF0000, v56;
	v30 =	vld [tilespmem:s5+$0xD500];
	v49 =	vmul.f32 v40, v49;
	v8 =	vmul.f32 $1.442695020e+00, v8  }
0x29b: {  	v0 =	vmul.f32 v13, v31;
	v37 =	vmul.f32 v15, v11;
	v44 =	vadd.f32 $4.000000060e-01, v26  }
0x29c: {  	v13 =	vand.u32 $0xFFFF0000, v60;
	v11 =	vmul.f32 v22, v54;
	(erf) = vpow2.f32 v8  }
0x29d: {  	v47 =	vmul.f32 v17, v50;
	v10 =	vshra.s32 v10, $0x17;
	v46 =	vmul.f32 v44, v12  }
0x29e: {  	v50 =	vshll.u32 v23, $0x2;
	v20 =	vmul.f32 v16, v54;
	v10 =	vadd.s32 $0xFFFFFF81, v10  }
0x29f: {  	v56 =	vld [tilespmem:s5+$0xC700];
	[tilespmem:$0x1FDE0] =	vst v0;
	v7 =	vadd.s32 v30, v50;
	v10 =	vcvt.s32.f32 v10;
	v0 =	vadd.f32 $6.666666860e-01, v46  }
0x2a0: {  	v22 =	vld [tilespmem:$0x1FEF0];
	v23 =	vand.u32 $0xFFFF0000, v52;
	v40 =	vmul.f32 v63, v11;
	v63 =	vsel vm14, $0x3F800000, v25  }
0x2a1: {  	v52 =	vld [tilespmem:$0x1FF00];
	v42 =	vmul.f32 v19, v20;
	v10 =	vadd.f32 v10, v63;
	v0 =	vmul.f32 v0, v12  }
0x2a2: {  	v15 =	vand.u32 $0xFFFF0000, v61;
	v16 =	vld [tilespmem:$0x1FED0];
	v44 =	vmul.f32 v2, v62;
	v2 =	vmul.f32 v13, v54  }
0x2a3: {  	v20 =	vld [tilespmem:$0x1FEE0];
	v46 =	vmul.f32 v18, v1;
	v1 =	vmul.f32 $6.931471820e-01, v10;
	v0 =	vadd.f32 $2.000000000e+00, v0  }
0x2a4: {  	v17 =	vand.u32 $0xFFFF0000, v53;
	v7 =	vld.idx.msk [tilespmem:v7+s20+$0x0], $0xffff;
	v10 =	vmul.f32 v15, v54;
	v51 =	vmul.f32 v4, v2  }
0x2a5: {  	v18 =	vmul.f32 v17, v54;
	v12 =	vld [tilespmem:$0x1FF20];
	v26 =	vpop (erf);
	v0 =	vmul.f32 v0, v14;
	v14 =	vshrl.u32 v56, $0x1B  }
0x2a6: {  	v48 =	vmul.f32 v3, v10;
	v4 =	vadd.f32 $1.000000000e+00, v26;
	v8 =	vand.u32 $0x10, v14  }
0x2a7: {  	v50 =	vmul.f32 v5, v18;
	v0 =	vadd.f32 v0, v1;
	v56 =	vadd.s32 v56, v8  }
0x2a8: {  	(erf) = vrcp.f32 v4;
	v30 =	vperm.xlane v16, v56  }
0x2a9: {  	v61 =	vperm.xlane v20, v56;
	v60 =	vperm.xlane v22, v56;
	v59 =	vsub.f32 v7, v0  }
0x2aa: {  	v20 =	vperm.xlane v52, v56;
	v63 =	vperm.xlane v12, v56;
	v7 =	vld [tilespmem:$0x1FF10];
	v19 =	vshll.u32 v30, $0x10  }
0x2ab: {  	v16 =	vand.u32 $0xFFFF0000, v21;
	v25 =	vshll.u32 v61, $0x10;
	v2 =	vmul.f32 v19, v59  }
0x2ac: {  	v0 =	vmul.f32 v23, v54;
	v31 =	vshll.u32 v60, $0x10;
	v3 =	vmul.f32 v25, v59  }
0x2ad: {  	v21 =	vmul.f32 v16, v54;
	v5 =	vmul.f32 v31, v59;
	v2 =	vadd.f32 v2, v59  }
0x2ae: {  	v10 =	vshll.u32 v20, $0x10;
	v52 =	vmul.f32 v6, v0;
	v25 =	vld [tilespmem:$0x1FF50];
	v3 =	vadd.f32 v3, v59  }
0x2af: {  	v53 =	vadd.f32 v5, v59;
	v62 =	vperm.xlane v7, v56;
	v2 =	vmul.f32 $1.442695020e+00, v2  }
0x2b0: {  	v17 =	vld [tilespmem:$0x1FF30];
	v15 =	vshll.u32 v63, $0x10;
	v8 =	vmul.f32 $1.442695020e+00, v3;
	v3 =	vmul.f32 v10, v59  }
0x2b1: {  	v7 =	vld [tilespmem:$0x1FF60];
	v4 =	vmul.f32 $1.442695020e+00, v53;
	v11 =	vshll.u32 v62, $0x10;
	(erf) = vpow2.f32 v2  }
0x2b2: {  	v5 =	vmul.f32 v11, v59;
	v13 =	vadd.f32 v3, v59;
	v3 =	vmul.f32 v15, v59  }
0x2b3: {  	v19 =	vld [tilespmem:$0x1FF40];
	v15 =	vperm.xlane v25, v56;
	(erf) = vpow2.f32 v8  }
0x2b4: {  	v53 =	vmul.f32 v9, v21;
	(erf) = vpow2.f32 v4;
	v14 =	vadd.f32 v5, v59  }
0x2b5: {  	v9 =	vld [tilespmem:$0x1FF70];
	v0 =	vmul.f32 $1.442695020e+00, v13;
	v13 =	vperm.xlane v17, v56;
	v6 =	vshll.u32 v15, $0x10  }
0x2b6: {  	v18 =	vadd.f32 v3, v59;
	v17 =	vperm.xlane v7, v56;
	v3 =	vmul.f32 v6, v59  }
0x2b7: {  	v2 =	vmul.f32 $1.442695020e+00, v14;
	(erf) = vpow2.f32 v0  }
0x2b8: {  	v14 =	vperm.xlane v19, v56;
	v22 =	vshll.u32 v13, $0x10;
	v0 =	vmul.f32 $1.442695020e+00, v18  }
0x2b9: {  	v21 =	vld [tilespmem:$0x1FF90];
	v8 =	vshll.u32 v17, $0x10;
	(erf) = vpow2.f32 v2;
	v2 =	vmul.f32 v22, v59  }
0x2ba: {  	v19 =	vperm.xlane v9, v56;
	v18 =	vld [tilespmem:$0x1FF80];
	v3 =	vadd.f32 v3, v59;
	v23 =	vshll.u32 v14, $0x10  }
0x2bb: {  	v10 =	vmul.f32 v8, v59;
	v4 =	vmul.f32 v23, v59;
	v26 =	vadd.f32 v2, v59  }
0x2bc: {  	v16 =	vshll.u32 v19, $0x10;
	(erf) = vpow2.f32 v0;
	v11 =	vmul.f32 $1.442695020e+00, v3  }
0x2bd: {  	v3 =	vmul.f32 v16, v59;
	v0 =	vmul.f32 $1.442695020e+00, v26;
	v26 =	vld [tilespmem:$0x1FFA0]  }
0x2be: {  	v31 =	vadd.f32 v4, v59;
	v4 =	vadd.f32 v10, v59  }
0x2bf: {  	v9 =	vld [tilespmem:$0x1FFB0];
	v12 =	vperm.xlane v18, v56;
	v18 =	vperm.xlane v21, v56;
	v3 =	vadd.f32 v3, v59  }
0x2c0: {  	v2 =	vmul.f32 $1.442695020e+00, v31  }
0x2c1: {  	v22 =	vmul.f32 $1.442695020e+00, v4;
	v25 =	vshll.u32 v18, $0x10;
	v3 =	vmul.f32 $1.442695020e+00, v3  }
0x2c2: {  	v23 =	vshll.u32 v12, $0x10;
	v31 =	vmul.f32 v25, v59;
	v25 =	vld [tilespmem:$0x1FFC0];
	v16 =	vperm.xlane v26, v56  }
0x2c3: {  	(erf) = vpow2.f32 v0;
	v4 =	vmul.f32 v23, v59  }
0x2c4: {  	v23 =	vperm.xlane v9, v56;
	(erf) = vpow2.f32 v2;
	v8 =	vshll.u32 v16, $0x10  }
0x2c5: {  	(erf) = vpow2.f32 v11;
	v5 =	vmul.f32 v8, v59  }
0x2c6: {  	v4 =	vadd.f32 v4, v59;
	(erf) = vpow2.f32 v22;
	v22 =	vshll.u32 v23, $0x10  }
0x2c7: {  	v11 =	vadd.f32 v5, v59;
	v5 =	vmul.f32 v22, v59;
	v22 =	vperm.xlane v25, v56  }
0x2c8: {  	v10 =	vmul.f32 $1.442695020e+00, v4  }
0x2c9: {  	v2 =	vadd.f32 v31, v59;
	(erf) = vpow2.f32 v3;
	v25 =	vld [tilespmem:$0x1FFD0];
	v9 =	vshll.u32 v22, $0x10  }
0x2ca: {  	v6 =	vpop (erf);
	(erf) = vpow2.f32 v10;
	v10 =	vmul.f32 v9, v59;
	v9 =	vld [tilespmem:$0x1FFE0]  }
0x2cb: {  	v2 =	vmul.f32 $1.442695020e+00, v2  }
0x2cc: {  	v26 =	vmul.f32 $1.442695020e+00, v11  }
0x2cd: {  	v21 =	vpop (erf);
	(erf) = vpow2.f32 v2  }
0x2ce: {  	v31 =	vadd.f32 v5, v59;
	v11 =	vpop (erf);
	(erf) = vpow2.f32 v26  }
0x2cf: {  	v26 =	vand.u32 $0xFFFF0000, v29;
	v25 =	vperm.xlane v25, v56;
	v29 =	vperm.xlane v9, v56;
	v9 =	vld [tilespmem:$0x1FFF0];
	_ =	sdelay $0x1  }
0x2d0: {  	s1 =	sor.u32 $0x30, s24;
	v2 =	vmul.f32 $1.442695020e+00, v31;
	v4 =	vmul.f32 v26, v54;
	v26 =	vshll.u32 v25, $0x10  }
0x2d1: {  	s6 =	sor.u32 s2, s1;
	v31 =	vmul.f32 v26, v59  }
0x2d2: {  	v8 =	vld [tilespmem:s6+$0xDC00];
	v3 =	vadd.f32 v10, v59;
	v10 =	vpop (erf);
	(erf) = vpow2.f32 v2  }
0x2d3: {  	v5 =	vshll.u32 v29, $0x10;
	v1 =	vadd.f32 v31, v59;
	v26 =	vperm.xlane v9, v56  }
0x2d4: {  	v3 =	vmul.f32 $1.442695020e+00, v3;
	v7 =	vmul.f32 v5, v59  }
0x2d5: {  	v1 =	vmul.f32 $1.442695020e+00, v1;
	v56 =	vmul.f32 v24, v4;
	v24 =	vshll.u32 v26, $0x10  }
0x2d6: {  	v9 =	vpop (erf);
	(erf) = vpow2.f32 v3;
	v3 =	vmul.f32 v24, v59  }
0x2d7: {  	v31 =	vand.u32 $0x7FFFFF, v8;
	v0 =	vadd.f32 v7, v59  }
0x2d8: {  	v4 =	vor.u32 $0x3F800000, v31;
	v24 =	vpop (erf);
	(erf) = vpow2.f32 v1;
	v1 =	vadd.f32 v3, v59  }
0x2d9: {  	v5 =	vand.u32 $0xFFFF0000, v55;
	v31 =	vmul.f32 $5.000000000e-01, v4;
	v7 =	vmul.f32 $1.442695020e+00, v0;
	v59 =	vpop (erf)  }
0x2da: {  	v5 =	vmul.f32 v5, v54;
	vm15 =	vgt.f32 v4, $1.414213540e+00;
	v55 =	vpop (erf);
	v1 =	vmul.f32 $1.442695020e+00, v1  }
0x2db: {  	(erf) = vpow2.f32 v7;
	v7 =	vsel vm15, v31, v4;
	v31 =	vand.u32 $0xFFFF0000, v57;
	v57 =	vpop (erf)  }
0x2dc: {  	v3 =	vmul.f32 v31, v54;
	v31 =	vand.u32 $0xFFFF0000, v58;
	v0 =	vadd.f32 $1.000000000e+00, v7;
	v58 =	vpop (erf)  }
0x2dd: {  	v2 =	vmul.f32 v31, v54;
	v31 =	vand.u32 $0xFFFF0000, v30;
	(erf) = vpow2.f32 v1;
	v4 =	vpop (erf)  }
0x2de: {  	(erf) = vrcp.f32 v0;
	v0 =	vmul.f32 v31, v6;
	v1 =	vpop (erf)  }
0x2df: {  	v20 =	vand.u32 $0xFFFF0000, v20;
	v54 =	vmul.f32 v28, v5;
	v5 =	vpop (erf)  }
0x2e0: {  	v30 =	vmul.f32 v45, v2;
	v45 =	vand.u32 $0xFFFF0000, v61;
	v31 =	vmul.f32 v21, v0;
	v21 =	vpop (erf)  }
0x2e1: {  	v20 =	vmul.f32 v20, v6;
	v61 =	vand.u32 $0xFFFF0000, v60;
	v0 =	vmul.f32 v45, v6;
	v28 =	vpop (erf)  }
0x2e2: {  	v62 =	vand.u32 $0xFFFF0000, v62;
	v3 =	vmul.f32 v27, v3;
	v27 =	vmul.f32 v61, v6;
	v2 =	vpop (erf)  }
0x2e3: {  	v14 =	vand.u32 $0xFFFF0000, v14;
	v11 =	vmul.f32 v11, v0;
	v0 =	vmul.f32 v62, v6;
	v60 =	vpop (erf)  }
0x2e4: {  	v45 =	vmul.f32 v10, v27;
	v27 =	vand.u32 $0xFFFF0000, v63;
	v62 =	vmul.f32 v9, v20;
	v61 =	vpop (erf)  }
0x2e5: {  	v20 =	vmul.f32 v24, v0;
	v24 =	vmul.f32 v27, v6;
	v27 =	vand.u32 $0xFFFF0000, v13;
	v13 =	vpop (erf)  }
0x2e6: {  	v7 =	vadd.f32 $-1.000000000e+00, v7;
	v0 =	vmul.f32 v14, v6;
	v10 =	vpop (erf)  }
0x2e7: {  	v16 =	vand.u32 $0xFFFF0000, v16;
	v9 =	vmul.f32 v27, v6;
	v63 =	vmul.f32 v59, v24;
	v59 =	vpop (erf)  }
0x2e8: {  	v16 =	vmul.f32 v16, v6;
	v7 =	vmul.f32 v59, v7  }
0x2e9: {  	v27 =	vand.u32 $0xFFFF0000, v15;
	v57 =	vmul.f32 v57, v0;
	v14 =	vmul.f32 v55, v9  }
0x2ea: {  	v55 =	vand.u32 $0xFFFF0000, v17;
	v59 =	vand.u32 $0xFFFF0000, v19;
	v19 =	vmul.f32 v7, v7  }
0x2eb: {  	v0 =	vmul.f32 v27, v6;
	v9 =	vmul.f32 v55, v6  }
0x2ec: {  	v12 =	vand.u32 $0xFFFF0000, v12;
	v17 =	vld [tilespmem:s6+$0xCE00];
	v15 =	vmul.f32 v59, v6;
	v59 =	vmul.f32 $2.857142980e-01, v19  }
0x2ed: {  	v18 =	vand.u32 $0xFFFF0000, v18;
	v24 =	vld [tilespmem:s6+$0xD500];
	v27 =	vmul.f32 v12, v6;
	v12 =	vmul.f32 v4, v9  }
0x2ee: {  	v55 =	vmul.f32 v1, v15;
	v1 =	vadd.f32 $4.000000060e-01, v59;
	v59 =	vadd.f32 $-6.000000000e+00, v8  }
0x2ef: {  	v4 =	vmul.f32 v5, v27;
	v5 =	vmul.f32 v18, v6  }
0x2f0: {  	v1 =	vmul.f32 v1, v19;
	v15 =	vmul.f32 $5.000000000e+00, v59;
	v59 =	vld [tilespmem:$0x1FD30]  }
0x2f1: {  	v27 =	vshll.u32 v17, $0x2;
	v5 =	vmul.f32 v21, v5;
	v21 =	vmul.f32 v28, v16;
	v28 =	vld [tilespmem:$0x1FD50]  }
0x2f2: {  	s12 =	sand.u32 $0x3C00, s30;
	v9 =	vadd.s32 v24, v27;
	v24 =	vld [tilespmem:$0x1FD20];
	v8 =	vshra.s32 v8, $0x17;
	v1 =	vadd.f32 $6.666666860e-01, v1  }
0x2f3: {  	s2 =	sadd.s32 $0xE300, s12;
	v0 =	vmul.f32 v58, v0;
	v17 =	vld [tilespmem:s6+$0xC700];
	v8 =	vadd.s32 $0xFFFFFF81, v8  }
0x2f4: {  	s5 =	sor.u32 s24, s2;
	v58 =	vimm.f32 $0.0e+00;
	v8 =	vcvt.s32.f32 v8;
	v1 =	vmul.f32 v1, v19;
	v19 =	vld [tilespmem:$0x1FD40]  }
0x2f5: {  	s4 =	simm.s32 $0x1;
	v27 =	vsel vm15, $0x3F800000, v58;
	[tilespmem:s5+$0x80] =	vst v59;
	v59 =	vld [tilespmem:$0x1FD60]  }
0x2f6: {  	s4 =	simm.s32 @!p0 $0x0;
	[tilespmem:s5+$0x180] =	vst v28;
	v15 =	vmul.f32 $1.442695020e+00, v15;
	v8 =	vadd.f32 v8, v27;
	v27 =	vand.u32 $0xFFFF0000, v22  }
0x2f7: {  	s7 =	sshll.u32 s4, $0x6;
	v28 =	vld [tilespmem:$0x1FD70];
	[tilespmem:s5+$0x0] =	vst v24;
	v24 =	vand.u32 $0xFFFF0000, v23;
	v16 =	vmul.f32 v27, v6  }
0x2f8: {  	s23 =	sadd.s32 s7, s30;
	v9 =	vld.idx.msk [tilespmem:v9+s20+$0x0], $0xffff;
	(erf) = vpow2.f32 v15;
	v15 =	vmul.f32 v24, v6  }
0x2f9: {  	s0 =	sor.u32 $0x200, s23;
	v23 =	vshrl.u32 v17, $0x1B;
	v22 =	vmul.f32 $6.931471820e-01, v8;
	v8 =	vmul.f32 v60, v16;
	v60 =	vld [tilespmem:$0x1FED0];
	[tilespmem:s5+$0x100] =	vst v19  }
0x2fa: {  	v1 =	vadd.f32 $2.000000000e+00, v1;
	v27 =	vmul.f32 v2, v15;
	v15 =	vld [tilespmem:$0x1FD80];
	[tilespmem:s0+$0xE300] =	vst v59;
	v59 =	vand.u32 $0x10, v23  }
0x2fb: {  	v24 =	vadd.s32 v17, v59;
	v17 =	vld [tilespmem:$0x1FD90]  }
0x2fc: {  	v18 =	vld [tilespmem:$0x1FDA0];
	v1 =	vmul.f32 v1, v7  }
0x2fd: {  	s10 =	sor.u32 $0x280, s23;
	v16 =	vand.u32 $0xFFFF0000, v25;
	v25 =	vld [tilespmem:$0x1FDB0]  }
0x2fe: {  	s14 =	sor.u32 $0x300, s23;
	v19 =	vand.u32 $0xFFFF0000, v29;
	v29 =	vld [tilespmem:$0x1FDC0];
	v1 =	vadd.f32 v1, v22;
	[tilespmem:s10+$0xE300] =	vst v28  }
0x2ff: {  	s16 =	sor.u32 $0x380, s23;
	s0 =	sadd.s32 $0x11B00, s12;
	v23 =	vld [tilespmem:$0x1FEE0];
	[tilespmem:s14+$0xE300] =	vst v15;
	v7 =	vperm.xlane v60, v24  }
0x300: {  	s7 =	sadd.s32 $0x11B80, s12;
	s17 =	sor.u32 s24, s0;
	v22 =	vsub.f32 v9, v1;
	[tilespmem:s16+$0xE300] =	vst v17  }
0x301: {  	s4 =	sadd.s32 $0x11C00, s12;
	s21 =	sor.u32 s24, s7;
	v28 =	vshll.u32 v7, $0x10;
	[tilespmem:s17+$0x0] =	vst v18  }
0x302: {  	s6 =	sor.u32 s24, s4;
	v2 =	vmul.f32 v16, v6;
	s5 =	sadd.s32 $0x11C80, s12;
	v15 =	vmul.f32 v28, v22;
	[tilespmem:s21+$0x0] =	vst v25  }
0x303: {  	s22 =	sor.u32 s24, s5;
	s10 =	sadd.s32 $0x11D00, s12;
	[tilespmem:s6+$0x0] =	vst v29  }
0x304: {  	v9 =	vmul.f32 v61, v2;
	v61 =	vld [tilespmem:$0x1FEF0];
	s14 =	sor.u32 s24, s10;
	v1 =	vperm.xlane v23, v24;
	v23 =	vpop (erf);
	s16 =	sadd.s32 $0x11D80, s12;
	v29 =	vadd.f32 v15, v22;
	[tilespmem:s22+$0x0] =	vst v33  }
0x305: {  	v59 =	vand.u32 $0xFFFF0000, v26;
	v2 =	vmul.f32 v19, v6;
	v17 =	vadd.f32 $1.000000000e+00, v23;
	s17 =	sor.u32 s24, s16;
	s21 =	sadd.s32 $0x11E00, s12;
	[tilespmem:s14+$0x0] =	vst v32  }
0x306: {  	v26 =	vmul.f32 v59, v6;
	s22 =	sor.u32 s24, s21;
	v6 =	vmul.f32 $1.442695020e+00, v29;
	[tilespmem:s17+$0x0] =	vst v34;
	s17 =	sadd.s32 $0x11E80, s12  }
0x307: {  	(erf) = vrcp.f32 v17;
	[tilespmem:s22+$0x0] =	vst v43;
	s14 =	sor.u32 s24, s17;
	s22 =	sadd.s32 $0x15300, s12  }
0x308: {  	s6 =	sadd.s32 $0x15380, s12;
	(erf) = vpow2.f32 v6;
	v6 =	vmul.f32 v10, v26;
	v26 =	vld [tilespmem:$0x1FDD0];
	[tilespmem:s14+$0x0] =	vst v41;
	s14 =	sor.u32 s24, s22  }
0x309: {  	v19 =	vperm.xlane v61, v24;
	s12 =	sadd.s32 $0x15400, s12;
	v41 =	vld [tilespmem:$0x1FF00];
	[tilespmem:s14+$0x0] =	vst v39;
	s14 =	sor.u32 s24, s6  }
0x30a: {  	v25 =	vshll.u32 v1, $0x10;
	v39 =	vld [tilespmem:$0x1FF10];
	s24 =	sor.u32 s24, s12;
	[tilespmem:s14+$0x0] =	vst v36  }
0x30b: {  	v18 =	vmul.f32 v25, v22;
	v59 =	vshll.u32 v19, $0x10;
	v36 =	vld [tilespmem:$0x1FF20];
	s14 =	sor.u32 s3, s2;
	[tilespmem:s24+$0x0] =	vst v49  }
0x30c: {  	v15 =	vmul.f32 v59, v22;
	[tilespmem:s14+$0x80] =	vst v38  }
0x30d: {  	v32 =	vadd.f32 v18, v22;
	v38 =	vld [tilespmem:$0x1FF30];
	[tilespmem:s14+$0x100] =	vst v37  }
0x30e: {  	v28 =	vmul.f32 v13, v2;
	v34 =	vld [tilespmem:$0x1FF40];
	v15 =	vadd.f32 v15, v22;
	s24 =	sadd.s32 $0x10, s23;
	[tilespmem:s14+$0x180] =	vst v47;
	v16 =	vperm.xlane v41, v24  }
0x30f: {  	v13 =	vmul.f32 $1.442695020e+00, v32;
	[tilespmem:s14+$0x0] =	vst v26;
	s14 =	sor.u32 $0x200, s24;
	v17 =	vperm.xlane v39, v24  }
0x310: {  	v23 =	vmul.f32 $1.442695020e+00, v15;
	[tilespmem:s14+$0xE300] =	vst v42;
	s14 =	sor.u32 $0x280, s24;
	v18 =	vshll.u32 v16, $0x10;
	v15 =	vperm.xlane v36, v24  }
0x311: {  	(erf) = vpow2.f32 v13;
	[tilespmem:s14+$0xE300] =	vst v40;
	s14 =	sor.u32 $0x300, s24;
	v2 =	vmul.f32 v18, v22;
	v25 =	vshll.u32 v17, $0x10  }
0x312: {  	[tilespmem:s14+$0xE300] =	vst v35;
	v35 =	vld [tilespmem:$0x1FF50];
	v10 =	vperm.xlane v38, v24;
	v13 =	vmul.f32 v25, v22;
	v29 =	vshll.u32 v15, $0x10  }
0x313: {  	v25 =	vperm.xlane v34, v24;
	v2 =	vadd.f32 v2, v22;
	v18 =	vmul.f32 v29, v22;
	v29 =	vld [tilespmem:$0x1FDE0]  }
0x314: {  	v33 =	vld [tilespmem:$0x1FF60];
	(erf) = vpow2.f32 v23;
	v32 =	vshll.u32 v10, $0x10;
	v13 =	vadd.f32 v13, v22  }
0x315: {  	v23 =	vmul.f32 v32, v22;
	v49 =	vshll.u32 v25, $0x10;
	v2 =	vmul.f32 $1.442695020e+00, v2  }
0x316: {  	v7 =	vand.u32 $0xFFFF0000, v7;
	v18 =	vadd.f32 v18, v22;
	v26 =	vmul.f32 v49, v22  }
0x317: {  	s24 =	sor.u32 $0x380, s24;
	v13 =	vmul.f32 $1.442695020e+00, v13;
	v59 =	vadd.f32 v23, v22;
	(erf) = vpow2.f32 v2  }
0x318: {  	v32 =	vmul.f32 $1.442695020e+00, v18;
	v49 =	vadd.f32 v26, v22;
	v26 =	vperm.xlane v35, v24;
	[tilespmem:s24+$0xE300] =	vst v29;
	s24 =	sor.u32 s3, s0  }
0x319: {  	v1 =	vand.u32 $0xFFFF0000, v1;
	v18 =	vperm.xlane v33, v24;
	(erf) = vpow2.f32 v13;
	[tilespmem:s24+$0x0] =	vst v46;
	s24 =	sor.u32 s3, s7  }
0x31a: {  	v40 =	vld [tilespmem:$0x1FF80];
	v16 =	vand.u32 $0xFFFF0000, v16;
	v23 =	vpop (erf);
	v2 =	vmul.f32 $1.442695020e+00, v59;
	(erf) = vpow2.f32 v32;
	[tilespmem:s24+$0x0] =	vst v44;
	s24 =	sor.u32 s3, s4  }
0x31b: {  	v17 =	vand.u32 $0xFFFF0000, v17;
	v7 =	vmul.f32 v7, v23;
	v29 =	vmul.f32 $1.442695020e+00, v49;
	[tilespmem:s24+$0x0] =	vst v51;
	s24 =	sor.u32 s3, s5  }
0x31c: {  	v37 =	vld [tilespmem:$0x1FF70];
	v15 =	vand.u32 $0xFFFF0000, v15;
	v1 =	vmul.f32 v1, v23;
	v16 =	vmul.f32 v16, v23;
	[tilespmem:s24+$0x0] =	vst v48;
	s24 =	sor.u32 s3, s10  }
0x31d: {  	v10 =	vand.u32 $0xFFFF0000, v10;
	v17 =	vmul.f32 v17, v23;
	v15 =	vmul.f32 v15, v23;
	[tilespmem:s24+$0x0] =	vst v50;
	s24 =	sor.u32 s3, s16  }
0x31e: {  	v32 =	vshll.u32 v26, $0x10;
	v10 =	vmul.f32 v10, v23;
	(erf) = vpow2.f32 v2;
	[tilespmem:s24+$0x0] =	vst v52;
	s24 =	sor.u32 s3, s21  }
0x31f: {  	v42 =	vld [tilespmem:$0x1FF90];
	v59 =	vpop (erf);
	v49 =	vmul.f32 v32, v22;
	v32 =	vand.u32 $0xFFFF0000, v25;
	v25 =	vperm.xlane v40, v24;
	[tilespmem:s24+$0x0] =	vst v53;
	s24 =	sor.u32 s3, s17  }
0x320: {  	v7 =	vmul.f32 v59, v7;
	(erf) = vpow2.f32 v29;
	[tilespmem:s24+$0x0] =	vst v56;
	s24 =	sor.u32 s3, s22  }
0x321: {  	v51 =	vand.u32 $0xFFFF0000, v19;
	v19 =	vperm.xlane v37, v24;
	v13 =	vadd.f32 v49, v22;
	[tilespmem:s24+$0x0] =	vst v54;
	s24 =	sor.u32 s3, s6  }
0x322: {  	v2 =	vmul.f32 v51, v23;
	v49 =	vmul.f32 v32, v23;
	v52 =	vpop (erf);
	s3 =	sor.u32 s3, s12;
	[tilespmem:s24+$0x0] =	vst v3  }
0x323: {  	v13 =	vmul.f32 $1.442695020e+00, v13;
	v1 =	vmul.f32 v52, v1;
	v53 =	vpop (erf);
	s24 =	sor.u32 s26, s2;
	[tilespmem:s3+$0x0] =	vst v30  }
0x324: {  	v52 =	vand.u32 $0xFFFF0000, v26;
	v26 =	vperm.xlane v42, v24;
	v2 =	vmul.f32 v53, v2;
	v59 =	vpop (erf);
	[tilespmem:s24+$0x0] =	vst v31  }
0x325: {  	v43 =	vld [tilespmem:$0x1FFA0];
	v50 =	vshll.u32 v18, $0x10;
	v16 =	vmul.f32 v59, v16;
	v29 =	vpop (erf);
	(erf) = vpow2.f32 v13;
	[tilespmem:s24+$0x80] =	vst v11  }
0x326: {  	s14 =	sadd.s32 $0x20, s23;
	v54 =	vshll.u32 v25, $0x10;
	v3 =	vmul.f32 v29, v17;
	v17 =	vmul.f32 v52, v23;
	v30 =	vpop (erf);
	[tilespmem:s24+$0x100] =	vst v45  }
0x327: {  	v46 =	vld [tilespmem:$0x1FFD0];
	v53 =	vshll.u32 v19, $0x10;
	v59 =	vmul.f32 v54, v22;
	[tilespmem:s24+$0x180] =	vst v62;
	s24 =	sor.u32 $0x200, s14;
	v13 =	vmul.f32 v30, v15  }
0x328: {  	v44 =	vld [tilespmem:$0x1FFB0];
	s2 =	sor.u32 s1, s2;
	v62 =	vshll.u32 v26, $0x10;
	v31 =	vpop (erf);
	v15 =	vmul.f32 v50, v22;
	[tilespmem:s24+$0xE300] =	vst v20;
	v20 =	vmul.f32 v53, v22  }
0x329: {  	v48 =	vld [tilespmem:$0x1FFF0];
	[tilespmem:s2+$0x0] =	vst v7;
	s24 =	sor.u32 $0x280, s14;
	v29 =	vmul.f32 v62, v22;
	v32 =	vadd.f32 v59, v22;
	v10 =	vmul.f32 v31, v10  }
0x32a: {  	v51 =	vpop (erf);
	[tilespmem:s24+$0xE300] =	vst v63;
	s24 =	sor.u32 $0x300, s14;
	v31 =	vperm.xlane v43, v24;
	v15 =	vadd.f32 v15, v22;
	v20 =	vadd.f32 v20, v22  }
0x32b: {  	s14 =	sor.u32 $0x380, s14;
	v11 =	vmul.f32 v51, v49;
	[tilespmem:s24+$0xE300] =	vst v14;
	v50 =	vadd.f32 v29, v22;
	v14 =	vmul.f32 $1.442695020e+00, v32  }
0x32c: {  	v45 =	vld [tilespmem:$0x1FFC0];
	s24 =	sor.u32 s26, s0;
	[tilespmem:s14+$0xE300] =	vst v57;
	v56 =	vmul.f32 $1.442695020e+00, v15;
	v49 =	vmul.f32 $1.442695020e+00, v20  }
0x32d: {  	s14 =	sor.u32 s26, s7;
	[tilespmem:s24+$0x0] =	vst v0;
	v52 =	vmul.f32 $1.442695020e+00, v50;
	v15 =	vperm.xlane v46, v24  }
0x32e: {  	v47 =	vld [tilespmem:$0x1FFE0];
	s24 =	sor.u32 s26, s4;
	v20 =	vperm.xlane v48, v24;
	[tilespmem:s14+$0x0] =	vst v12;
	v12 =	vperm.xlane v44, v24;
	v63 =	vpop (erf)  }
0x32f: {  	v51 =	vshll.u32 v31, $0x10;
	s14 =	sor.u32 s26, s5;
	(erf) = vpow2.f32 v56;
	[tilespmem:s24+$0x0] =	vst v55;
	v0 =	vmul.f32 v63, v17  }
0x330: {  	s24 =	sor.u32 s26, s10;
	v62 =	vshll.u32 v15, $0x10;
	v17 =	vmul.f32 v51, v22;
	[tilespmem:s14+$0x0] =	vst v4;
	(erf) = vpow2.f32 v49  }
0x331: {  	s14 =	sor.u32 s26, s16;
	v4 =	vperm.xlane v45, v24;
	v54 =	vshll.u32 v12, $0x10;
	[tilespmem:s24+$0x0] =	vst v5;
	(erf) = vpow2.f32 v14  }
0x332: {  	s24 =	sor.u32 s26, s21;
	v56 =	vmul.f32 v54, v22;
	v14 =	vmul.f32 v62, v22;
	[tilespmem:s14+$0x0] =	vst v21  }
0x333: {  	v53 =	vadd.f32 v17, v22;
	s14 =	sor.u32 s26, s17;
	v57 =	vshll.u32 v4, $0x10;
	v17 =	vperm.xlane v47, v24;
	[tilespmem:s24+$0x0] =	vst v27  }
0x334: {  	(erf) = vpow2.f32 v52;
	s24 =	sor.u32 s26, s22;
	v59 =	vmul.f32 v57, v22;
	[tilespmem:s14+$0x0] =	vst v8  }
0x335: {  	v5 =	vmul.f32 $1.442695020e+00, v53;
	s14 =	sor.u32 s26, s6;
	v8 =	vadd.f32 v56, v22;
	v63 =	vshll.u32 v17, $0x10;
	[tilespmem:s24+$0x0] =	vst v9  }
0x336: {  	v24 =	vadd.f32 v59, v22;
	v27 =	vmul.f32 v63, v22;
	[tilespmem:s14+$0x0] =	vst v28;
	v28 =	vshll.u32 v20, $0x10  }
0x337: {  	[tilespmem:s2+$0x80] =	vst v1;
	v30 =	vadd.f32 v14, v22;
	v29 =	vmul.f32 $1.442695020e+00, v8;
	v32 =	vmul.f32 v28, v22  }
0x338: {  	[tilespmem:s2+$0x100] =	vst v2;
	(erf) = vpow2.f32 v5;
	v49 =	vmul.f32 $1.442695020e+00, v24;
	v50 =	vadd.f32 v27, v22  }
0x339: {  	[tilespmem:s2+$0x180] =	vst v16;
	s24 =	sor.u32 s26, s12;
	s26 =	sadd.s32 $0x30, s23;
	v52 =	vmul.f32 $1.442695020e+00, v30;
	(erf) = vpow2.f32 v29;
	v51 =	vadd.f32 v32, v22  }
0x33a: {  	s14 =	sor.u32 $0x200, s26;
	[tilespmem:s24+$0x0] =	vst v6;
	(erf) = vpow2.f32 v49;
	v53 =	vmul.f32 $1.442695020e+00, v50  }
0x33b: {  	v54 =	vand.u32 $0xFFFF0000, v18;
	s23 =	sor.u32 $0x280, s26;
	[tilespmem:s14+$0xE300] =	vst v3;
	(erf) = vpow2.f32 v52;
	v2 =	vmul.f32 $1.442695020e+00, v51  }
0x33c: {  	v57 =	vand.u32 $0xFFFF0000, v19;
	v56 =	vmul.f32 v54, v23;
	s24 =	sor.u32 $0x300, s26;
	[tilespmem:s23+$0xE300] =	vst v13;
	(erf) = vpow2.f32 v53  }
0x33d: {  	v62 =	vand.u32 $0xFFFF0000, v25;
	s26 =	sor.u32 $0x380, s26;
	v3 =	vmul.f32 v57, v23;
	v59 =	vpop (erf);
	[tilespmem:s24+$0xE300] =	vst v10;
	(erf) = vpow2.f32 v2  }
0x33e: {  	s0 =	sor.u32 s1, s0;
	v9 =	vmul.f32 v62, v23;
	v63 =	vpop (erf);
	v1 =	vmul.f32 v59, v56;
	v10 =	vand.u32 $0xFFFF0000, v26;
	[tilespmem:s26+$0xE300] =	vst v11  }
0x33f: {  	s3 =	sor.u32 s1, s7;
	v16 =	vand.u32 $0xFFFF0000, v31;
	v11 =	vpop (erf);
	v13 =	vmul.f32 v63, v3;
	v14 =	vmul.f32 v10, v23;
	[tilespmem:s0+$0x0] =	vst v0  }
0x340: {  	s4 =	sor.u32 s1, s4;
	v21 =	vand.u32 $0xFFFF0000, v12;
	v3 =	vmul.f32 v16, v23;
	v18 =	vpop (erf);
	v19 =	vmul.f32 v11, v9;
	[tilespmem:s3+$0x0] =	vst v1  }
0x341: {  	s7 =	sor.u32 s1, s5;
	v4 =	vand.u32 $0xFFFF0000, v4;
	v25 =	vmul.f32 v21, v23;
	v24 =	vmul.f32 v18, v14;
	[tilespmem:s4+$0x0] =	vst v13;
	v22 =	vpop (erf)  }
0x342: {  	s14 =	sor.u32 s1, s10;
	v28 =	vmul.f32 v4, v23;
	v29 =	vand.u32 $0xFFFF0000, v15;
	[tilespmem:s7+$0x0] =	vst v19;
	v27 =	vmul.f32 v22, v3;
	v26 =	vpop (erf)  }
0x343: {  	s15 =	sadd.s32 $0x4, s15;
	s16 =	sor.u32 s1, s16;
	v32 =	vmul.f32 v29, v23;
	v49 =	vand.u32 $0xFFFF0000, v17;
	[tilespmem:s14+$0x0] =	vst v24;
	v30 =	vpop (erf);
	v31 =	vmul.f32 v26, v25  }
0x344: {  	p1 =	slt.u32 s15, $0x6C;
	s21 =	sor.u32 s1, s21;
	v52 =	vmul.f32 v49, v23;
	v53 =	vand.u32 $0xFFFF0000, v20;
	[tilespmem:s16+$0x0] =	vst v27;
	v50 =	vpop (erf);
	v51 =	vmul.f32 v30, v28  }
.Ltmp1:
0x345: {  	s23 =	sor.u32 s1, s17;
	v57 =	vmul.f32 v53, v23;
	v54 =	vpop (erf);
	[tilespmem:s21+$0x0] =	vst v31;
	v56 =	vmul.f32 v50, v32;
	(pc) =	sbr.rel @p1 .LBB2_5-.Ltmp1, $4  }
0x346: {  	s24 =	sor.u32 s1, s22;
	[tilespmem:s23+$0x0] =	vst v51;
	v59 =	vmul.f32 v54, v52;
	v62 =	vpop (erf)  }
0x347: {  	s9 =	sadd.s32 $0x40, s9;
	s18 =	sadd.s32 $0x40, s18;
	s26 =	sor.u32 s1, s6;
	[tilespmem:s24+$0x0] =	vst v56;
	v63 =	vmul.f32 v62, v57  }
0x348: {  	s11 =	sadd.s32 $0x40, s11;
	s19 =	sadd.s32 $0x40, s19;
	s1 =	sor.u32 s1, s12;
	[tilespmem:s26+$0x0] =	vst v59  }
0x349: {  	s29 =	sadd.s32 $0x40, s29;
	p0 =	por !p0, !p0;
	s30 =	sadd.s32 $0x200, s30;
	v55 =	vld [tilespmem:$0x1FEE0];
	[tilespmem:s1+$0x0] =	vst v63  }
0x34a: {  	s13 =	sadd.s32 $0x1, s13  }
0x34b: {  	p0 =	sne.s32 s13, $0xE  }
.Ltmp2:
0x34c: {  	_ = 	snop;
	(pc) =	sbr.rel @p0 .LBB2_2-.Ltmp2, $4  }
0x34d: {  	s0 =	sshll.u32 s8, $0x7  }
0x34e: {  	s1 =	rddreg [dreg:$0x4];
	s30 =	simm.s32 $0x3800;
	s0 =	sand.u32 $0x1FFFFF80, s0  }
0x34f: {  	s2 =	simm.s32 $0xC35000;
	s3 =	simm.s32 $0xE300;
	s0 =	sadd.s32 s1, s0  }
0x350: {  	[hbm4b:s0+s30] =	stream.strided.scatter [tilespmem:s3], [sflag:$0x4], $0xA800, s2, s30, $0x38;
	[tilespmem:$0x18B00] =	vst v63  }
0x351: {  	s0 =	simm.s32 $0x3  }
0x352: {  	_ =	swait.ge [sflag:s0], $0xA800  }
0x353: {  	[sflag:s0] =	ssyncset.done $0x0  }
0x354: {  	s1 =	simm.s32 $0x4;
	[sflag:s0] =	ssyncadd.s32 $0xFFFF5800  }
0x355: {  	_ =	swait.ge [sflag:s1], $0xA800  }
0x356: {  	s2 =	rddreg [dreg:$0x12]  }
0x357: {  	s30 =	rddreg [dreg:$0x11];
	s2 =	sadd.s32 $0x1, s2  }
0x358: {  	p0 =	sne.s32 s2, s30  }
.Ltmp3:
0x359: {  	_ = 	snop;
	(pc) =	sbr.rel @p0 .LBB2_1-.Ltmp3, $3  }
0x35a: {  	_ =	sdelay $0x1  }
0x35b: {  	[sflag:s1] =	ssyncset.done $0x0  }
0x35c: {  	[sflag:s1] =	ssyncadd.s32 $0xFFFF5800  }
0x35d: {  	_ =	sfence.sel $0x180000  }
0x35e: {  	[bflag:$0x0] =	sbarrier.arrive $0xFFFF  }
0x35f: {  	_ =	strace $0x90000047  }
0x360: {  	s0 =	stileid.u32;
	[bflag:$0x2] =	sbarrier.arrive $0xFFFF  }
0x361: {  	p0 =	sne.s32 s0, $0x0;
	s0 =	rddreg [dreg:$0x5]  }
0x362: {  	s0 =	sadd.s32 @!p0 $0x100000, s0  }
0x363: {  	[sflag:s0] =	ssyncadd.tile.s32 @!p0 $0x1;
	_ =	shalt  }
.Lfunc_end2:
_tile_overlayer_lowered:
.L_overlay_start_2:
0x364: {  	(tag) =	ssettag $0x2  }
0x365: {  	s0 =	rddreg [dreg:$0x0];
	s2 =	stileid.u32  }
0x366: {  	s1 =	rddreg [dreg:$0x1];
	p0 =	sne.s32 s2, $0x0  }
0x367: {  	s3 =	rddreg [dreg:$0x2];
	[bflag:$0x3] =	sbarrier.arrive $0xFFFF;
	s2 =	simm.s32 @!p0 $0x1C05  }
0x368: {  	[timem:s3], [sflag:s2] =	dma.local @!p0 [hbm:s0], s1  }
0x369: {  	s0 =	simm.s32 @!p0 $0x5  }
0x36a: {  	_ =	swait.ge @!p0 [sflag:s0], s1  }
0x36b: {  	s1 =	ssub.s32 @!p0 $0x0, s1;
	[sflag:s0] =	ssyncset.done @!p0 $0x0  }
0x36c: {  	[sflag:s0] =	ssyncadd.s32 @!p0 s1  }
0x36d: {  	[bflag:$0x3] =	sbarrier.arrive $0xFFFF  }
0x36e: {  	_ =	shalt  }

</sc_bundles>
